<compile_context>
chip_gen: v7x
topology: tpu7x:2x2x1
jax: 0.10.2.dev20260603
libtpu: 0.0.44.dev20260713+nightly
codegen_flags: <defaults>
</compile_context>

<pallas_src>
import functools

import jax
import jax.numpy as jnp
from jax import lax
from jax.experimental import pallas as pl
from jax.experimental.pallas import tpu as pltpu
from jax.experimental.pallas import tpu_sc as plsc

D = 64
HALF = 32
N_PAD = 51200
CHUNK = 128
NS = 16
NC = 2
ZR = 128
BR = 512
IB = 16
NRING = 4


def _prep_body(tot_ref, dn_ref, do_ref, s3_ref):
    inv = 1.0 / (jnp.sqrt(dn_ref[...] + do_ref[...]) + 1e-9)
    scaled = inv * tot_ref[...]
    s3_ref[0] = scaled[:, :HALF]
    s3_ref[1] = scaled[:, HALF:]


def _post_body(cw_ref, p3_ref, tot_ref, old_ref, dn_ref, do_ref, out_ref):
    do = do_ref[...]
    inv = 1.0 / (jnp.sqrt(dn_ref[...] + do) + 1e-9)
    w10 = cw_ref[1, 0]
    w11 = cw_ref[1, 1]
    p = jnp.concatenate([p3_ref[0], p3_ref[1]], axis=1)
    last = (w10 * jnp.sqrt(do) * inv) * old_ref[...] + (w11 * inv) * p
    nrm = jnp.maximum(
        jnp.sqrt(jnp.sum(last * last, axis=-1, keepdims=True)), 1e-12)
    out_ref[...] = last / nrm + tot_ref[...]


def _sc_spmm(n_nodes, e_pad):
    e_per_tile = e_pad // NS
    n_chunks = e_per_tile // CHUNK
    nb = n_chunks // IB
    rows_per_tile = N_PAD // NS
    n_zr = rows_per_tile // ZR
    mesh = plsc.VectorSubcoreMesh(core_axis_name="c", subcore_axis_name="s")

    @functools.partial(
        pl.kernel,
        out_type=jax.ShapeDtypeStruct((NC, N_PAD, HALF), jnp.float32),
        mesh=mesh,
        compiler_params=pltpu.CompilerParams(use_tc_tiling_on_sc=False),
        scratch_types=[
            pltpu.VMEM((2, IB * CHUNK), jnp.int32),
            pltpu.VMEM((2, IB, CHUNK), jnp.int32),
            pltpu.VMEM((NRING, CHUNK, HALF), jnp.float32),
            pltpu.VMEM_SHARED((N_PAD, HALF), jnp.float32),
            pltpu.SemaphoreType.DMA,
            pltpu.SemaphoreType.DMA,
            pltpu.SemaphoreType.DMA,
        ],
    )
    def spmm(src_hbm, dst_hbm, s3_hbm, out_hbm,
             sibuf, dibuf, ring, acc, gsem, isem, ssem):
        c = lax.axis_index("c")
        s = lax.axis_index("s")
        s3c = s3_hbm.at[c]
        cbase = s * n_chunks
        ebase = s * e_per_tile

        def zrow(i, carry):
            z = jnp.zeros((16,), jnp.float32)
            ring[0, i, pl.ds(0, 16)] = z
            ring[0, i, pl.ds(16, 16)] = z
            return carry
        lax.fori_loop(0, CHUNK, zrow, 0)
        rbase = s * rows_per_tile

        def zcopy(i, carry):
            pltpu.sync_copy(ring.at[0], acc.at[pl.ds(rbase + i * ZR, ZR)])
            return carry
        lax.fori_loop(0, n_zr, zcopy, 0)
        plsc.subcore_barrier()

        ga = 2
        pltpu.sync_copy(src_hbm.at[pl.ds(ebase, IB * CHUNK)], sibuf.at[0])
        pltpu.sync_copy(dst_hbm.at[pl.ds(cbase, IB)], dibuf.at[0])
        sib0 = sibuf.at[0]
        for k in range(ga):
            pltpu.async_copy(
                s3c.at[sib0.at[pl.ds(k * CHUNK, CHUNK)]], ring.at[k], gsem)

        def block(b, carry):
            pb = lax.rem(b, 2)
            nxt_e = ebase + (b + 1) * IB * CHUNK
            nxt_c = cbase + (b + 1) * IB

            @pl.when(b < nb - 1)
            def _():
                pltpu.async_copy(
                    src_hbm.at[pl.ds(nxt_e, IB * CHUNK)], sibuf.at[1 - pb],
                    isem)
                pltpu.async_copy(
                    dst_hbm.at[pl.ds(nxt_c, IB)], dibuf.at[1 - pb], isem)

            sib = sibuf.at[pb]
            dib = dibuf.at[pb]
            sibn = sibuf.at[1 - pb]
            for k in range(IB):
                slot = k % NRING
                s2 = (k + ga) % NRING
                if k >= 2:
                    pltpu.make_async_copy(
                        ring.at[s2], acc.at[dib.at[k - 2]], ssem).wait()
                else:
                    @pl.when(b > 0)
                    def _():
                        pltpu.make_async_copy(
                            ring.at[s2], acc.at[dib.at[k]], ssem).wait()
                if k < IB - ga:
                    pltpu.async_copy(
                        s3c.at[sib.at[pl.ds((k + ga) * CHUNK, CHUNK)]],
                        ring.at[s2], gsem)
                else:
                    @pl.when(b < nb - 1)
                    def _():
                        if k == IB - ga:
                            pltpu.make_async_copy(
                                src_hbm.at[pl.ds(nxt_e, IB * CHUNK)],
                                sibuf.at[1 - pb], isem).wait()
                            pltpu.make_async_copy(
                                dst_hbm.at[pl.ds(nxt_c, IB)],
                                dibuf.at[1 - pb], isem).wait()
                        pltpu.async_copy(
                            s3c.at[sibn.at[
                                pl.ds((k - (IB - ga)) * CHUNK, CHUNK)]],
                            ring.at[s2], gsem)
                pltpu.make_async_copy(
                    s3c.at[sib.at[pl.ds(k * CHUNK, CHUNK)]], ring.at[slot],
                    gsem).wait()
                pltpu.async_copy(
                    ring.at[slot], acc.at[dib.at[k]], ssem, add=True)
            return carry
        lax.fori_loop(0, nb, block, 0)
        lk = (nb * IB - 2) % NRING
        pltpu.make_async_copy(
            ring.at[lk], acc.at[dibuf.at[0].at[0]], ssem).wait()
        pltpu.make_async_copy(
            ring.at[(lk + 1) % NRING], acc.at[dibuf.at[0].at[1]], ssem).wait()
        plsc.subcore_barrier()

        def wcopy(i, carry):
            r = rbase + i * ZR
            pltpu.sync_copy(acc.at[pl.ds(r, ZR)], ring.at[0])
            pltpu.sync_copy(ring.at[0], out_hbm.at[c].at[pl.ds(r, ZR)])
            return carry
        lax.fori_loop(0, n_zr, wcopy, 0)

    return spmm


def kernel(edge_index, now_user_degree, now_item_degree, old_user_degree,
           old_item_degree, old_emb0, old_emb1, user_table, item_table,
           conv_w):
    n = user_table.shape[0] + item_table.shape[0]
    e = edge_index.shape[1]
    e_pad = -(-e // (NS * CHUNK * IB)) * (NS * CHUNK * IB)

    total = jnp.concatenate([user_table, item_table], axis=0)
    deg_new = jnp.concatenate([now_user_degree, now_item_degree], axis=0)
    deg_old = jnp.concatenate([old_user_degree, old_item_degree], axis=0)
    ei = edge_index.astype(jnp.int32)
    pad_e = e_pad - e
    src = jnp.concatenate([ei[1], jnp.zeros((pad_e,), jnp.int32)])
    dst = jnp.concatenate(
        [ei[0], jnp.full((pad_e,), N_PAD - 1, jnp.int32)]).reshape(-1, CHUNK)

    ngrid = (-(-n // BR),)
    row_spec = pl.BlockSpec((BR, D), lambda i: (i, 0))
    col_spec = pl.BlockSpec((BR, 1), lambda i: (i, 0))
    s3_spec = pl.BlockSpec((NC, BR, HALF), lambda i: (0, i, 0))
    cw_spec = pl.BlockSpec(memory_space=pltpu.SMEM)

    scaled3 = pl.pallas_call(
        _prep_body,
        grid=ngrid,
        in_specs=[row_spec, col_spec, col_spec],
        out_specs=s3_spec,
        out_shape=jax.ShapeDtypeStruct((NC, n, HALF), jnp.float32),
    )(total, deg_new, deg_old)

    p3 = _sc_spmm(n, e_pad)(src, dst, scaled3)

    out = pl.pallas_call(
        _post_body,
        grid=ngrid,
        in_specs=[cw_spec, s3_spec, row_spec, row_spec, col_spec, col_spec],
        out_specs=row_spec,
        out_shape=jax.ShapeDtypeStruct((n, D), jnp.float32),
    )(conv_w, p3, total, old_emb1, deg_new, deg_old)

    return out

# --- scband reference (transcript-rebuilt; emitter-appended) ---
"""Pipeline reference for scband-bigcn-mtl-51539607552642 (READ-ONLY COPY).

The authoritative reference and input builder live on the scoring server;
editing this copy changes nothing except your own understanding.
"""

import jax, jax.numpy as jnp
import numpy as np

N_USERS = 25000
N_ITEMS = 25000
D = 64
L = 2
E = 800000
N = N_USERS + N_ITEMS + 2


def setup_inputs(seed: int = 0) -> dict:
    key = jax.random.key(seed)
    ks = jax.random.split(key, 10)
    edge_index = jax.random.randint(ks[0], (2, E), 0, N, dtype=jnp.int64)
    now_user_degree = jax.random.uniform(ks[1], (N_USERS + 1, 1), dtype=jnp.float32)
    now_item_degree = jax.random.uniform(ks[2], (N_ITEMS + 1, 1), dtype=jnp.float32)
    old_user_degree = jax.random.uniform(ks[3], (N_USERS + 1, 1), dtype=jnp.float32)
    old_item_degree = jax.random.uniform(ks[4], (N_ITEMS + 1, 1), dtype=jnp.float32)
    old_emb0 = jax.random.normal(ks[5], (N, D), dtype=jnp.float32)
    old_emb1 = jax.random.normal(ks[6], (N, D), dtype=jnp.float32)
    user_table = jax.random.normal(ks[7], (N_USERS + 1, D), dtype=jnp.float32) * 0.1
    item_table = jax.random.normal(ks[8], (N_ITEMS + 1, D), dtype=jnp.float32) * 0.1
    conv_w = jax.random.normal(ks[9], (L, 2), dtype=jnp.float32)
    return {
        "edge_index": edge_index,
        "now_user_degree": now_user_degree,
        "now_item_degree": now_item_degree,
        "old_user_degree": old_user_degree,
        "old_item_degree": old_item_degree,
        "old_emb0": old_emb0,
        "old_emb1": old_emb1,
        "user_table": user_table,
        "item_table": item_table,
        "conv_w": conv_w,
    }


def reference(edge_index, now_user_degree, now_item_degree, old_user_degree,
              old_item_degree, old_emb0, old_emb1, user_table, item_table, conv_w):
    # gcn_propagate for a single behavior, eval mode (dropout p=0)
    total = jnp.concatenate([user_table, item_table], axis=0)  # [N, D]
    deg_new = jnp.concatenate([now_user_degree, now_item_degree], axis=0)  # [N,1]
    deg_old = jnp.concatenate([old_user_degree, old_item_degree], axis=0)  # [N,1]
    # denominator_forward
    x_den = deg_old + deg_new
    molecular = jnp.ones_like(x_den)
    den = jnp.power(x_den, 0.5)
    norm_degree = (molecular / (den + 1e-9)).flatten()  # [N]
    dst = edge_index[0]
    src = edge_index[1]
    all_emb = total
    embs = [total]
    allembs = [total]
    for layer in range(L):
        all_emb = norm_degree[:, None] * all_emb
        # torch.sparse.mm(graph, all_emb): out[dst] += all_emb[src]
        all_emb = jax.ops.segment_sum(all_emb[src], dst, num_segments=N)
        all_emb = norm_degree[:, None] * all_emb
        embs.append(all_emb)
        allembs.append(all_emb)
    stacked = jnp.stack(embs, axis=1)
    light_out = jnp.mean(stacked, axis=1)  # computed in original, unused downstream
    # transfer path
    old_scale = molecular * jnp.power(deg_old, 0.5)
    new_scale = den
    rscale = old_scale / (new_scale + 1e-9)  # [N,1]
    old_embs_l = [old_emb0, old_emb1]
    new_list = [total]
    for layer in range(L):
        t_layer = old_embs_l[layer] * rscale
        # Conv2d(1,1,(2,1)) over stacked (old,new): w0*old + w1*new per feature column
        new = conv_w[layer, 0] * t_layer + conv_w[layer, 1] * allembs[layer]
        new_list.append(new)
    last = new_list[-1]
    nrm = jnp.maximum(jnp.linalg.norm(last, axis=-1, keepdims=True), 1e-12)
    layer_embeddings = last / nrm
    total = layer_embeddings + total
    return total

if __name__ == "__main__":
    import jax
    _d = setup_inputs()
    print(jax.jit(kernel)(*tuple(_d.values())))

</pallas_src>

<mosaic_0001>
#map = affine_map<(d0, d1) -> (0)>
#map1 = affine_map<(d0, d1) -> (0, 0)>
#map2 = affine_map<(d0, d1) -> (0, 0, 0)>
module attributes {stable_mosaic.version = 14 : i64} {
  func.func @spmm(%arg0: i32, %arg1: i32, %arg2: memref<819200xi32, #tpu.memory_space<hbm>>, %arg3: memref<6400x128xi32, #tpu.memory_space<hbm>>, %arg4: memref<2x50002x32xf32, #tpu.memory_space<hbm>>, %arg5: memref<2x51200x32xf32, #tpu.memory_space<hbm>>, %arg6: memref<2x2048xi32, #tpu.memory_space<vmem>>, %arg7: memref<2x16x128xi32, #tpu.memory_space<vmem>>, %arg8: memref<4x128x32xf32, #tpu.memory_space<vmem>>, %arg9: memref<51200x32xf32, #tpu.memory_space<vmem_shared>>, %arg10: memref<!tpu.dma_semaphore, #tpu.memory_space<semaphore_mem>>, %arg11: memref<!tpu.dma_semaphore, #tpu.memory_space<semaphore_mem>>, %arg12: memref<!tpu.dma_semaphore, #tpu.memory_space<semaphore_mem>>) attributes {dimension_semantics = [#tpu.dimension_semantics<core_parallel>, #tpu.dimension_semantics<subcore_parallel>], iteration_bounds = array<i64: 2, 16>, scalar_prefetch = 0 : i64, scratch_operands = 7 : i64, tpu.core_type = #tpu.core_type<sc_vector_subcore>, window_params = [{transform_indices = #map}, {transform_indices = #map1}, {transform_indices = #map2}, {transform_indices = #map2}]} {
    %mul3A = arith.constant 400 : i32
    %mul3A_0 = arith.muli %arg1, %mul3A : i32
    %mul3A_1 = arith.constant 51200 : i32
    %mul3A_2 = arith.muli %arg1, %mul3A_1 : i32
    %scan3A = arith.constant 0 : i32
    %scan3A_3 = arith.constant 0 : i32
    %scan3A_4 = arith.constant 128 : i32
    %scan3A_5 = arith.addi %scan3A_3, %scan3A_4 : i32
    %scan3A_6 = arith.constant 1 : i32
    scf.for %scan3A_98 = %scan3A_3 to %scan3A_5 step %scan3A_6  : i32 {
      %broadcast_in_dim3A = arith.constant 0.000000e+00 : f32
      %broadcast_in_dim3A_99 = vector.broadcast %broadcast_in_dim3A : f32 to vector<16xf32>
      %swap3A = arith.constant 0 : i32
      %swap3A_100 = arith.index_cast %swap3A : i32 to index
      %swap3A_101 = arith.index_cast %scan3A_98 : i32 to index
      %swap3A_102 = arith.constant 0 : index
      %swap3A_103 = tpu.vector_load %arg8[%swap3A_100, %swap3A_101, %swap3A_102] {strides = array<i32>} : memref<4x128x32xf32, #tpu.memory_space<vmem>>, vector<1x1x16xf32>,
      %swap3A_104 = vector.shape_cast %swap3A_103 : vector<1x1x16xf32> to vector<16xf32>
      %swap3A_105 = vector.shape_cast %broadcast_in_dim3A_99 : vector<16xf32> to vector<1x1x16xf32>
      tpu.vector_store %arg8[%swap3A_100, %swap3A_101, %swap3A_102], %swap3A_105 {strides = array<i32>} : memref<4x128x32xf32, #tpu.memory_space<vmem>>, vector<1x1x16xf32>,
      %swap3A_106 = arith.constant 0 : i32
      %swap3A_107 = arith.index_cast %swap3A_106 : i32 to index
      %swap3A_108 = arith.index_cast %scan3A_98 : i32 to index
      %swap3A_109 = arith.constant 16 : index
      %swap3A_110 = tpu.vector_load %arg8[%swap3A_107, %swap3A_108, %swap3A_109] {strides = array<i32>} : memref<4x128x32xf32, #tpu.memory_space<vmem>>, vector<1x1x16xf32>,
      %swap3A_111 = vector.shape_cast %swap3A_110 : vector<1x1x16xf32> to vector<16xf32>
      %swap3A_112 = vector.shape_cast %broadcast_in_dim3A_99 : vector<16xf32> to vector<1x1x16xf32>
      tpu.vector_store %arg8[%swap3A_107, %swap3A_108, %swap3A_109], %swap3A_112 {strides = array<i32>} : memref<4x128x32xf32, #tpu.memory_space<vmem>>, vector<1x1x16xf32>,
    }
    %scan3A_7 = arith.constant 128 : i32
    %mul3A_8 = arith.constant 3200 : i32
    %mul3A_9 = arith.muli %arg1, %mul3A_8 : i32
    %scan3A_10 = arith.constant 0 : i32
    %scan3A_11 = arith.constant 0 : i32
    %scan3A_12 = arith.constant 25 : i32
    %scan3A_13 = arith.addi %scan3A_11, %scan3A_12 : i32
    %scan3A_14 = arith.constant 1 : i32
    scf.for %scan3A_98 = %scan3A_11 to %scan3A_13 step %scan3A_14  : i32 {
      %mul3A_99 = arith.constant 128 : i32
      %mul3A_100 = arith.muli %scan3A_98, %mul3A_99 : i32
      %add3A = arith.addi %mul3A_9, %mul3A_100 : i32
      %run_scoped3A_101 = arith.constant 0 : i32
      "tpu.region"() ({
        %run_scoped3A_102 = tpu.sem_alloc : memref<!tpu.dma_semaphore, #tpu.memory_space<semaphore_mem>>
        %dma_start3A_103 = arith.constant 0 : i32
        %dma_start3A_104 = arith.constant 0 : i32
        %dma_start3A_105 = tpu.memref_slice %arg8[%run_scoped3A_101, %dma_start3A_103, %dma_start3A_104] : memref<4x128x32xf32, #tpu.memory_space<vmem>> -> memref<1x128x32xf32, #tpu.memory_space<vmem>>
        %dma_start3A_106 = tpu.memref_squeeze %dma_start3A_105 : memref<1x128x32xf32, #tpu.memory_space<vmem>> -> memref<128x32xf32, #tpu.memory_space<vmem>>
        %dma_start3A_107 = arith.constant 0 : i32
        %dma_start3A_108 = tpu.memref_slice %arg9[%add3A, %dma_start3A_107] : memref<51200x32xf32, #tpu.memory_space<vmem_shared>> -> memref<128x32xf32, #tpu.memory_space<vmem_shared>>
        %dma_start3A_109 = arith.constant 0 : i32
        %dma_start3A_110 = tpu.memref_slice %arg9[%add3A, %dma_start3A_109] : memref<51200x32xf32, #tpu.memory_space<vmem_shared>> -> memref<128x32xf32, #tpu.memory_space<vmem_shared>>
        %dma_start3A_111 = arith.constant 0 : i32
        %dma_start3A_112 = arith.constant 0 : i32
        %dma_start3A_113 = tpu.memref_slice %arg8[%run_scoped3A_101, %dma_start3A_111, %dma_start3A_112] : memref<4x128x32xf32, #tpu.memory_space<vmem>> -> memref<1x128x32xf32, #tpu.memory_space<vmem>>
        %dma_start3A_114 = tpu.memref_squeeze %dma_start3A_113 : memref<1x128x32xf32, #tpu.memory_space<vmem>> -> memref<128x32xf32, #tpu.memory_space<vmem>>
        tpu.enqueue_dma source(%dma_start3A_114 : memref<128x32xf32, #tpu.memory_space<vmem>>) target(%dma_start3A_110 : memref<128x32xf32, #tpu.memory_space<vmem_shared>>) target_semaphore(%run_scoped3A_102 : memref<!tpu.dma_semaphore, #tpu.memory_space<semaphore_mem>>)
        %dma_wait3A_115 = arith.constant 0 : i32
        %dma_wait3A_116 = arith.constant 0 : i32
        %dma_wait3A_117 = tpu.memref_slice %arg8[%run_scoped3A_101, %dma_wait3A_115, %dma_wait3A_116] : memref<4x128x32xf32, #tpu.memory_space<vmem>> -> memref<1x128x32xf32, #tpu.memory_space<vmem>>
        %dma_wait3A_118 = tpu.memref_squeeze %dma_wait3A_117 : memref<1x128x32xf32, #tpu.memory_space<vmem>> -> memref<128x32xf32, #tpu.memory_space<vmem>>
        %dma_wait3A_119 = arith.constant 0 : i32
        %dma_wait3A_120 = tpu.memref_slice %arg9[%add3A, %dma_wait3A_119] : memref<51200x32xf32, #tpu.memory_space<vmem_shared>> -> memref<128x32xf32, #tpu.memory_space<vmem_shared>>
        %dma_wait3A_121 = arith.constant 0 : i32
        %dma_wait3A_122 = tpu.memref_slice %arg9[%add3A, %dma_wait3A_121] : memref<51200x32xf32, #tpu.memory_space<vmem_shared>> -> memref<128x32xf32, #tpu.memory_space<vmem_shared>>
        %dma_wait3A_123 = arith.constant 0 : i32
        %dma_wait3A_124 = arith.constant 0 : i32
        %dma_wait3A_125 = tpu.memref_slice %arg8[%run_scoped3A_101, %dma_wait3A_123, %dma_wait3A_124] : memref<4x128x32xf32, #tpu.memory_space<vmem>> -> memref<1x128x32xf32, #tpu.memory_space<vmem>>
        %dma_wait3A_126 = tpu.memref_squeeze %dma_wait3A_125 : memref<1x128x32xf32, #tpu.memory_space<vmem>> -> memref<128x32xf32, #tpu.memory_space<vmem>>
        tpu.wait_dma2 semaphore(%run_scoped3A_102 : memref<!tpu.dma_semaphore, #tpu.memory_space<semaphore_mem>>) src(%dma_wait3A_126 : memref<128x32xf32, #tpu.memory_space<vmem>>) dst(%dma_wait3A_122 : memref<128x32xf32, #tpu.memory_space<vmem_shared>>)
        tpu.yield
      }) : () -> ()
    }
    %scan3A_15 = arith.constant 25 : i32
    %barrier3A = arith.constant 0 : index
    tpu.barrier barrier_id(%barrier3A)
    %run_scoped3A = arith.constant 0 : i32
    "tpu.region"() ({
      %run_scoped3A_98 = tpu.sem_alloc : memref<!tpu.dma_semaphore, #tpu.memory_space<semaphore_mem>>
      %dma_start3A_99 = arith.constant 0 : i32
      %dma_start3A_100 = tpu.memref_slice %arg6[%run_scoped3A, %dma_start3A_99] : memref<2x2048xi32, #tpu.memory_space<vmem>> -> memref<1x2048xi32, #tpu.memory_space<vmem>>
      %dma_start3A_101 = tpu.memref_squeeze %dma_start3A_100 : memref<1x2048xi32, #tpu.memory_space<vmem>> -> memref<2048xi32, #tpu.memory_space<vmem>>
      %dma_start3A_102 = tpu.memref_slice %arg2[%mul3A_2] : memref<819200xi32, #tpu.memory_space<hbm>> -> memref<2048xi32, #tpu.memory_space<hbm>>
      %dma_start3A_103 = arith.constant 0 : i32
      %dma_start3A_104 = tpu.memref_slice %arg6[%run_scoped3A, %dma_start3A_103] : memref<2x2048xi32, #tpu.memory_space<vmem>> -> memref<1x2048xi32, #tpu.memory_space<vmem>>
      %dma_start3A_105 = tpu.memref_squeeze %dma_start3A_104 : memref<1x2048xi32, #tpu.memory_space<vmem>> -> memref<2048xi32, #tpu.memory_space<vmem>>
      %dma_start3A_106 = tpu.memref_slice %arg2[%mul3A_2] : memref<819200xi32, #tpu.memory_space<hbm>> -> memref<2048xi32, #tpu.memory_space<hbm>>
      tpu.enqueue_dma source(%dma_start3A_106 : memref<2048xi32, #tpu.memory_space<hbm>>) target(%dma_start3A_105 : memref<2048xi32, #tpu.memory_space<vmem>>) target_semaphore(%run_scoped3A_98 : memref<!tpu.dma_semaphore, #tpu.memory_space<semaphore_mem>>)
      %dma_wait3A_107 = arith.constant 0 : i32
      %dma_wait3A_108 = tpu.memref_slice %arg6[%run_scoped3A, %dma_wait3A_107] : memref<2x2048xi32, #tpu.memory_space<vmem>> -> memref<1x2048xi32, #tpu.memory_space<vmem>>
      %dma_wait3A_109 = tpu.memref_squeeze %dma_wait3A_108 : memref<1x2048xi32, #tpu.memory_space<vmem>> -> memref<2048xi32, #tpu.memory_space<vmem>>
      %dma_wait3A_110 = tpu.memref_slice %arg2[%mul3A_2] : memref<819200xi32, #tpu.memory_space<hbm>> -> memref<2048xi32, #tpu.memory_space<hbm>>
      %dma_wait3A_111 = arith.constant 0 : i32
      %dma_wait3A_112 = tpu.memref_slice %arg6[%run_scoped3A, %dma_wait3A_111] : memref<2x2048xi32, #tpu.memory_space<vmem>> -> memref<1x2048xi32, #tpu.memory_space<vmem>>
      %dma_wait3A_113 = tpu.memref_squeeze %dma_wait3A_112 : memref<1x2048xi32, #tpu.memory_space<vmem>> -> memref<2048xi32, #tpu.memory_space<vmem>>
      %dma_wait3A_114 = tpu.memref_slice %arg2[%mul3A_2] : memref<819200xi32, #tpu.memory_space<hbm>> -> memref<2048xi32, #tpu.memory_space<hbm>>
      tpu.wait_dma2 semaphore(%run_scoped3A_98 : memref<!tpu.dma_semaphore, #tpu.memory_space<semaphore_mem>>) src(%dma_wait3A_114 : memref<2048xi32, #tpu.memory_space<hbm>>) dst(%dma_wait3A_113 : memref<2048xi32, #tpu.memory_space<vmem>>)
      tpu.yield
    }) : () -> ()
    %run_scoped3A_16 = arith.constant 0 : i32
    "tpu.region"() ({
      %run_scoped3A_98 = tpu.sem_alloc : memref<!tpu.dma_semaphore, #tpu.memory_space<semaphore_mem>>
      %dma_start3A_99 = arith.constant 0 : i32
      %dma_start3A_100 = arith.constant 0 : i32
      %dma_start3A_101 = tpu.memref_slice %arg7[%run_scoped3A_16, %dma_start3A_99, %dma_start3A_100] : memref<2x16x128xi32, #tpu.memory_space<vmem>> -> memref<1x16x128xi32, #tpu.memory_space<vmem>>
      %dma_start3A_102 = tpu.memref_squeeze %dma_start3A_101 : memref<1x16x128xi32, #tpu.memory_space<vmem>> -> memref<16x128xi32, #tpu.memory_space<vmem>>
      %dma_start3A_103 = arith.constant 0 : i32
      %dma_start3A_104 = tpu.memref_slice %arg3[%mul3A_0, %dma_start3A_103] : memref<6400x128xi32, #tpu.memory_space<hbm>> -> memref<16x128xi32, #tpu.memory_space<hbm>>
      %dma_start3A_105 = arith.constant 0 : i32
      %dma_start3A_106 = arith.constant 0 : i32
      %dma_start3A_107 = tpu.memref_slice %arg7[%run_scoped3A_16, %dma_start3A_105, %dma_start3A_106] : memref<2x16x128xi32, #tpu.memory_space<vmem>> -> memref<1x16x128xi32, #tpu.memory_space<vmem>>
      %dma_start3A_108 = tpu.memref_squeeze %dma_start3A_107 : memref<1x16x128xi32, #tpu.memory_space<vmem>> -> memref<16x128xi32, #tpu.memory_space<vmem>>
      %dma_start3A_109 = arith.constant 0 : i32
      %dma_start3A_110 = tpu.memref_slice %arg3[%mul3A_0, %dma_start3A_109] : memref<6400x128xi32, #tpu.memory_space<hbm>> -> memref<16x128xi32, #tpu.memory_space<hbm>>
      tpu.enqueue_dma source(%dma_start3A_110 : memref<16x128xi32, #tpu.memory_space<hbm>>) target(%dma_start3A_108 : memref<16x128xi32, #tpu.memory_space<vmem>>) target_semaphore(%run_scoped3A_98 : memref<!tpu.dma_semaphore, #tpu.memory_space<semaphore_mem>>)
      %dma_wait3A_111 = arith.constant 0 : i32
      %dma_wait3A_112 = arith.constant 0 : i32
      %dma_wait3A_113 = tpu.memref_slice %arg7[%run_scoped3A_16, %dma_wait3A_111, %dma_wait3A_112] : memref<2x16x128xi32, #tpu.memory_space<vmem>> -> memref<1x16x128xi32, #tpu.memory_space<vmem>>
      %dma_wait3A_114 = tpu.memref_squeeze %dma_wait3A_113 : memref<1x16x128xi32, #tpu.memory_space<vmem>> -> memref<16x128xi32, #tpu.memory_space<vmem>>
      %dma_wait3A_115 = arith.constant 0 : i32
      %dma_wait3A_116 = tpu.memref_slice %arg3[%mul3A_0, %dma_wait3A_115] : memref<6400x128xi32, #tpu.memory_space<hbm>> -> memref<16x128xi32, #tpu.memory_space<hbm>>
      %dma_wait3A_117 = arith.constant 0 : i32
      %dma_wait3A_118 = arith.constant 0 : i32
      %dma_wait3A_119 = tpu.memref_slice %arg7[%run_scoped3A_16, %dma_wait3A_117, %dma_wait3A_118] : memref<2x16x128xi32, #tpu.memory_space<vmem>> -> memref<1x16x128xi32, #tpu.memory_space<vmem>>
      %dma_wait3A_120 = tpu.memref_squeeze %dma_wait3A_119 : memref<1x16x128xi32, #tpu.memory_space<vmem>> -> memref<16x128xi32, #tpu.memory_space<vmem>>
      %dma_wait3A_121 = arith.constant 0 : i32
      %dma_wait3A_122 = tpu.memref_slice %arg3[%mul3A_0, %dma_wait3A_121] : memref<6400x128xi32, #tpu.memory_space<hbm>> -> memref<16x128xi32, #tpu.memory_space<hbm>>
      tpu.wait_dma2 semaphore(%run_scoped3A_98 : memref<!tpu.dma_semaphore, #tpu.memory_space<semaphore_mem>>) src(%dma_wait3A_122 : memref<16x128xi32, #tpu.memory_space<hbm>>) dst(%dma_wait3A_120 : memref<16x128xi32, #tpu.memory_space<vmem>>)
      tpu.yield
    }) : () -> ()
    %dma_start3A = arith.constant 0 : i32
    %dma_start3A_17 = arith.constant 0 : i32
    %dma_start3A_18 = arith.constant 0 : i32
    %dma_start3A_19 = arith.constant 0 : i32
    %dma_start3A_20 = tpu.memref_slice %arg8[%dma_start3A_17, %dma_start3A_18, %dma_start3A_19] : memref<4x128x32xf32, #tpu.memory_space<vmem>> -> memref<1x128x32xf32, #tpu.memory_space<vmem>>
    %dma_start3A_21 = tpu.memref_squeeze %dma_start3A_20 : memref<1x128x32xf32, #tpu.memory_space<vmem>> -> memref<128x32xf32, #tpu.memory_space<vmem>>
    %dma_start3A_22 = arith.constant 0 : i32
    %dma_start3A_23 = tpu.memref_slice %arg6[%dma_start3A, %dma_start3A_22] : memref<2x2048xi32, #tpu.memory_space<vmem>> -> memref<1x2048xi32, #tpu.memory_space<vmem>>
    %dma_start3A_24 = tpu.memref_squeeze %dma_start3A_23 : memref<1x2048xi32, #tpu.memory_space<vmem>> -> memref<2048xi32, #tpu.memory_space<vmem>>
    %dma_start3A_25 = arith.constant 0 : i32
    %dma_start3A_26 = tpu.memref_slice %dma_start3A_24[%dma_start3A_25] : memref<2048xi32, #tpu.memory_space<vmem>> -> memref<128xi32, #tpu.memory_space<vmem>>
    %dma_start3A_27 = arith.constant 0 : i32
    %dma_start3A_28 = arith.constant 0 : i32
    %dma_start3A_29 = tpu.memref_slice %arg4[%arg0, %dma_start3A_27, %dma_start3A_28] : memref<2x50002x32xf32, #tpu.memory_space<hbm>> -> memref<1x50002x32xf32, #tpu.memory_space<hbm>>
    %dma_start3A_30 = tpu.memref_squeeze %dma_start3A_29 : memref<1x50002x32xf32, #tpu.memory_space<hbm>> -> memref<50002x32xf32, #tpu.memory_space<hbm>>
    %dma_start3A_31 = arith.constant 0 : i32
    %dma_start3A_32 = arith.constant 0 : i32
    %dma_start3A_33 = tpu.memref_slice %dma_start3A_30[%dma_start3A_31, %dma_start3A_32] : memref<50002x32xf32, #tpu.memory_space<hbm>> -> memref<50002x32xf32, #tpu.memory_space<hbm>>
    tpu.enqueue_indirect_dma source(%dma_start3A_33 : memref<50002x32xf32, #tpu.memory_space<hbm>>) target(%dma_start3A_21 : memref<128x32xf32, #tpu.memory_space<vmem>>) offsets(%dma_start3A_26 : memref<128xi32, #tpu.memory_space<vmem>>) semaphore(%arg10 : memref<!tpu.dma_semaphore, #tpu.memory_space<semaphore_mem>>)
    %dma_start3A_34 = arith.constant 0 : i32
    %dma_start3A_35 = arith.constant 1 : i32
    %dma_start3A_36 = arith.constant 0 : i32
    %dma_start3A_37 = arith.constant 0 : i32
    %dma_start3A_38 = tpu.memref_slice %arg8[%dma_start3A_35, %dma_start3A_36, %dma_start3A_37] : memref<4x128x32xf32, #tpu.memory_space<vmem>> -> memref<1x128x32xf32, #tpu.memory_space<vmem>>
    %dma_start3A_39 = tpu.memref_squeeze %dma_start3A_38 : memref<1x128x32xf32, #tpu.memory_space<vmem>> -> memref<128x32xf32, #tpu.memory_space<vmem>>
    %dma_start3A_40 = arith.constant 0 : i32
    %dma_start3A_41 = tpu.memref_slice %arg6[%dma_start3A_34, %dma_start3A_40] : memref<2x2048xi32, #tpu.memory_space<vmem>> -> memref<1x2048xi32, #tpu.memory_space<vmem>>
    %dma_start3A_42 = tpu.memref_squeeze %dma_start3A_41 : memref<1x2048xi32, #tpu.memory_space<vmem>> -> memref<2048xi32, #tpu.memory_space<vmem>>
    %dma_start3A_43 = arith.constant 128 : i32
    %dma_start3A_44 = tpu.memref_slice %dma_start3A_42[%dma_start3A_43] : memref<2048xi32, #tpu.memory_space<vmem>> -> memref<128xi32, #tpu.memory_space<vmem>>
    %dma_start3A_45 = arith.constant 0 : i32
    %dma_start3A_46 = arith.constant 0 : i32
    %dma_start3A_47 = tpu.memref_slice %arg4[%arg0, %dma_start3A_45, %dma_start3A_46] : memref<2x50002x32xf32, #tpu.memory_space<hbm>> -> memref<1x50002x32xf32, #tpu.memory_space<hbm>>
    %dma_start3A_48 = tpu.memref_squeeze %dma_start3A_47 : memref<1x50002x32xf32, #tpu.memory_space<hbm>> -> memref<50002x32xf32, #tpu.memory_space<hbm>>
    %dma_start3A_49 = arith.constant 0 : i32
    %dma_start3A_50 = arith.constant 0 : i32
    %dma_start3A_51 = tpu.memref_slice %dma_start3A_48[%dma_start3A_49, %dma_start3A_50] : memref<50002x32xf32, #tpu.memory_space<hbm>> -> memref<50002x32xf32, #tpu.memory_space<hbm>>
    tpu.enqueue_indirect_dma source(%dma_start3A_51 : memref<50002x32xf32, #tpu.memory_space<hbm>>) target(%dma_start3A_39 : memref<128x32xf32, #tpu.memory_space<vmem>>) offsets(%dma_start3A_44 : memref<128xi32, #tpu.memory_space<vmem>>) semaphore(%arg10 : memref<!tpu.dma_semaphore, #tpu.memory_space<semaphore_mem>>)
    %scan3A_52 = arith.constant 0 : i32
    %scan3A_53 = arith.constant 0 : i32
    %scan3A_54 = arith.constant 25 : i32
    %scan3A_55 = arith.addi %scan3A_53, %scan3A_54 : i32
    %scan3A_56 = arith.constant 1 : i32
    scf.for %scan3A_98 = %scan3A_53 to %scan3A_55 step %scan3A_56  : i32 {
      %rem3A = arith.constant 2 : i32
      %rem3A_99 = arith.remsi %scan3A_98, %rem3A : i32
      %add3A = arith.constant 1 : i32
      %add3A_100 = arith.addi %scan3A_98, %add3A : i32
      %mul3A_101 = arith.constant 16 : i32
      %mul3A_102 = arith.muli %add3A_100, %mul3A_101 : i32
      %mul3A_103 = arith.constant 128 : i32
      %mul3A_104 = arith.muli %mul3A_102, %mul3A_103 : i32
      %add3A_105 = arith.addi %mul3A_2, %mul3A_104 : i32
      %add3A_106 = arith.constant 1 : i32
      %add3A_107 = arith.addi %scan3A_98, %add3A_106 : i32
      %mul3A_108 = arith.constant 16 : i32
      %mul3A_109 = arith.muli %add3A_107, %mul3A_108 : i32
      %add3A_110 = arith.addi %mul3A_0, %mul3A_109 : i32
      %lt3A = arith.constant 24 : i32
      %lt3A_111 = arith.cmpi slt, %scan3A_98, %lt3A : i32
      %convert_element_type3A = arith.extui %lt3A_111 : i1 to i32
      %cond3A = arith.constant 0 : i32
      %cond3A_112 = arith.cmpi ne, %convert_element_type3A, %cond3A : i32
      scf.if %cond3A_112 {
        %sub3A_1123 = arith.constant 1 : i32
        %sub3A_1124 = arith.subi %sub3A_1123, %rem3A_99 : i32
        %dma_start3A_1125 = arith.constant 0 : i32
        %dma_start3A_1126 = tpu.memref_slice %arg6[%sub3A_1124, %dma_start3A_1125] : memref<2x2048xi32, #tpu.memory_space<vmem>> -> memref<1x2048xi32, #tpu.memory_space<vmem>>
        %dma_start3A_1127 = tpu.memref_squeeze %dma_start3A_1126 : memref<1x2048xi32, #tpu.memory_space<vmem>> -> memref<2048xi32, #tpu.memory_space<vmem>>
        %dma_start3A_1128 = tpu.memref_slice %arg2[%add3A_105] : memref<819200xi32, #tpu.memory_space<hbm>> -> memref<2048xi32, #tpu.memory_space<hbm>>
        %dma_start3A_1129 = arith.constant 0 : i32
        %dma_start3A_1130 = tpu.memref_slice %arg6[%sub3A_1124, %dma_start3A_1129] : memref<2x2048xi32, #tpu.memory_space<vmem>> -> memref<1x2048xi32, #tpu.memory_space<vmem>>
        %dma_start3A_1131 = tpu.memref_squeeze %dma_start3A_1130 : memref<1x2048xi32, #tpu.memory_space<vmem>> -> memref<2048xi32, #tpu.memory_space<vmem>>
        %dma_start3A_1132 = tpu.memref_slice %arg2[%add3A_105] : memref<819200xi32, #tpu.memory_space<hbm>> -> memref<2048xi32, #tpu.memory_space<hbm>>
        tpu.enqueue_dma source(%dma_start3A_1132 : memref<2048xi32, #tpu.memory_space<hbm>>) target(%dma_start3A_1131 : memref<2048xi32, #tpu.memory_space<vmem>>) target_semaphore(%arg11 : memref<!tpu.dma_semaphore, #tpu.memory_space<semaphore_mem>>)
        %sub3A_1133 = arith.constant 1 : i32
        %sub3A_1134 = arith.subi %sub3A_1133, %rem3A_99 : i32
        %dma_start3A_1135 = arith.constant 0 : i32
        %dma_start3A_1136 = arith.constant 0 : i32
        %dma_start3A_1137 = tpu.memref_slice %arg7[%sub3A_1134, %dma_start3A_1135, %dma_start3A_1136] : memref<2x16x128xi32, #tpu.memory_space<vmem>> -> memref<1x16x128xi32, #tpu.memory_space<vmem>>
        %dma_start3A_1138 = tpu.memref_squeeze %dma_start3A_1137 : memref<1x16x128xi32, #tpu.memory_space<vmem>> -> memref<16x128xi32, #tpu.memory_space<vmem>>
        %dma_start3A_1139 = arith.constant 0 : i32
        %dma_start3A_1140 = tpu.memref_slice %arg3[%add3A_110, %dma_start3A_1139] : memref<6400x128xi32, #tpu.memory_space<hbm>> -> memref<16x128xi32, #tpu.memory_space<hbm>>
        %dma_start3A_1141 = arith.constant 0 : i32
        %dma_start3A_1142 = arith.constant 0 : i32
        %dma_start3A_1143 = tpu.memref_slice %arg7[%sub3A_1134, %dma_start3A_1141, %dma_start3A_1142] : memref<2x16x128xi32, #tpu.memory_space<vmem>> -> memref<1x16x128xi32, #tpu.memory_space<vmem>>
        %dma_start3A_1144 = tpu.memref_squeeze %dma_start3A_1143 : memref<1x16x128xi32, #tpu.memory_space<vmem>> -> memref<16x128xi32, #tpu.memory_space<vmem>>
        %dma_start3A_1145 = arith.constant 0 : i32
        %dma_start3A_1146 = tpu.memref_slice %arg3[%add3A_110, %dma_start3A_1145] : memref<6400x128xi32, #tpu.memory_space<hbm>> -> memref<16x128xi32, #tpu.memory_space<hbm>>
        tpu.enqueue_dma source(%dma_start3A_1146 : memref<16x128xi32, #tpu.memory_space<hbm>>) target(%dma_start3A_1144 : memref<16x128xi32, #tpu.memory_space<vmem>>) target_semaphore(%arg11 : memref<!tpu.dma_semaphore, #tpu.memory_space<semaphore_mem>>)
      } else {
      }
      %sub3A = arith.constant 1 : i32
      %sub3A_113 = arith.subi %sub3A, %rem3A_99 : i32
      %gt3A = arith.constant 0 : i32
      %gt3A_114 = arith.cmpi sgt, %scan3A_98, %gt3A : i32
      %convert_element_type3A_115 = arith.extui %gt3A_114 : i1 to i32
      %cond3A_116 = arith.constant 0 : i32
      %cond3A_117 = arith.cmpi ne, %convert_element_type3A_115, %cond3A_116 : i32
      scf.if %cond3A_117 {
        %dma_wait3A_1123 = arith.constant 2 : i32
        %dma_wait3A_1124 = arith.constant 0 : i32
        %dma_wait3A_1125 = arith.constant 0 : i32
        %dma_wait3A_1126 = arith.constant 0 : i32
        %dma_wait3A_1127 = tpu.memref_slice %arg8[%dma_wait3A_1123, %dma_wait3A_1125, %dma_wait3A_1126] : memref<4x128x32xf32, #tpu.memory_space<vmem>> -> memref<1x128x32xf32, #tpu.memory_space<vmem>>
        %dma_wait3A_1128 = tpu.memref_squeeze %dma_wait3A_1127 : memref<1x128x32xf32, #tpu.memory_space<vmem>> -> memref<128x32xf32, #tpu.memory_space<vmem>>
        %dma_wait3A_1129 = arith.constant 0 : i32
        %dma_wait3A_1130 = arith.constant 0 : i32
        %dma_wait3A_1131 = tpu.memref_slice %arg7[%rem3A_99, %dma_wait3A_1129, %dma_wait3A_1130] : memref<2x16x128xi32, #tpu.memory_space<vmem>> -> memref<1x16x128xi32, #tpu.memory_space<vmem>>
        %dma_wait3A_1132 = tpu.memref_squeeze %dma_wait3A_1131 : memref<1x16x128xi32, #tpu.memory_space<vmem>> -> memref<16x128xi32, #tpu.memory_space<vmem>>
        %dma_wait3A_1133 = arith.constant 0 : i32
        %dma_wait3A_1134 = tpu.memref_slice %dma_wait3A_1132[%dma_wait3A_1124, %dma_wait3A_1133] : memref<16x128xi32, #tpu.memory_space<vmem>> -> memref<1x128xi32, #tpu.memory_space<vmem>>
        %dma_wait3A_1135 = tpu.memref_squeeze %dma_wait3A_1134 : memref<1x128xi32, #tpu.memory_space<vmem>> -> memref<128xi32, #tpu.memory_space<vmem>>
        %dma_wait3A_1136 = arith.constant 0 : i32
        %dma_wait3A_1137 = arith.constant 0 : i32
        %dma_wait3A_1138 = tpu.memref_slice %arg9[%dma_wait3A_1136, %dma_wait3A_1137] : memref<51200x32xf32, #tpu.memory_space<vmem_shared>> -> memref<51200x32xf32, #tpu.memory_space<vmem_shared>>
        tpu.wait_indirect_dma semaphore(%arg12 : memref<!tpu.dma_semaphore, #tpu.memory_space<semaphore_mem>>) src(%dma_wait3A_1128 : memref<128x32xf32, #tpu.memory_space<vmem>>) dst(%dma_wait3A_1138 : memref<51200x32xf32, #tpu.memory_space<vmem_shared>>)
      } else {
      }
      %dma_start3A_118 = arith.constant 2 : i32
      %dma_start3A_119 = arith.constant 0 : i32
      %dma_start3A_120 = arith.constant 0 : i32
      %dma_start3A_121 = tpu.memref_slice %arg8[%dma_start3A_118, %dma_start3A_119, %dma_start3A_120] : memref<4x128x32xf32, #tpu.memory_space<vmem>> -> memref<1x128x32xf32, #tpu.memory_space<vmem>>
      %dma_start3A_122 = tpu.memref_squeeze %dma_start3A_121 : memref<1x128x32xf32, #tpu.memory_space<vmem>> -> memref<128x32xf32, #tpu.memory_space<vmem>>
      %dma_start3A_123 = arith.constant 0 : i32
      %dma_start3A_124 = tpu.memref_slice %arg6[%rem3A_99, %dma_start3A_123] : memref<2x2048xi32, #tpu.memory_space<vmem>> -> memref<1x2048xi32, #tpu.memory_space<vmem>>
      %dma_start3A_125 = tpu.memref_squeeze %dma_start3A_124 : memref<1x2048xi32, #tpu.memory_space<vmem>> -> memref<2048xi32, #tpu.memory_space<vmem>>
      %dma_start3A_126 = arith.constant 256 : i32
      %dma_start3A_127 = tpu.memref_slice %dma_start3A_125[%dma_start3A_126] : memref<2048xi32, #tpu.memory_space<vmem>> -> memref<128xi32, #tpu.memory_space<vmem>>
      %dma_start3A_128 = arith.constant 0 : i32
      %dma_start3A_129 = arith.constant 0 : i32
      %dma_start3A_130 = tpu.memref_slice %arg4[%arg0, %dma_start3A_128, %dma_start3A_129] : memref<2x50002x32xf32, #tpu.memory_space<hbm>> -> memref<1x50002x32xf32, #tpu.memory_space<hbm>>
      %dma_start3A_131 = tpu.memref_squeeze %dma_start3A_130 : memref<1x50002x32xf32, #tpu.memory_space<hbm>> -> memref<50002x32xf32, #tpu.memory_space<hbm>>
      %dma_start3A_132 = arith.constant 0 : i32
      %dma_start3A_133 = arith.constant 0 : i32
      %dma_start3A_134 = tpu.memref_slice %dma_start3A_131[%dma_start3A_132, %dma_start3A_133] : memref<50002x32xf32, #tpu.memory_space<hbm>> -> memref<50002x32xf32, #tpu.memory_space<hbm>>
      tpu.enqueue_indirect_dma source(%dma_start3A_134 : memref<50002x32xf32, #tpu.memory_space<hbm>>) target(%dma_start3A_122 : memref<128x32xf32, #tpu.memory_space<vmem>>) offsets(%dma_start3A_127 : memref<128xi32, #tpu.memory_space<vmem>>) semaphore(%arg10 : memref<!tpu.dma_semaphore, #tpu.memory_space<semaphore_mem>>)
      %dma_wait3A_135 = arith.constant 0 : i32
      %dma_wait3A_136 = arith.constant 0 : i32
      %dma_wait3A_137 = arith.constant 0 : i32
      %dma_wait3A_138 = tpu.memref_slice %arg8[%dma_wait3A_135, %dma_wait3A_136, %dma_wait3A_137] : memref<4x128x32xf32, #tpu.memory_space<vmem>> -> memref<1x128x32xf32, #tpu.memory_space<vmem>>
      %dma_wait3A_139 = tpu.memref_squeeze %dma_wait3A_138 : memref<1x128x32xf32, #tpu.memory_space<vmem>> -> memref<128x32xf32, #tpu.memory_space<vmem>>
      %dma_wait3A_140 = arith.constant 0 : i32
      %dma_wait3A_141 = tpu.memref_slice %arg6[%rem3A_99, %dma_wait3A_140] : memref<2x2048xi32, #tpu.memory_space<vmem>> -> memref<1x2048xi32, #tpu.memory_space<vmem>>
      %dma_wait3A_142 = tpu.memref_squeeze %dma_wait3A_141 : memref<1x2048xi32, #tpu.memory_space<vmem>> -> memref<2048xi32, #tpu.memory_space<vmem>>
      %dma_wait3A_143 = arith.constant 0 : i32
      %dma_wait3A_144 = tpu.memref_slice %dma_wait3A_142[%dma_wait3A_143] : memref<2048xi32, #tpu.memory_space<vmem>> -> memref<128xi32, #tpu.memory_space<vmem>>
      %dma_wait3A_145 = arith.constant 0 : i32
      %dma_wait3A_146 = arith.constant 0 : i32
      %dma_wait3A_147 = tpu.memref_slice %arg4[%arg0, %dma_wait3A_145, %dma_wait3A_146] : memref<2x50002x32xf32, #tpu.memory_space<hbm>> -> memref<1x50002x32xf32, #tpu.memory_space<hbm>>
      %dma_wait3A_148 = tpu.memref_squeeze %dma_wait3A_147 : memref<1x50002x32xf32, #tpu.memory_space<hbm>> -> memref<50002x32xf32, #tpu.memory_space<hbm>>
      %dma_wait3A_149 = arith.constant 0 : i32
      %dma_wait3A_150 = arith.constant 0 : i32
      %dma_wait3A_151 = tpu.memref_slice %dma_wait3A_148[%dma_wait3A_149, %dma_wait3A_150] : memref<50002x32xf32, #tpu.memory_space<hbm>> -> memref<50002x32xf32, #tpu.memory_space<hbm>>
      tpu.wait_indirect_dma semaphore(%arg10 : memref<!tpu.dma_semaphore, #tpu.memory_space<semaphore_mem>>) src(%dma_wait3A_151 : memref<50002x32xf32, #tpu.memory_space<hbm>>) dst(%dma_wait3A_139 : memref<128x32xf32, #tpu.memory_space<vmem>>)
      %dma_start3A_152 = arith.constant 0 : i32
      %dma_start3A_153 = arith.constant 0 : i32
      %dma_start3A_154 = arith.constant 0 : i32
      %dma_start3A_155 = arith.constant 0 : i32
      %dma_start3A_156 = tpu.memref_slice %arg8[%dma_start3A_152, %dma_start3A_154, %dma_start3A_155] : memref<4x128x32xf32, #tpu.memory_space<vmem>> -> memref<1x128x32xf32, #tpu.memory_space<vmem>>
      %dma_start3A_157 = tpu.memref_squeeze %dma_start3A_156 : memref<1x128x32xf32, #tpu.memory_space<vmem>> -> memref<128x32xf32, #tpu.memory_space<vmem>>
      %dma_start3A_158 = arith.constant 0 : i32
      %dma_start3A_159 = arith.constant 0 : i32
      %dma_start3A_160 = tpu.memref_slice %arg7[%rem3A_99, %dma_start3A_158, %dma_start3A_159] : memref<2x16x128xi32, #tpu.memory_space<vmem>> -> memref<1x16x128xi32, #tpu.memory_space<vmem>>
      %dma_start3A_161 = tpu.memref_squeeze %dma_start3A_160 : memref<1x16x128xi32, #tpu.memory_space<vmem>> -> memref<16x128xi32, #tpu.memory_space<vmem>>
      %dma_start3A_162 = arith.constant 0 : i32
      %dma_start3A_163 = tpu.memref_slice %dma_start3A_161[%dma_start3A_153, %dma_start3A_162] : memref<16x128xi32, #tpu.memory_space<vmem>> -> memref<1x128xi32, #tpu.memory_space<vmem>>
      %dma_start3A_164 = tpu.memref_squeeze %dma_start3A_163 : memref<1x128xi32, #tpu.memory_space<vmem>> -> memref<128xi32, #tpu.memory_space<vmem>>
      %dma_start3A_165 = arith.constant 0 : i32
      %dma_start3A_166 = arith.constant 0 : i32
      %dma_start3A_167 = tpu.memref_slice %arg9[%dma_start3A_165, %dma_start3A_166] : memref<51200x32xf32, #tpu.memory_space<vmem_shared>> -> memref<51200x32xf32, #tpu.memory_space<vmem_shared>>
      tpu.enqueue_indirect_dma source(%dma_start3A_157 : memref<128x32xf32, #tpu.memory_space<vmem>>) target(%dma_start3A_167 : memref<51200x32xf32, #tpu.memory_space<vmem_shared>>) offsets(%dma_start3A_164 : memref<128xi32, #tpu.memory_space<vmem>>) semaphore(%arg12 : memref<!tpu.dma_semaphore, #tpu.memory_space<semaphore_mem>>) {add = true}
      %gt3A_168 = arith.constant 0 : i32
      %gt3A_169 = arith.cmpi sgt, %scan3A_98, %gt3A_168 : i32
      %convert_element_type3A_170 = arith.extui %gt3A_169 : i1 to i32
      %cond3A_171 = arith.constant 0 : i32
      %cond3A_172 = arith.cmpi ne, %convert_element_type3A_170, %cond3A_171 : i32
      scf.if %cond3A_172 {
        %dma_wait3A_1123 = arith.constant 3 : i32
        %dma_wait3A_1124 = arith.constant 1 : i32
        %dma_wait3A_1125 = arith.constant 0 : i32
        %dma_wait3A_1126 = arith.constant 0 : i32
        %dma_wait3A_1127 = tpu.memref_slice %arg8[%dma_wait3A_1123, %dma_wait3A_1125, %dma_wait3A_1126] : memref<4x128x32xf32, #tpu.memory_space<vmem>> -> memref<1x128x32xf32, #tpu.memory_space<vmem>>
        %dma_wait3A_1128 = tpu.memref_squeeze %dma_wait3A_1127 : memref<1x128x32xf32, #tpu.memory_space<vmem>> -> memref<128x32xf32, #tpu.memory_space<vmem>>
        %dma_wait3A_1129 = arith.constant 0 : i32
        %dma_wait3A_1130 = arith.constant 0 : i32
        %dma_wait3A_1131 = tpu.memref_slice %arg7[%rem3A_99, %dma_wait3A_1129, %dma_wait3A_1130] : memref<2x16x128xi32, #tpu.memory_space<vmem>> -> memref<1x16x128xi32, #tpu.memory_space<vmem>>
        %dma_wait3A_1132 = tpu.memref_squeeze %dma_wait3A_1131 : memref<1x16x128xi32, #tpu.memory_space<vmem>> -> memref<16x128xi32, #tpu.memory_space<vmem>>
        %dma_wait3A_1133 = arith.constant 0 : i32
        %dma_wait3A_1134 = tpu.memref_slice %dma_wait3A_1132[%dma_wait3A_1124, %dma_wait3A_1133] : memref<16x128xi32, #tpu.memory_space<vmem>> -> memref<1x128xi32, #tpu.memory_space<vmem>>
        %dma_wait3A_1135 = tpu.memref_squeeze %dma_wait3A_1134 : memref<1x128xi32, #tpu.memory_space<vmem>> -> memref<128xi32, #tpu.memory_space<vmem>>
        %dma_wait3A_1136 = arith.constant 0 : i32
        %dma_wait3A_1137 = arith.constant 0 : i32
        %dma_wait3A_1138 = tpu.memref_slice %arg9[%dma_wait3A_1136, %dma_wait3A_1137] : memref<51200x32xf32, #tpu.memory_space<vmem_shared>> -> memref<51200x32xf32, #tpu.memory_space<vmem_shared>>
        tpu.wait_indirect_dma semaphore(%arg12 : memref<!tpu.dma_semaphore, #tpu.memory_space<semaphore_mem>>) src(%dma_wait3A_1128 : memref<128x32xf32, #tpu.memory_space<vmem>>) dst(%dma_wait3A_1138 : memref<51200x32xf32, #tpu.memory_space<vmem_shared>>)
      } else {
      }
      %dma_start3A_173 = arith.constant 3 : i32
      %dma_start3A_174 = arith.constant 0 : i32
      %dma_start3A_175 = arith.constant 0 : i32
      %dma_start3A_176 = tpu.memref_slice %arg8[%dma_start3A_173, %dma_start3A_174, %dma_start3A_175] : memref<4x128x32xf32, #tpu.memory_space<vmem>> -> memref<1x128x32xf32, #tpu.memory_space<vmem>>
      %dma_start3A_177 = tpu.memref_squeeze %dma_start3A_176 : memref<1x128x32xf32, #tpu.memory_space<vmem>> -> memref<128x32xf32, #tpu.memory_space<vmem>>
      %dma_start3A_178 = arith.constant 0 : i32
      %dma_start3A_179 = tpu.memref_slice %arg6[%rem3A_99, %dma_start3A_178] : memref<2x2048xi32, #tpu.memory_space<vmem>> -> memref<1x2048xi32, #tpu.memory_space<vmem>>
      %dma_start3A_180 = tpu.memref_squeeze %dma_start3A_179 : memref<1x2048xi32, #tpu.memory_space<vmem>> -> memref<2048xi32, #tpu.memory_space<vmem>>
      %dma_start3A_181 = arith.constant 384 : i32
      %dma_start3A_182 = tpu.memref_slice %dma_start3A_180[%dma_start3A_181] : memref<2048xi32, #tpu.memory_space<vmem>> -> memref<128xi32, #tpu.memory_space<vmem>>
      %dma_start3A_183 = arith.constant 0 : i32
      %dma_start3A_184 = arith.constant 0 : i32
      %dma_start3A_185 = tpu.memref_slice %arg4[%arg0, %dma_start3A_183, %dma_start3A_184] : memref<2x50002x32xf32, #tpu.memory_space<hbm>> -> memref<1x50002x32xf32, #tpu.memory_space<hbm>>
      %dma_start3A_186 = tpu.memref_squeeze %dma_start3A_185 : memref<1x50002x32xf32, #tpu.memory_space<hbm>> -> memref<50002x32xf32, #tpu.memory_space<hbm>>
      %dma_start3A_187 = arith.constant 0 : i32
      %dma_start3A_188 = arith.constant 0 : i32
      %dma_start3A_189 = tpu.memref_slice %dma_start3A_186[%dma_start3A_187, %dma_start3A_188] : memref<50002x32xf32, #tpu.memory_space<hbm>> -> memref<50002x32xf32, #tpu.memory_space<hbm>>
      tpu.enqueue_indirect_dma source(%dma_start3A_189 : memref<50002x32xf32, #tpu.memory_space<hbm>>) target(%dma_start3A_177 : memref<128x32xf32, #tpu.memory_space<vmem>>) offsets(%dma_start3A_182 : memref<128xi32, #tpu.memory_space<vmem>>) semaphore(%arg10 : memref<!tpu.dma_semaphore, #tpu.memory_space<semaphore_mem>>)
      %dma_wait3A_190 = arith.constant 1 : i32
      %dma_wait3A_191 = arith.constant 0 : i32
      %dma_wait3A_192 = arith.constant 0 : i32
      %dma_wait3A_193 = tpu.memref_slice %arg8[%dma_wait3A_190, %dma_wait3A_191, %dma_wait3A_192] : memref<4x128x32xf32, #tpu.memory_space<vmem>> -> memref<1x128x32xf32, #tpu.memory_space<vmem>>
      %dma_wait3A_194 = tpu.memref_squeeze %dma_wait3A_193 : memref<1x128x32xf32, #tpu.memory_space<vmem>> -> memref<128x32xf32, #tpu.memory_space<vmem>>
      %dma_wait3A_195 = arith.constant 0 : i32
      %dma_wait3A_196 = tpu.memref_slice %arg6[%rem3A_99, %dma_wait3A_195] : memref<2x2048xi32, #tpu.memory_space<vmem>> -> memref<1x2048xi32, #tpu.memory_space<vmem>>
      %dma_wait3A_197 = tpu.memref_squeeze %dma_wait3A_196 : memref<1x2048xi32, #tpu.memory_space<vmem>> -> memref<2048xi32, #tpu.memory_space<vmem>>
      %dma_wait3A_198 = arith.constant 128 : i32
      %dma_wait3A_199 = tpu.memref_slice %dma_wait3A_197[%dma_wait3A_198] : memref<2048xi32, #tpu.memory_space<vmem>> -> memref<128xi32, #tpu.memory_space<vmem>>
      %dma_wait3A_200 = arith.constant 0 : i32
      %dma_wait3A_201 = arith.constant 0 : i32
      %dma_wait3A_202 = tpu.memref_slice %arg4[%arg0, %dma_wait3A_200, %dma_wait3A_201] : memref<2x50002x32xf32, #tpu.memory_space<hbm>> -> memref<1x50002x32xf32, #tpu.memory_space<hbm>>
      %dma_wait3A_203 = tpu.memref_squeeze %dma_wait3A_202 : memref<1x50002x32xf32, #tpu.memory_space<hbm>> -> memref<50002x32xf32, #tpu.memory_space<hbm>>
      %dma_wait3A_204 = arith.constant 0 : i32
      %dma_wait3A_205 = arith.constant 0 : i32
      %dma_wait3A_206 = tpu.memref_slice %dma_wait3A_203[%dma_wait3A_204, %dma_wait3A_205] : memref<50002x32xf32, #tpu.memory_space<hbm>> -> memref<50002x32xf32, #tpu.memory_space<hbm>>
      tpu.wait_indirect_dma semaphore(%arg10 : memref<!tpu.dma_semaphore, #tpu.memory_space<semaphore_mem>>) src(%dma_wait3A_206 : memref<50002x32xf32, #tpu.memory_space<hbm>>) dst(%dma_wait3A_194 : memref<128x32xf32, #tpu.memory_space<vmem>>)
      %dma_start3A_207 = arith.constant 1 : i32
      %dma_start3A_208 = arith.constant 1 : i32
      %dma_start3A_209 = arith.constant 0 : i32
      %dma_start3A_210 = arith.constant 0 : i32
      %dma_start3A_211 = tpu.memref_slice %arg8[%dma_start3A_207, %dma_start3A_209, %dma_start3A_210] : memref<4x128x32xf32, #tpu.memory_space<vmem>> -> memref<1x128x32xf32, #tpu.memory_space<vmem>>
      %dma_start3A_212 = tpu.memref_squeeze %dma_start3A_211 : memref<1x128x32xf32, #tpu.memory_space<vmem>> -> memref<128x32xf32, #tpu.memory_space<vmem>>
      %dma_start3A_213 = arith.constant 0 : i32
      %dma_start3A_214 = arith.constant 0 : i32
      %dma_start3A_215 = tpu.memref_slice %arg7[%rem3A_99, %dma_start3A_213, %dma_start3A_214] : memref<2x16x128xi32, #tpu.memory_space<vmem>> -> memref<1x16x128xi32, #tpu.memory_space<vmem>>
      %dma_start3A_216 = tpu.memref_squeeze %dma_start3A_215 : memref<1x16x128xi32, #tpu.memory_space<vmem>> -> memref<16x128xi32, #tpu.memory_space<vmem>>
      %dma_start3A_217 = arith.constant 0 : i32
      %dma_start3A_218 = tpu.memref_slice %dma_start3A_216[%dma_start3A_208, %dma_start3A_217] : memref<16x128xi32, #tpu.memory_space<vmem>> -> memref<1x128xi32, #tpu.memory_space<vmem>>
      %dma_start3A_219 = tpu.memref_squeeze %dma_start3A_218 : memref<1x128xi32, #tpu.memory_space<vmem>> -> memref<128xi32, #tpu.memory_space<vmem>>
      %dma_start3A_220 = arith.constant 0 : i32
      %dma_start3A_221 = arith.constant 0 : i32
      %dma_start3A_222 = tpu.memref_slice %arg9[%dma_start3A_220, %dma_start3A_221] : memref<51200x32xf32, #tpu.memory_space<vmem_shared>> -> memref<51200x32xf32, #tpu.memory_space<vmem_shared>>
      tpu.enqueue_indirect_dma source(%dma_start3A_212 : memref<128x32xf32, #tpu.memory_space<vmem>>) target(%dma_start3A_222 : memref<51200x32xf32, #tpu.memory_space<vmem_shared>>) offsets(%dma_start3A_219 : memref<128xi32, #tpu.memory_space<vmem>>) semaphore(%arg12 : memref<!tpu.dma_semaphore, #tpu.memory_space<semaphore_mem>>) {add = true}
      %dma_wait3A_223 = arith.constant 0 : i32
      %dma_wait3A_224 = arith.constant 0 : i32
      %dma_wait3A_225 = arith.constant 0 : i32
      %dma_wait3A_226 = arith.constant 0 : i32
      %dma_wait3A_227 = tpu.memref_slice %arg8[%dma_wait3A_223, %dma_wait3A_225, %dma_wait3A_226] : memref<4x128x32xf32, #tpu.memory_space<vmem>> -> memref<1x128x32xf32, #tpu.memory_space<vmem>>
      %dma_wait3A_228 = tpu.memref_squeeze %dma_wait3A_227 : memref<1x128x32xf32, #tpu.memory_space<vmem>> -> memref<128x32xf32, #tpu.memory_space<vmem>>
      %dma_wait3A_229 = arith.constant 0 : i32
      %dma_wait3A_230 = arith.constant 0 : i32
      %dma_wait3A_231 = tpu.memref_slice %arg7[%rem3A_99, %dma_wait3A_229, %dma_wait3A_230] : memref<2x16x128xi32, #tpu.memory_space<vmem>> -> memref<1x16x128xi32, #tpu.memory_space<vmem>>
      %dma_wait3A_232 = tpu.memref_squeeze %dma_wait3A_231 : memref<1x16x128xi32, #tpu.memory_space<vmem>> -> memref<16x128xi32, #tpu.memory_space<vmem>>
      %dma_wait3A_233 = arith.constant 0 : i32
      %dma_wait3A_234 = tpu.memref_slice %dma_wait3A_232[%dma_wait3A_224, %dma_wait3A_233] : memref<16x128xi32, #tpu.memory_space<vmem>> -> memref<1x128xi32, #tpu.memory_space<vmem>>
      %dma_wait3A_235 = tpu.memref_squeeze %dma_wait3A_234 : memref<1x128xi32, #tpu.memory_space<vmem>> -> memref<128xi32, #tpu.memory_space<vmem>>
      %dma_wait3A_236 = arith.constant 0 : i32
      %dma_wait3A_237 = arith.constant 0 : i32
      %dma_wait3A_238 = tpu.memref_slice %arg9[%dma_wait3A_236, %dma_wait3A_237] : memref<51200x32xf32, #tpu.memory_space<vmem_shared>> -> memref<51200x32xf32, #tpu.memory_space<vmem_shared>>
      tpu.wait_indirect_dma semaphore(%arg12 : memref<!tpu.dma_semaphore, #tpu.memory_space<semaphore_mem>>) src(%dma_wait3A_228 : memref<128x32xf32, #tpu.memory_space<vmem>>) dst(%dma_wait3A_238 : memref<51200x32xf32, #tpu.memory_space<vmem_shared>>)
      %dma_start3A_239 = arith.constant 0 : i32
      %dma_start3A_240 = arith.constant 0 : i32
      %dma_start3A_241 = arith.constant 0 : i32
      %dma_start3A_242 = tpu.memref_slice %arg8[%dma_start3A_239, %dma_start3A_240, %dma_start3A_241] : memref<4x128x32xf32, #tpu.memory_space<vmem>> -> memref<1x128x32xf32, #tpu.memory_space<vmem>>
      %dma_start3A_243 = tpu.memref_squeeze %dma_start3A_242 : memref<1x128x32xf32, #tpu.memory_space<vmem>> -> memref<128x32xf32, #tpu.memory_space<vmem>>
      %dma_start3A_244 = arith.constant 0 : i32
      %dma_start3A_245 = tpu.memref_slice %arg6[%rem3A_99, %dma_start3A_244] : memref<2x2048xi32, #tpu.memory_space<vmem>> -> memref<1x2048xi32, #tpu.memory_space<vmem>>
      %dma_start3A_246 = tpu.memref_squeeze %dma_start3A_245 : memref<1x2048xi32, #tpu.memory_space<vmem>> -> memref<2048xi32, #tpu.memory_space<vmem>>
      %dma_start3A_247 = arith.constant 512 : i32
      %dma_start3A_248 = tpu.memref_slice %dma_start3A_246[%dma_start3A_247] : memref<2048xi32, #tpu.memory_space<vmem>> -> memref<128xi32, #tpu.memory_space<vmem>>
      %dma_start3A_249 = arith.constant 0 : i32
      %dma_start3A_250 = arith.constant 0 : i32
      %dma_start3A_251 = tpu.memref_slice %arg4[%arg0, %dma_start3A_249, %dma_start3A_250] : memref<2x50002x32xf32, #tpu.memory_space<hbm>> -> memref<1x50002x32xf32, #tpu.memory_space<hbm>>
      %dma_start3A_252 = tpu.memref_squeeze %dma_start3A_251 : memref<1x50002x32xf32, #tpu.memory_space<hbm>> -> memref<50002x32xf32, #tpu.memory_space<hbm>>
      %dma_start3A_253 = arith.constant 0 : i32
      %dma_start3A_254 = arith.constant 0 : i32
      %dma_start3A_255 = tpu.memref_slice %dma_start3A_252[%dma_start3A_253, %dma_start3A_254] : memref<50002x32xf32, #tpu.memory_space<hbm>> -> memref<50002x32xf32, #tpu.memory_space<hbm>>
      tpu.enqueue_indirect_dma source(%dma_start3A_255 : memref<50002x32xf32, #tpu.memory_space<hbm>>) target(%dma_start3A_243 : memref<128x32xf32, #tpu.memory_space<vmem>>) offsets(%dma_start3A_248 : memref<128xi32, #tpu.memory_space<vmem>>) semaphore(%arg10 : memref<!tpu.dma_semaphore, #tpu.memory_space<semaphore_mem>>)
      %dma_wait3A_256 = arith.constant 2 : i32
      %dma_wait3A_257 = arith.constant 0 : i32
      %dma_wait3A_258 = arith.constant 0 : i32
      %dma_wait3A_259 = tpu.memref_slice %arg8[%dma_wait3A_256, %dma_wait3A_257, %dma_wait3A_258] : memref<4x128x32xf32, #tpu.memory_space<vmem>> -> memref<1x128x32xf32, #tpu.memory_space<vmem>>
      %dma_wait3A_260 = tpu.memref_squeeze %dma_wait3A_259 : memref<1x128x32xf32, #tpu.memory_space<vmem>> -> memref<128x32xf32, #tpu.memory_space<vmem>>
      %dma_wait3A_261 = arith.constant 0 : i32
      %dma_wait3A_262 = tpu.memref_slice %arg6[%rem3A_99, %dma_wait3A_261] : memref<2x2048xi32, #tpu.memory_space<vmem>> -> memref<1x2048xi32, #tpu.memory_space<vmem>>
      %dma_wait3A_263 = tpu.memref_squeeze %dma_wait3A_262 : memref<1x2048xi32, #tpu.memory_space<vmem>> -> memref<2048xi32, #tpu.memory_space<vmem>>
      %dma_wait3A_264 = arith.constant 256 : i32
      %dma_wait3A_265 = tpu.memref_slice %dma_wait3A_263[%dma_wait3A_264] : memref<2048xi32, #tpu.memory_space<vmem>> -> memref<128xi32, #tpu.memory_space<vmem>>
      %dma_wait3A_266 = arith.constant 0 : i32
      %dma_wait3A_267 = arith.constant 0 : i32
      %dma_wait3A_268 = tpu.memref_slice %arg4[%arg0, %dma_wait3A_266, %dma_wait3A_267] : memref<2x50002x32xf32, #tpu.memory_space<hbm>> -> memref<1x50002x32xf32, #tpu.memory_space<hbm>>
      %dma_wait3A_269 = tpu.memref_squeeze %dma_wait3A_268 : memref<1x50002x32xf32, #tpu.memory_space<hbm>> -> memref<50002x32xf32, #tpu.memory_space<hbm>>
      %dma_wait3A_270 = arith.constant 0 : i32
      %dma_wait3A_271 = arith.constant 0 : i32
      %dma_wait3A_272 = tpu.memref_slice %dma_wait3A_269[%dma_wait3A_270, %dma_wait3A_271] : memref<50002x32xf32, #tpu.memory_space<hbm>> -> memref<50002x32xf32, #tpu.memory_space<hbm>>
      tpu.wait_indirect_dma semaphore(%arg10 : memref<!tpu.dma_semaphore, #tpu.memory_space<semaphore_mem>>) src(%dma_wait3A_272 : memref<50002x32xf32, #tpu.memory_space<hbm>>) dst(%dma_wait3A_260 : memref<128x32xf32, #tpu.memory_space<vmem>>)
      %dma_start3A_273 = arith.constant 2 : i32
      %dma_start3A_274 = arith.constant 2 : i32
      %dma_start3A_275 = arith.constant 0 : i32
      %dma_start3A_276 = arith.constant 0 : i32
      %dma_start3A_277 = tpu.memref_slice %arg8[%dma_start3A_273, %dma_start3A_275, %dma_start3A_276] : memref<4x128x32xf32, #tpu.memory_space<vmem>> -> memref<1x128x32xf32, #tpu.memory_space<vmem>>
      %dma_start3A_278 = tpu.memref_squeeze %dma_start3A_277 : memref<1x128x32xf32, #tpu.memory_space<vmem>> -> memref<128x32xf32, #tpu.memory_space<vmem>>
      %dma_start3A_279 = arith.constant 0 : i32
      %dma_start3A_280 = arith.constant 0 : i32
      %dma_start3A_281 = tpu.memref_slice %arg7[%rem3A_99, %dma_start3A_279, %dma_start3A_280] : memref<2x16x128xi32, #tpu.memory_space<vmem>> -> memref<1x16x128xi32, #tpu.memory_space<vmem>>
      %dma_start3A_282 = tpu.memref_squeeze %dma_start3A_281 : memref<1x16x128xi32, #tpu.memory_space<vmem>> -> memref<16x128xi32, #tpu.memory_space<vmem>>
      %dma_start3A_283 = arith.constant 0 : i32
      %dma_start3A_284 = tpu.memref_slice %dma_start3A_282[%dma_start3A_274, %dma_start3A_283] : memref<16x128xi32, #tpu.memory_space<vmem>> -> memref<1x128xi32, #tpu.memory_space<vmem>>
      %dma_start3A_285 = tpu.memref_squeeze %dma_start3A_284 : memref<1x128xi32, #tpu.memory_space<vmem>> -> memref<128xi32, #tpu.memory_space<vmem>>
      %dma_start3A_286 = arith.constant 0 : i32
      %dma_start3A_287 = arith.constant 0 : i32
      %dma_start3A_288 = tpu.memref_slice %arg9[%dma_start3A_286, %dma_start3A_287] : memref<51200x32xf32, #tpu.memory_space<vmem_shared>> -> memref<51200x32xf32, #tpu.memory_space<vmem_shared>>
      tpu.enqueue_indirect_dma source(%dma_start3A_278 : memref<128x32xf32, #tpu.memory_space<vmem>>) target(%dma_start3A_288 : memref<51200x32xf32, #tpu.memory_space<vmem_shared>>) offsets(%dma_start3A_285 : memref<128xi32, #tpu.memory_space<vmem>>) semaphore(%arg12 : memref<!tpu.dma_semaphore, #tpu.memory_space<semaphore_mem>>) {add = true}
      %dma_wait3A_289 = arith.constant 1 : i32
      %dma_wait3A_290 = arith.constant 1 : i32
      %dma_wait3A_291 = arith.constant 0 : i32
      %dma_wait3A_292 = arith.constant 0 : i32
      %dma_wait3A_293 = tpu.memref_slice %arg8[%dma_wait3A_289, %dma_wait3A_291, %dma_wait3A_292] : memref<4x128x32xf32, #tpu.memory_space<vmem>> -> memref<1x128x32xf32, #tpu.memory_space<vmem>>
      %dma_wait3A_294 = tpu.memref_squeeze %dma_wait3A_293 : memref<1x128x32xf32, #tpu.memory_space<vmem>> -> memref<128x32xf32, #tpu.memory_space<vmem>>
      %dma_wait3A_295 = arith.constant 0 : i32
      %dma_wait3A_296 = arith.constant 0 : i32
      %dma_wait3A_297 = tpu.memref_slice %arg7[%rem3A_99, %dma_wait3A_295, %dma_wait3A_296] : memref<2x16x128xi32, #tpu.memory_space<vmem>> -> memref<1x16x128xi32, #tpu.memory_space<vmem>>
      %dma_wait3A_298 = tpu.memref_squeeze %dma_wait3A_297 : memref<1x16x128xi32, #tpu.memory_space<vmem>> -> memref<16x128xi32, #tpu.memory_space<vmem>>
      %dma_wait3A_299 = arith.constant 0 : i32
      %dma_wait3A_300 = tpu.memref_slice %dma_wait3A_298[%dma_wait3A_290, %dma_wait3A_299] : memref<16x128xi32, #tpu.memory_space<vmem>> -> memref<1x128xi32, #tpu.memory_space<vmem>>
      %dma_wait3A_301 = tpu.memref_squeeze %dma_wait3A_300 : memref<1x128xi32, #tpu.memory_space<vmem>> -> memref<128xi32, #tpu.memory_space<vmem>>
      %dma_wait3A_302 = arith.constant 0 : i32
      %dma_wait3A_303 = arith.constant 0 : i32
      %dma_wait3A_304 = tpu.memref_slice %arg9[%dma_wait3A_302, %dma_wait3A_303] : memref<51200x32xf32, #tpu.memory_space<vmem_shared>> -> memref<51200x32xf32, #tpu.memory_space<vmem_shared>>
      tpu.wait_indirect_dma semaphore(%arg12 : memref<!tpu.dma_semaphore, #tpu.memory_space<semaphore_mem>>) src(%dma_wait3A_294 : memref<128x32xf32, #tpu.memory_space<vmem>>) dst(%dma_wait3A_304 : memref<51200x32xf32, #tpu.memory_space<vmem_shared>>)
      %dma_start3A_305 = arith.constant 1 : i32
      %dma_start3A_306 = arith.constant 0 : i32
      %dma_start3A_307 = arith.constant 0 : i32
      %dma_start3A_308 = tpu.memref_slice %arg8[%dma_start3A_305, %dma_start3A_306, %dma_start3A_307] : memref<4x128x32xf32, #tpu.memory_space<vmem>> -> memref<1x128x32xf32, #tpu.memory_space<vmem>>
      %dma_start3A_309 = tpu.memref_squeeze %dma_start3A_308 : memref<1x128x32xf32, #tpu.memory_space<vmem>> -> memref<128x32xf32, #tpu.memory_space<vmem>>
      %dma_start3A_310 = arith.constant 0 : i32
      %dma_start3A_311 = tpu.memref_slice %arg6[%rem3A_99, %dma_start3A_310] : memref<2x2048xi32, #tpu.memory_space<vmem>> -> memref<1x2048xi32, #tpu.memory_space<vmem>>
      %dma_start3A_312 = tpu.memref_squeeze %dma_start3A_311 : memref<1x2048xi32, #tpu.memory_space<vmem>> -> memref<2048xi32, #tpu.memory_space<vmem>>
      %dma_start3A_313 = arith.constant 640 : i32
      %dma_start3A_314 = tpu.memref_slice %dma_start3A_312[%dma_start3A_313] : memref<2048xi32, #tpu.memory_space<vmem>> -> memref<128xi32, #tpu.memory_space<vmem>>
      %dma_start3A_315 = arith.constant 0 : i32
      %dma_start3A_316 = arith.constant 0 : i32
      %dma_start3A_317 = tpu.memref_slice %arg4[%arg0, %dma_start3A_315, %dma_start3A_316] : memref<2x50002x32xf32, #tpu.memory_space<hbm>> -> memref<1x50002x32xf32, #tpu.memory_space<hbm>>
      %dma_start3A_318 = tpu.memref_squeeze %dma_start3A_317 : memref<1x50002x32xf32, #tpu.memory_space<hbm>> -> memref<50002x32xf32, #tpu.memory_space<hbm>>
      %dma_start3A_319 = arith.constant 0 : i32
      %dma_start3A_320 = arith.constant 0 : i32
      %dma_start3A_321 = tpu.memref_slice %dma_start3A_318[%dma_start3A_319, %dma_start3A_320] : memref<50002x32xf32, #tpu.memory_space<hbm>> -> memref<50002x32xf32, #tpu.memory_space<hbm>>
      tpu.enqueue_indirect_dma source(%dma_start3A_321 : memref<50002x32xf32, #tpu.memory_space<hbm>>) target(%dma_start3A_309 : memref<128x32xf32, #tpu.memory_space<vmem>>) offsets(%dma_start3A_314 : memref<128xi32, #tpu.memory_space<vmem>>) semaphore(%arg10 : memref<!tpu.dma_semaphore, #tpu.memory_space<semaphore_mem>>)
      %dma_wait3A_322 = arith.constant 3 : i32
      %dma_wait3A_323 = arith.constant 0 : i32
      %dma_wait3A_324 = arith.constant 0 : i32
      %dma_wait3A_325 = tpu.memref_slice %arg8[%dma_wait3A_322, %dma_wait3A_323, %dma_wait3A_324] : memref<4x128x32xf32, #tpu.memory_space<vmem>> -> memref<1x128x32xf32, #tpu.memory_space<vmem>>
      %dma_wait3A_326 = tpu.memref_squeeze %dma_wait3A_325 : memref<1x128x32xf32, #tpu.memory_space<vmem>> -> memref<128x32xf32, #tpu.memory_space<vmem>>
      %dma_wait3A_327 = arith.constant 0 : i32
      %dma_wait3A_328 = tpu.memref_slice %arg6[%rem3A_99, %dma_wait3A_327] : memref<2x2048xi32, #tpu.memory_space<vmem>> -> memref<1x2048xi32, #tpu.memory_space<vmem>>
      %dma_wait3A_329 = tpu.memref_squeeze %dma_wait3A_328 : memref<1x2048xi32, #tpu.memory_space<vmem>> -> memref<2048xi32, #tpu.memory_space<vmem>>
      %dma_wait3A_330 = arith.constant 384 : i32
      %dma_wait3A_331 = tpu.memref_slice %dma_wait3A_329[%dma_wait3A_330] : memref<2048xi32, #tpu.memory_space<vmem>> -> memref<128xi32, #tpu.memory_space<vmem>>
      %dma_wait3A_332 = arith.constant 0 : i32
      %dma_wait3A_333 = arith.constant 0 : i32
      %dma_wait3A_334 = tpu.memref_slice %arg4[%arg0, %dma_wait3A_332, %dma_wait3A_333] : memref<2x50002x32xf32, #tpu.memory_space<hbm>> -> memref<1x50002x32xf32, #tpu.memory_space<hbm>>
      %dma_wait3A_335 = tpu.memref_squeeze %dma_wait3A_334 : memref<1x50002x32xf32, #tpu.memory_space<hbm>> -> memref<50002x32xf32, #tpu.memory_space<hbm>>
      %dma_wait3A_336 = arith.constant 0 : i32
      %dma_wait3A_337 = arith.constant 0 : i32
      %dma_wait3A_338 = tpu.memref_slice %dma_wait3A_335[%dma_wait3A_336, %dma_wait3A_337] : memref<50002x32xf32, #tpu.memory_space<hbm>> -> memref<50002x32xf32, #tpu.memory_space<hbm>>
      tpu.wait_indirect_dma semaphore(%arg10 : memref<!tpu.dma_semaphore, #tpu.memory_space<semaphore_mem>>) src(%dma_wait3A_338 : memref<50002x32xf32, #tpu.memory_space<hbm>>) dst(%dma_wait3A_326 : memref<128x32xf32, #tpu.memory_space<vmem>>)
      %dma_start3A_339 = arith.constant 3 : i32
      %dma_start3A_340 = arith.constant 3 : i32
      %dma_start3A_341 = arith.constant 0 : i32
      %dma_start3A_342 = arith.constant 0 : i32
      %dma_start3A_343 = tpu.memref_slice %arg8[%dma_start3A_339, %dma_start3A_341, %dma_start3A_342] : memref<4x128x32xf32, #tpu.memory_space<vmem>> -> memref<1x128x32xf32, #tpu.memory_space<vmem>>
      %dma_start3A_344 = tpu.memref_squeeze %dma_start3A_343 : memref<1x128x32xf32, #tpu.memory_space<vmem>> -> memref<128x32xf32, #tpu.memory_space<vmem>>
      %dma_start3A_345 = arith.constant 0 : i32
      %dma_start3A_346 = arith.constant 0 : i32
      %dma_start3A_347 = tpu.memref_slice %arg7[%rem3A_99, %dma_start3A_345, %dma_start3A_346] : memref<2x16x128xi32, #tpu.memory_space<vmem>> -> memref<1x16x128xi32, #tpu.memory_space<vmem>>
      %dma_start3A_348 = tpu.memref_squeeze %dma_start3A_347 : memref<1x16x128xi32, #tpu.memory_space<vmem>> -> memref<16x128xi32, #tpu.memory_space<vmem>>
      %dma_start3A_349 = arith.constant 0 : i32
      %dma_start3A_350 = tpu.memref_slice %dma_start3A_348[%dma_start3A_340, %dma_start3A_349] : memref<16x128xi32, #tpu.memory_space<vmem>> -> memref<1x128xi32, #tpu.memory_space<vmem>>
      %dma_start3A_351 = tpu.memref_squeeze %dma_start3A_350 : memref<1x128xi32, #tpu.memory_space<vmem>> -> memref<128xi32, #tpu.memory_space<vmem>>
      %dma_start3A_352 = arith.constant 0 : i32
      %dma_start3A_353 = arith.constant 0 : i32
      %dma_start3A_354 = tpu.memref_slice %arg9[%dma_start3A_352, %dma_start3A_353] : memref<51200x32xf32, #tpu.memory_space<vmem_shared>> -> memref<51200x32xf32, #tpu.memory_space<vmem_shared>>
      tpu.enqueue_indirect_dma source(%dma_start3A_344 : memref<128x32xf32, #tpu.memory_space<vmem>>) target(%dma_start3A_354 : memref<51200x32xf32, #tpu.memory_space<vmem_shared>>) offsets(%dma_start3A_351 : memref<128xi32, #tpu.memory_space<vmem>>) semaphore(%arg12 : memref<!tpu.dma_semaphore, #tpu.memory_space<semaphore_mem>>) {add = true}
      %dma_wait3A_355 = arith.constant 2 : i32
      %dma_wait3A_356 = arith.constant 2 : i32
      %dma_wait3A_357 = arith.constant 0 : i32
      %dma_wait3A_358 = arith.constant 0 : i32
      %dma_wait3A_359 = tpu.memref_slice %arg8[%dma_wait3A_355, %dma_wait3A_357, %dma_wait3A_358] : memref<4x128x32xf32, #tpu.memory_space<vmem>> -> memref<1x128x32xf32, #tpu.memory_space<vmem>>
      %dma_wait3A_360 = tpu.memref_squeeze %dma_wait3A_359 : memref<1x128x32xf32, #tpu.memory_space<vmem>> -> memref<128x32xf32, #tpu.memory_space<vmem>>
      %dma_wait3A_361 = arith.constant 0 : i32
      %dma_wait3A_362 = arith.constant 0 : i32
      %dma_wait3A_363 = tpu.memref_slice %arg7[%rem3A_99, %dma_wait3A_361, %dma_wait3A_362] : memref<2x16x128xi32, #tpu.memory_space<vmem>> -> memref<1x16x128xi32, #tpu.memory_space<vmem>>
      %dma_wait3A_364 = tpu.memref_squeeze %dma_wait3A_363 : memref<1x16x128xi32, #tpu.memory_space<vmem>> -> memref<16x128xi32, #tpu.memory_space<vmem>>
      %dma_wait3A_365 = arith.constant 0 : i32
      %dma_wait3A_366 = tpu.memref_slice %dma_wait3A_364[%dma_wait3A_356, %dma_wait3A_365] : memref<16x128xi32, #tpu.memory_space<vmem>> -> memref<1x128xi32, #tpu.memory_space<vmem>>
      %dma_wait3A_367 = tpu.memref_squeeze %dma_wait3A_366 : memref<1x128xi32, #tpu.memory_space<vmem>> -> memref<128xi32, #tpu.memory_space<vmem>>
      %dma_wait3A_368 = arith.constant 0 : i32
      %dma_wait3A_369 = arith.constant 0 : i32
      %dma_wait3A_370 = tpu.memref_slice %arg9[%dma_wait3A_368, %dma_wait3A_369] : memref<51200x32xf32, #tpu.memory_space<vmem_shared>> -> memref<51200x32xf32, #tpu.memory_space<vmem_shared>>
      tpu.wait_indirect_dma semaphore(%arg12 : memref<!tpu.dma_semaphore, #tpu.memory_space<semaphore_mem>>) src(%dma_wait3A_360 : memref<128x32xf32, #tpu.memory_space<vmem>>) dst(%dma_wait3A_370 : memref<51200x32xf32, #tpu.memory_space<vmem_shared>>)
      %dma_start3A_371 = arith.constant 2 : i32
      %dma_start3A_372 = arith.constant 0 : i32
      %dma_start3A_373 = arith.constant 0 : i32
      %dma_start3A_374 = tpu.memref_slice %arg8[%dma_start3A_371, %dma_start3A_372, %dma_start3A_373] : memref<4x128x32xf32, #tpu.memory_space<vmem>> -> memref<1x128x32xf32, #tpu.memory_space<vmem>>
      %dma_start3A_375 = tpu.memref_squeeze %dma_start3A_374 : memref<1x128x32xf32, #tpu.memory_space<vmem>> -> memref<128x32xf32, #tpu.memory_space<vmem>>
      %dma_start3A_376 = arith.constant 0 : i32
      %dma_start3A_377 = tpu.memref_slice %arg6[%rem3A_99, %dma_start3A_376] : memref<2x2048xi32, #tpu.memory_space<vmem>> -> memref<1x2048xi32, #tpu.memory_space<vmem>>
      %dma_start3A_378 = tpu.memref_squeeze %dma_start3A_377 : memref<1x2048xi32, #tpu.memory_space<vmem>> -> memref<2048xi32, #tpu.memory_space<vmem>>
      %dma_start3A_379 = arith.constant 768 : i32
      %dma_start3A_380 = tpu.memref_slice %dma_start3A_378[%dma_start3A_379] : memref<2048xi32, #tpu.memory_space<vmem>> -> memref<128xi32, #tpu.memory_space<vmem>>
      %dma_start3A_381 = arith.constant 0 : i32
      %dma_start3A_382 = arith.constant 0 : i32
      %dma_start3A_383 = tpu.memref_slice %arg4[%arg0, %dma_start3A_381, %dma_start3A_382] : memref<2x50002x32xf32, #tpu.memory_space<hbm>> -> memref<1x50002x32xf32, #tpu.memory_space<hbm>>
      %dma_start3A_384 = tpu.memref_squeeze %dma_start3A_383 : memref<1x50002x32xf32, #tpu.memory_space<hbm>> -> memref<50002x32xf32, #tpu.memory_space<hbm>>
      %dma_start3A_385 = arith.constant 0 : i32
      %dma_start3A_386 = arith.constant 0 : i32
      %dma_start3A_387 = tpu.memref_slice %dma_start3A_384[%dma_start3A_385, %dma_start3A_386] : memref<50002x32xf32, #tpu.memory_space<hbm>> -> memref<50002x32xf32, #tpu.memory_space<hbm>>
      tpu.enqueue_indirect_dma source(%dma_start3A_387 : memref<50002x32xf32, #tpu.memory_space<hbm>>) target(%dma_start3A_375 : memref<128x32xf32, #tpu.memory_space<vmem>>) offsets(%dma_start3A_380 : memref<128xi32, #tpu.memory_space<vmem>>) semaphore(%arg10 : memref<!tpu.dma_semaphore, #tpu.memory_space<semaphore_mem>>)
      %dma_wait3A_388 = arith.constant 0 : i32
      %dma_wait3A_389 = arith.constant 0 : i32
      %dma_wait3A_390 = arith.constant 0 : i32
      %dma_wait3A_391 = tpu.memref_slice %arg8[%dma_wait3A_388, %dma_wait3A_389, %dma_wait3A_390] : memref<4x128x32xf32, #tpu.memory_space<vmem>> -> memref<1x128x32xf32, #tpu.memory_space<vmem>>
      %dma_wait3A_392 = tpu.memref_squeeze %dma_wait3A_391 : memref<1x128x32xf32, #tpu.memory_space<vmem>> -> memref<128x32xf32, #tpu.memory_space<vmem>>
      %dma_wait3A_393 = arith.constant 0 : i32
      %dma_wait3A_394 = tpu.memref_slice %arg6[%rem3A_99, %dma_wait3A_393] : memref<2x2048xi32, #tpu.memory_space<vmem>> -> memref<1x2048xi32, #tpu.memory_space<vmem>>
      %dma_wait3A_395 = tpu.memref_squeeze %dma_wait3A_394 : memref<1x2048xi32, #tpu.memory_space<vmem>> -> memref<2048xi32, #tpu.memory_space<vmem>>
      %dma_wait3A_396 = arith.constant 512 : i32
      %dma_wait3A_397 = tpu.memref_slice %dma_wait3A_395[%dma_wait3A_396] : memref<2048xi32, #tpu.memory_space<vmem>> -> memref<128xi32, #tpu.memory_space<vmem>>
      %dma_wait3A_398 = arith.constant 0 : i32
      %dma_wait3A_399 = arith.constant 0 : i32
      %dma_wait3A_400 = tpu.memref_slice %arg4[%arg0, %dma_wait3A_398, %dma_wait3A_399] : memref<2x50002x32xf32, #tpu.memory_space<hbm>> -> memref<1x50002x32xf32, #tpu.memory_space<hbm>>
      %dma_wait3A_401 = tpu.memref_squeeze %dma_wait3A_400 : memref<1x50002x32xf32, #tpu.memory_space<hbm>> -> memref<50002x32xf32, #tpu.memory_space<hbm>>
      %dma_wait3A_402 = arith.constant 0 : i32
      %dma_wait3A_403 = arith.constant 0 : i32
      %dma_wait3A_404 = tpu.memref_slice %dma_wait3A_401[%dma_wait3A_402, %dma_wait3A_403] : memref<50002x32xf32, #tpu.memory_space<hbm>> -> memref<50002x32xf32, #tpu.memory_space<hbm>>
      tpu.wait_indirect_dma semaphore(%arg10 : memref<!tpu.dma_semaphore, #tpu.memory_space<semaphore_mem>>) src(%dma_wait3A_404 : memref<50002x32xf32, #tpu.memory_space<hbm>>) dst(%dma_wait3A_392 : memref<128x32xf32, #tpu.memory_space<vmem>>)
      %dma_start3A_405 = arith.constant 0 : i32
      %dma_start3A_406 = arith.constant 4 : i32
      %dma_start3A_407 = arith.constant 0 : i32
      %dma_start3A_408 = arith.constant 0 : i32
      %dma_start3A_409 = tpu.memref_slice %arg8[%dma_start3A_405, %dma_start3A_407, %dma_start3A_408] : memref<4x128x32xf32, #tpu.memory_space<vmem>> -> memref<1x128x32xf32, #tpu.memory_space<vmem>>
      %dma_start3A_410 = tpu.memref_squeeze %dma_start3A_409 : memref<1x128x32xf32, #tpu.memory_space<vmem>> -> memref<128x32xf32, #tpu.memory_space<vmem>>
      %dma_start3A_411 = arith.constant 0 : i32
      %dma_start3A_412 = arith.constant 0 : i32
      %dma_start3A_413 = tpu.memref_slice %arg7[%rem3A_99, %dma_start3A_411, %dma_start3A_412] : memref<2x16x128xi32, #tpu.memory_space<vmem>> -> memref<1x16x128xi32, #tpu.memory_space<vmem>>
      %dma_start3A_414 = tpu.memref_squeeze %dma_start3A_413 : memref<1x16x128xi32, #tpu.memory_space<vmem>> -> memref<16x128xi32, #tpu.memory_space<vmem>>
      %dma_start3A_415 = arith.constant 0 : i32
      %dma_start3A_416 = tpu.memref_slice %dma_start3A_414[%dma_start3A_406, %dma_start3A_415] : memref<16x128xi32, #tpu.memory_space<vmem>> -> memref<1x128xi32, #tpu.memory_space<vmem>>
      %dma_start3A_417 = tpu.memref_squeeze %dma_start3A_416 : memref<1x128xi32, #tpu.memory_space<vmem>> -> memref<128xi32, #tpu.memory_space<vmem>>
      %dma_start3A_418 = arith.constant 0 : i32
      %dma_start3A_419 = arith.constant 0 : i32
      %dma_start3A_420 = tpu.memref_slice %arg9[%dma_start3A_418, %dma_start3A_419] : memref<51200x32xf32, #tpu.memory_space<vmem_shared>> -> memref<51200x32xf32, #tpu.memory_space<vmem_shared>>
      tpu.enqueue_indirect_dma source(%dma_start3A_410 : memref<128x32xf32, #tpu.memory_space<vmem>>) target(%dma_start3A_420 : memref<51200x32xf32, #tpu.memory_space<vmem_shared>>) offsets(%dma_start3A_417 : memref<128xi32, #tpu.memory_space<vmem>>) semaphore(%arg12 : memref<!tpu.dma_semaphore, #tpu.memory_space<semaphore_mem>>) {add = true}
      %dma_wait3A_421 = arith.constant 3 : i32
      %dma_wait3A_422 = arith.constant 3 : i32
      %dma_wait3A_423 = arith.constant 0 : i32
      %dma_wait3A_424 = arith.constant 0 : i32
      %dma_wait3A_425 = tpu.memref_slice %arg8[%dma_wait3A_421, %dma_wait3A_423, %dma_wait3A_424] : memref<4x128x32xf32, #tpu.memory_space<vmem>> -> memref<1x128x32xf32, #tpu.memory_space<vmem>>
      %dma_wait3A_426 = tpu.memref_squeeze %dma_wait3A_425 : memref<1x128x32xf32, #tpu.memory_space<vmem>> -> memref<128x32xf32, #tpu.memory_space<vmem>>
      %dma_wait3A_427 = arith.constant 0 : i32
      %dma_wait3A_428 = arith.constant 0 : i32
      %dma_wait3A_429 = tpu.memref_slice %arg7[%rem3A_99, %dma_wait3A_427, %dma_wait3A_428] : memref<2x16x128xi32, #tpu.memory_space<vmem>> -> memref<1x16x128xi32, #tpu.memory_space<vmem>>
      %dma_wait3A_430 = tpu.memref_squeeze %dma_wait3A_429 : memref<1x16x128xi32, #tpu.memory_space<vmem>> -> memref<16x128xi32, #tpu.memory_space<vmem>>
      %dma_wait3A_431 = arith.constant 0 : i32
      %dma_wait3A_432 = tpu.memref_slice %dma_wait3A_430[%dma_wait3A_422, %dma_wait3A_431] : memref<16x128xi32, #tpu.memory_space<vmem>> -> memref<1x128xi32, #tpu.memory_space<vmem>>
      %dma_wait3A_433 = tpu.memref_squeeze %dma_wait3A_432 : memref<1x128xi32, #tpu.memory_space<vmem>> -> memref<128xi32, #tpu.memory_space<vmem>>
      %dma_wait3A_434 = arith.constant 0 : i32
      %dma_wait3A_435 = arith.constant 0 : i32
      %dma_wait3A_436 = tpu.memref_slice %arg9[%dma_wait3A_434, %dma_wait3A_435] : memref<51200x32xf32, #tpu.memory_space<vmem_shared>> -> memref<51200x32xf32, #tpu.memory_space<vmem_shared>>
      tpu.wait_indirect_dma semaphore(%arg12 : memref<!tpu.dma_semaphore, #tpu.memory_space<semaphore_mem>>) src(%dma_wait3A_426 : memref<128x32xf32, #tpu.memory_space<vmem>>) dst(%dma_wait3A_436 : memref<51200x32xf32, #tpu.memory_space<vmem_shared>>)
      %dma_start3A_437 = arith.constant 3 : i32
      %dma_start3A_438 = arith.constant 0 : i32
      %dma_start3A_439 = arith.constant 0 : i32
      %dma_start3A_440 = tpu.memref_slice %arg8[%dma_start3A_437, %dma_start3A_438, %dma_start3A_439] : memref<4x128x32xf32, #tpu.memory_space<vmem>> -> memref<1x128x32xf32, #tpu.memory_space<vmem>>
      %dma_start3A_441 = tpu.memref_squeeze %dma_start3A_440 : memref<1x128x32xf32, #tpu.memory_space<vmem>> -> memref<128x32xf32, #tpu.memory_space<vmem>>
      %dma_start3A_442 = arith.constant 0 : i32
      %dma_start3A_443 = tpu.memref_slice %arg6[%rem3A_99, %dma_start3A_442] : memref<2x2048xi32, #tpu.memory_space<vmem>> -> memref<1x2048xi32, #tpu.memory_space<vmem>>
      %dma_start3A_444 = tpu.memref_squeeze %dma_start3A_443 : memref<1x2048xi32, #tpu.memory_space<vmem>> -> memref<2048xi32, #tpu.memory_space<vmem>>
      %dma_start3A_445 = arith.constant 896 : i32
      %dma_start3A_446 = tpu.memref_slice %dma_start3A_444[%dma_start3A_445] : memref<2048xi32, #tpu.memory_space<vmem>> -> memref<128xi32, #tpu.memory_space<vmem>>
      %dma_start3A_447 = arith.constant 0 : i32
      %dma_start3A_448 = arith.constant 0 : i32
      %dma_start3A_449 = tpu.memref_slice %arg4[%arg0, %dma_start3A_447, %dma_start3A_448] : memref<2x50002x32xf32, #tpu.memory_space<hbm>> -> memref<1x50002x32xf32, #tpu.memory_space<hbm>>
      %dma_start3A_450 = tpu.memref_squeeze %dma_start3A_449 : memref<1x50002x32xf32, #tpu.memory_space<hbm>> -> memref<50002x32xf32, #tpu.memory_space<hbm>>
      %dma_start3A_451 = arith.constant 0 : i32
      %dma_start3A_452 = arith.constant 0 : i32
      %dma_start3A_453 = tpu.memref_slice %dma_start3A_450[%dma_start3A_451, %dma_start3A_452] : memref<50002x32xf32, #tpu.memory_space<hbm>> -> memref<50002x32xf32, #tpu.memory_space<hbm>>
      tpu.enqueue_indirect_dma source(%dma_start3A_453 : memref<50002x32xf32, #tpu.memory_space<hbm>>) target(%dma_start3A_441 : memref<128x32xf32, #tpu.memory_space<vmem>>) offsets(%dma_start3A_446 : memref<128xi32, #tpu.memory_space<vmem>>) semaphore(%arg10 : memref<!tpu.dma_semaphore, #tpu.memory_space<semaphore_mem>>)
      %dma_wait3A_454 = arith.constant 1 : i32
      %dma_wait3A_455 = arith.constant 0 : i32
      %dma_wait3A_456 = arith.constant 0 : i32
      %dma_wait3A_457 = tpu.memref_slice %arg8[%dma_wait3A_454, %dma_wait3A_455, %dma_wait3A_456] : memref<4x128x32xf32, #tpu.memory_space<vmem>> -> memref<1x128x32xf32, #tpu.memory_space<vmem>>
      %dma_wait3A_458 = tpu.memref_squeeze %dma_wait3A_457 : memref<1x128x32xf32, #tpu.memory_space<vmem>> -> memref<128x32xf32, #tpu.memory_space<vmem>>
      %dma_wait3A_459 = arith.constant 0 : i32
      %dma_wait3A_460 = tpu.memref_slice %arg6[%rem3A_99, %dma_wait3A_459] : memref<2x2048xi32, #tpu.memory_space<vmem>> -> memref<1x2048xi32, #tpu.memory_space<vmem>>
      %dma_wait3A_461 = tpu.memref_squeeze %dma_wait3A_460 : memref<1x2048xi32, #tpu.memory_space<vmem>> -> memref<2048xi32, #tpu.memory_space<vmem>>
      %dma_wait3A_462 = arith.constant 640 : i32
      %dma_wait3A_463 = tpu.memref_slice %dma_wait3A_461[%dma_wait3A_462] : memref<2048xi32, #tpu.memory_space<vmem>> -> memref<128xi32, #tpu.memory_space<vmem>>
      %dma_wait3A_464 = arith.constant 0 : i32
      %dma_wait3A_465 = arith.constant 0 : i32
      %dma_wait3A_466 = tpu.memref_slice %arg4[%arg0, %dma_wait3A_464, %dma_wait3A_465] : memref<2x50002x32xf32, #tpu.memory_space<hbm>> -> memref<1x50002x32xf32, #tpu.memory_space<hbm>>
      %dma_wait3A_467 = tpu.memref_squeeze %dma_wait3A_466 : memref<1x50002x32xf32, #tpu.memory_space<hbm>> -> memref<50002x32xf32, #tpu.memory_space<hbm>>
      %dma_wait3A_468 = arith.constant 0 : i32
      %dma_wait3A_469 = arith.constant 0 : i32
      %dma_wait3A_470 = tpu.memref_slice %dma_wait3A_467[%dma_wait3A_468, %dma_wait3A_469] : memref<50002x32xf32, #tpu.memory_space<hbm>> -> memref<50002x32xf32, #tpu.memory_space<hbm>>
      tpu.wait_indirect_dma semaphore(%arg10 : memref<!tpu.dma_semaphore, #tpu.memory_space<semaphore_mem>>) src(%dma_wait3A_470 : memref<50002x32xf32, #tpu.memory_space<hbm>>) dst(%dma_wait3A_458 : memref<128x32xf32, #tpu.memory_space<vmem>>)
      %dma_start3A_471 = arith.constant 1 : i32
      %dma_start3A_472 = arith.constant 5 : i32
      %dma_start3A_473 = arith.constant 0 : i32
      %dma_start3A_474 = arith.constant 0 : i32
      %dma_start3A_475 = tpu.memref_slice %arg8[%dma_start3A_471, %dma_start3A_473, %dma_start3A_474] : memref<4x128x32xf32, #tpu.memory_space<vmem>> -> memref<1x128x32xf32, #tpu.memory_space<vmem>>
      %dma_start3A_476 = tpu.memref_squeeze %dma_start3A_475 : memref<1x128x32xf32, #tpu.memory_space<vmem>> -> memref<128x32xf32, #tpu.memory_space<vmem>>
      %dma_start3A_477 = arith.constant 0 : i32
      %dma_start3A_478 = arith.constant 0 : i32
      %dma_start3A_479 = tpu.memref_slice %arg7[%rem3A_99, %dma_start3A_477, %dma_start3A_478] : memref<2x16x128xi32, #tpu.memory_space<vmem>> -> memref<1x16x128xi32, #tpu.memory_space<vmem>>
      %dma_start3A_480 = tpu.memref_squeeze %dma_start3A_479 : memref<1x16x128xi32, #tpu.memory_space<vmem>> -> memref<16x128xi32, #tpu.memory_space<vmem>>
      %dma_start3A_481 = arith.constant 0 : i32
      %dma_start3A_482 = tpu.memref_slice %dma_start3A_480[%dma_start3A_472, %dma_start3A_481] : memref<16x128xi32, #tpu.memory_space<vmem>> -> memref<1x128xi32, #tpu.memory_space<vmem>>
      %dma_start3A_483 = tpu.memref_squeeze %dma_start3A_482 : memref<1x128xi32, #tpu.memory_space<vmem>> -> memref<128xi32, #tpu.memory_space<vmem>>
      %dma_start3A_484 = arith.constant 0 : i32
      %dma_start3A_485 = arith.constant 0 : i32
      %dma_start3A_486 = tpu.memref_slice %arg9[%dma_start3A_484, %dma_start3A_485] : memref<51200x32xf32, #tpu.memory_space<vmem_shared>> -> memref<51200x32xf32, #tpu.memory_space<vmem_shared>>
      tpu.enqueue_indirect_dma source(%dma_start3A_476 : memref<128x32xf32, #tpu.memory_space<vmem>>) target(%dma_start3A_486 : memref<51200x32xf32, #tpu.memory_space<vmem_shared>>) offsets(%dma_start3A_483 : memref<128xi32, #tpu.memory_space<vmem>>) semaphore(%arg12 : memref<!tpu.dma_semaphore, #tpu.memory_space<semaphore_mem>>) {add = true}
      %dma_wait3A_487 = arith.constant 0 : i32
      %dma_wait3A_488 = arith.constant 4 : i32
      %dma_wait3A_489 = arith.constant 0 : i32
      %dma_wait3A_490 = arith.constant 0 : i32
      %dma_wait3A_491 = tpu.memref_slice %arg8[%dma_wait3A_487, %dma_wait3A_489, %dma_wait3A_490] : memref<4x128x32xf32, #tpu.memory_space<vmem>> -> memref<1x128x32xf32, #tpu.memory_space<vmem>>
      %dma_wait3A_492 = tpu.memref_squeeze %dma_wait3A_491 : memref<1x128x32xf32, #tpu.memory_space<vmem>> -> memref<128x32xf32, #tpu.memory_space<vmem>>
      %dma_wait3A_493 = arith.constant 0 : i32
      %dma_wait3A_494 = arith.constant 0 : i32
      %dma_wait3A_495 = tpu.memref_slice %arg7[%rem3A_99, %dma_wait3A_493, %dma_wait3A_494] : memref<2x16x128xi32, #tpu.memory_space<vmem>> -> memref<1x16x128xi32, #tpu.memory_space<vmem>>
      %dma_wait3A_496 = tpu.memref_squeeze %dma_wait3A_495 : memref<1x16x128xi32, #tpu.memory_space<vmem>> -> memref<16x128xi32, #tpu.memory_space<vmem>>
      %dma_wait3A_497 = arith.constant 0 : i32
      %dma_wait3A_498 = tpu.memref_slice %dma_wait3A_496[%dma_wait3A_488, %dma_wait3A_497] : memref<16x128xi32, #tpu.memory_space<vmem>> -> memref<1x128xi32, #tpu.memory_space<vmem>>
      %dma_wait3A_499 = tpu.memref_squeeze %dma_wait3A_498 : memref<1x128xi32, #tpu.memory_space<vmem>> -> memref<128xi32, #tpu.memory_space<vmem>>
      %dma_wait3A_500 = arith.constant 0 : i32
      %dma_wait3A_501 = arith.constant 0 : i32
      %dma_wait3A_502 = tpu.memref_slice %arg9[%dma_wait3A_500, %dma_wait3A_501] : memref<51200x32xf32, #tpu.memory_space<vmem_shared>> -> memref<51200x32xf32, #tpu.memory_space<vmem_shared>>
      tpu.wait_indirect_dma semaphore(%arg12 : memref<!tpu.dma_semaphore, #tpu.memory_space<semaphore_mem>>) src(%dma_wait3A_492 : memref<128x32xf32, #tpu.memory_space<vmem>>) dst(%dma_wait3A_502 : memref<51200x32xf32, #tpu.memory_space<vmem_shared>>)
      %dma_start3A_503 = arith.constant 0 : i32
      %dma_start3A_504 = arith.constant 0 : i32
      %dma_start3A_505 = arith.constant 0 : i32
      %dma_start3A_506 = tpu.memref_slice %arg8[%dma_start3A_503, %dma_start3A_504, %dma_start3A_505] : memref<4x128x32xf32, #tpu.memory_space<vmem>> -> memref<1x128x32xf32, #tpu.memory_space<vmem>>
      %dma_start3A_507 = tpu.memref_squeeze %dma_start3A_506 : memref<1x128x32xf32, #tpu.memory_space<vmem>> -> memref<128x32xf32, #tpu.memory_space<vmem>>
      %dma_start3A_508 = arith.constant 0 : i32
      %dma_start3A_509 = tpu.memref_slice %arg6[%rem3A_99, %dma_start3A_508] : memref<2x2048xi32, #tpu.memory_space<vmem>> -> memref<1x2048xi32, #tpu.memory_space<vmem>>
      %dma_start3A_510 = tpu.memref_squeeze %dma_start3A_509 : memref<1x2048xi32, #tpu.memory_space<vmem>> -> memref<2048xi32, #tpu.memory_space<vmem>>
      %dma_start3A_511 = arith.constant 1024 : i32
      %dma_start3A_512 = tpu.memref_slice %dma_start3A_510[%dma_start3A_511] : memref<2048xi32, #tpu.memory_space<vmem>> -> memref<128xi32, #tpu.memory_space<vmem>>
      %dma_start3A_513 = arith.constant 0 : i32
      %dma_start3A_514 = arith.constant 0 : i32
      %dma_start3A_515 = tpu.memref_slice %arg4[%arg0, %dma_start3A_513, %dma_start3A_514] : memref<2x50002x32xf32, #tpu.memory_space<hbm>> -> memref<1x50002x32xf32, #tpu.memory_space<hbm>>
      %dma_start3A_516 = tpu.memref_squeeze %dma_start3A_515 : memref<1x50002x32xf32, #tpu.memory_space<hbm>> -> memref<50002x32xf32, #tpu.memory_space<hbm>>
      %dma_start3A_517 = arith.constant 0 : i32
      %dma_start3A_518 = arith.constant 0 : i32
      %dma_start3A_519 = tpu.memref_slice %dma_start3A_516[%dma_start3A_517, %dma_start3A_518] : memref<50002x32xf32, #tpu.memory_space<hbm>> -> memref<50002x32xf32, #tpu.memory_space<hbm>>
      tpu.enqueue_indirect_dma source(%dma_start3A_519 : memref<50002x32xf32, #tpu.memory_space<hbm>>) target(%dma_start3A_507 : memref<128x32xf32, #tpu.memory_space<vmem>>) offsets(%dma_start3A_512 : memref<128xi32, #tpu.memory_space<vmem>>) semaphore(%arg10 : memref<!tpu.dma_semaphore, #tpu.memory_space<semaphore_mem>>)
      %dma_wait3A_520 = arith.constant 2 : i32
      %dma_wait3A_521 = arith.constant 0 : i32
      %dma_wait3A_522 = arith.constant 0 : i32
      %dma_wait3A_523 = tpu.memref_slice %arg8[%dma_wait3A_520, %dma_wait3A_521, %dma_wait3A_522] : memref<4x128x32xf32, #tpu.memory_space<vmem>> -> memref<1x128x32xf32, #tpu.memory_space<vmem>>
      %dma_wait3A_524 = tpu.memref_squeeze %dma_wait3A_523 : memref<1x128x32xf32, #tpu.memory_space<vmem>> -> memref<128x32xf32, #tpu.memory_space<vmem>>
      %dma_wait3A_525 = arith.constant 0 : i32
      %dma_wait3A_526 = tpu.memref_slice %arg6[%rem3A_99, %dma_wait3A_525] : memref<2x2048xi32, #tpu.memory_space<vmem>> -> memref<1x2048xi32, #tpu.memory_space<vmem>>
      %dma_wait3A_527 = tpu.memref_squeeze %dma_wait3A_526 : memref<1x2048xi32, #tpu.memory_space<vmem>> -> memref<2048xi32, #tpu.memory_space<vmem>>
      %dma_wait3A_528 = arith.constant 768 : i32
      %dma_wait3A_529 = tpu.memref_slice %dma_wait3A_527[%dma_wait3A_528] : memref<2048xi32, #tpu.memory_space<vmem>> -> memref<128xi32, #tpu.memory_space<vmem>>
      %dma_wait3A_530 = arith.constant 0 : i32
      %dma_wait3A_531 = arith.constant 0 : i32
      %dma_wait3A_532 = tpu.memref_slice %arg4[%arg0, %dma_wait3A_530, %dma_wait3A_531] : memref<2x50002x32xf32, #tpu.memory_space<hbm>> -> memref<1x50002x32xf32, #tpu.memory_space<hbm>>
      %dma_wait3A_533 = tpu.memref_squeeze %dma_wait3A_532 : memref<1x50002x32xf32, #tpu.memory_space<hbm>> -> memref<50002x32xf32, #tpu.memory_space<hbm>>
      %dma_wait3A_534 = arith.constant 0 : i32
      %dma_wait3A_535 = arith.constant 0 : i32
      %dma_wait3A_536 = tpu.memref_slice %dma_wait3A_533[%dma_wait3A_534, %dma_wait3A_535] : memref<50002x32xf32, #tpu.memory_space<hbm>> -> memref<50002x32xf32, #tpu.memory_space<hbm>>
      tpu.wait_indirect_dma semaphore(%arg10 : memref<!tpu.dma_semaphore, #tpu.memory_space<semaphore_mem>>) src(%dma_wait3A_536 : memref<50002x32xf32, #tpu.memory_space<hbm>>) dst(%dma_wait3A_524 : memref<128x32xf32, #tpu.memory_space<vmem>>)
      %dma_start3A_537 = arith.constant 2 : i32
      %dma_start3A_538 = arith.constant 6 : i32
      %dma_start3A_539 = arith.constant 0 : i32
      %dma_start3A_540 = arith.constant 0 : i32
      %dma_start3A_541 = tpu.memref_slice %arg8[%dma_start3A_537, %dma_start3A_539, %dma_start3A_540] : memref<4x128x32xf32, #tpu.memory_space<vmem>> -> memref<1x128x32xf32, #tpu.memory_space<vmem>>
      %dma_start3A_542 = tpu.memref_squeeze %dma_start3A_541 : memref<1x128x32xf32, #tpu.memory_space<vmem>> -> memref<128x32xf32, #tpu.memory_space<vmem>>
      %dma_start3A_543 = arith.constant 0 : i32
      %dma_start3A_544 = arith.constant 0 : i32
      %dma_start3A_545 = tpu.memref_slice %arg7[%rem3A_99, %dma_start3A_543, %dma_start3A_544] : memref<2x16x128xi32, #tpu.memory_space<vmem>> -> memref<1x16x128xi32, #tpu.memory_space<vmem>>
      %dma_start3A_546 = tpu.memref_squeeze %dma_start3A_545 : memref<1x16x128xi32, #tpu.memory_space<vmem>> -> memref<16x128xi32, #tpu.memory_space<vmem>>
      %dma_start3A_547 = arith.constant 0 : i32
      %dma_start3A_548 = tpu.memref_slice %dma_start3A_546[%dma_start3A_538, %dma_start3A_547] : memref<16x128xi32, #tpu.memory_space<vmem>> -> memref<1x128xi32, #tpu.memory_space<vmem>>
      %dma_start3A_549 = tpu.memref_squeeze %dma_start3A_548 : memref<1x128xi32, #tpu.memory_space<vmem>> -> memref<128xi32, #tpu.memory_space<vmem>>
      %dma_start3A_550 = arith.constant 0 : i32
      %dma_start3A_551 = arith.constant 0 : i32
      %dma_start3A_552 = tpu.memref_slice %arg9[%dma_start3A_550, %dma_start3A_551] : memref<51200x32xf32, #tpu.memory_space<vmem_shared>> -> memref<51200x32xf32, #tpu.memory_space<vmem_shared>>
      tpu.enqueue_indirect_dma source(%dma_start3A_542 : memref<128x32xf32, #tpu.memory_space<vmem>>) target(%dma_start3A_552 : memref<51200x32xf32, #tpu.memory_space<vmem_shared>>) offsets(%dma_start3A_549 : memref<128xi32, #tpu.memory_space<vmem>>) semaphore(%arg12 : memref<!tpu.dma_semaphore, #tpu.memory_space<semaphore_mem>>) {add = true}
      %dma_wait3A_553 = arith.constant 1 : i32
      %dma_wait3A_554 = arith.constant 5 : i32
      %dma_wait3A_555 = arith.constant 0 : i32
      %dma_wait3A_556 = arith.constant 0 : i32
      %dma_wait3A_557 = tpu.memref_slice %arg8[%dma_wait3A_553, %dma_wait3A_555, %dma_wait3A_556] : memref<4x128x32xf32, #tpu.memory_space<vmem>> -> memref<1x128x32xf32, #tpu.memory_space<vmem>>
      %dma_wait3A_558 = tpu.memref_squeeze %dma_wait3A_557 : memref<1x128x32xf32, #tpu.memory_space<vmem>> -> memref<128x32xf32, #tpu.memory_space<vmem>>
      %dma_wait3A_559 = arith.constant 0 : i32
      %dma_wait3A_560 = arith.constant 0 : i32
      %dma_wait3A_561 = tpu.memref_slice %arg7[%rem3A_99, %dma_wait3A_559, %dma_wait3A_560] : memref<2x16x128xi32, #tpu.memory_space<vmem>> -> memref<1x16x128xi32, #tpu.memory_space<vmem>>
      %dma_wait3A_562 = tpu.memref_squeeze %dma_wait3A_561 : memref<1x16x128xi32, #tpu.memory_space<vmem>> -> memref<16x128xi32, #tpu.memory_space<vmem>>
      %dma_wait3A_563 = arith.constant 0 : i32
      %dma_wait3A_564 = tpu.memref_slice %dma_wait3A_562[%dma_wait3A_554, %dma_wait3A_563] : memref<16x128xi32, #tpu.memory_space<vmem>> -> memref<1x128xi32, #tpu.memory_space<vmem>>
      %dma_wait3A_565 = tpu.memref_squeeze %dma_wait3A_564 : memref<1x128xi32, #tpu.memory_space<vmem>> -> memref<128xi32, #tpu.memory_space<vmem>>
      %dma_wait3A_566 = arith.constant 0 : i32
      %dma_wait3A_567 = arith.constant 0 : i32
      %dma_wait3A_568 = tpu.memref_slice %arg9[%dma_wait3A_566, %dma_wait3A_567] : memref<51200x32xf32, #tpu.memory_space<vmem_shared>> -> memref<51200x32xf32, #tpu.memory_space<vmem_shared>>
      tpu.wait_indirect_dma semaphore(%arg12 : memref<!tpu.dma_semaphore, #tpu.memory_space<semaphore_mem>>) src(%dma_wait3A_558 : memref<128x32xf32, #tpu.memory_space<vmem>>) dst(%dma_wait3A_568 : memref<51200x32xf32, #tpu.memory_space<vmem_shared>>)
      %dma_start3A_569 = arith.constant 1 : i32
      %dma_start3A_570 = arith.constant 0 : i32
      %dma_start3A_571 = arith.constant 0 : i32
      %dma_start3A_572 = tpu.memref_slice %arg8[%dma_start3A_569, %dma_start3A_570, %dma_start3A_571] : memref<4x128x32xf32, #tpu.memory_space<vmem>> -> memref<1x128x32xf32, #tpu.memory_space<vmem>>
      %dma_start3A_573 = tpu.memref_squeeze %dma_start3A_572 : memref<1x128x32xf32, #tpu.memory_space<vmem>> -> memref<128x32xf32, #tpu.memory_space<vmem>>
      %dma_start3A_574 = arith.constant 0 : i32
      %dma_start3A_575 = tpu.memref_slice %arg6[%rem3A_99, %dma_start3A_574] : memref<2x2048xi32, #tpu.memory_space<vmem>> -> memref<1x2048xi32, #tpu.memory_space<vmem>>
      %dma_start3A_576 = tpu.memref_squeeze %dma_start3A_575 : memref<1x2048xi32, #tpu.memory_space<vmem>> -> memref<2048xi32, #tpu.memory_space<vmem>>
      %dma_start3A_577 = arith.constant 1152 : i32
      %dma_start3A_578 = tpu.memref_slice %dma_start3A_576[%dma_start3A_577] : memref<2048xi32, #tpu.memory_space<vmem>> -> memref<128xi32, #tpu.memory_space<vmem>>
      %dma_start3A_579 = arith.constant 0 : i32
      %dma_start3A_580 = arith.constant 0 : i32
      %dma_start3A_581 = tpu.memref_slice %arg4[%arg0, %dma_start3A_579, %dma_start3A_580] : memref<2x50002x32xf32, #tpu.memory_space<hbm>> -> memref<1x50002x32xf32, #tpu.memory_space<hbm>>
      %dma_start3A_582 = tpu.memref_squeeze %dma_start3A_581 : memref<1x50002x32xf32, #tpu.memory_space<hbm>> -> memref<50002x32xf32, #tpu.memory_space<hbm>>
      %dma_start3A_583 = arith.constant 0 : i32
      %dma_start3A_584 = arith.constant 0 : i32
      %dma_start3A_585 = tpu.memref_slice %dma_start3A_582[%dma_start3A_583, %dma_start3A_584] : memref<50002x32xf32, #tpu.memory_space<hbm>> -> memref<50002x32xf32, #tpu.memory_space<hbm>>
      tpu.enqueue_indirect_dma source(%dma_start3A_585 : memref<50002x32xf32, #tpu.memory_space<hbm>>) target(%dma_start3A_573 : memref<128x32xf32, #tpu.memory_space<vmem>>) offsets(%dma_start3A_578 : memref<128xi32, #tpu.memory_space<vmem>>) semaphore(%arg10 : memref<!tpu.dma_semaphore, #tpu.memory_space<semaphore_mem>>)
      %dma_wait3A_586 = arith.constant 3 : i32
      %dma_wait3A_587 = arith.constant 0 : i32
      %dma_wait3A_588 = arith.constant 0 : i32
      %dma_wait3A_589 = tpu.memref_slice %arg8[%dma_wait3A_586, %dma_wait3A_587, %dma_wait3A_588] : memref<4x128x32xf32, #tpu.memory_space<vmem>> -> memref<1x128x32xf32, #tpu.memory_space<vmem>>
      %dma_wait3A_590 = tpu.memref_squeeze %dma_wait3A_589 : memref<1x128x32xf32, #tpu.memory_space<vmem>> -> memref<128x32xf32, #tpu.memory_space<vmem>>
      %dma_wait3A_591 = arith.constant 0 : i32
      %dma_wait3A_592 = tpu.memref_slice %arg6[%rem3A_99, %dma_wait3A_591] : memref<2x2048xi32, #tpu.memory_space<vmem>> -> memref<1x2048xi32, #tpu.memory_space<vmem>>
      %dma_wait3A_593 = tpu.memref_squeeze %dma_wait3A_592 : memref<1x2048xi32, #tpu.memory_space<vmem>> -> memref<2048xi32, #tpu.memory_space<vmem>>
      %dma_wait3A_594 = arith.constant 896 : i32
      %dma_wait3A_595 = tpu.memref_slice %dma_wait3A_593[%dma_wait3A_594] : memref<2048xi32, #tpu.memory_space<vmem>> -> memref<128xi32, #tpu.memory_space<vmem>>
      %dma_wait3A_596 = arith.constant 0 : i32
      %dma_wait3A_597 = arith.constant 0 : i32
      %dma_wait3A_598 = tpu.memref_slice %arg4[%arg0, %dma_wait3A_596, %dma_wait3A_597] : memref<2x50002x32xf32, #tpu.memory_space<hbm>> -> memref<1x50002x32xf32, #tpu.memory_space<hbm>>
      %dma_wait3A_599 = tpu.memref_squeeze %dma_wait3A_598 : memref<1x50002x32xf32, #tpu.memory_space<hbm>> -> memref<50002x32xf32, #tpu.memory_space<hbm>>
      %dma_wait3A_600 = arith.constant 0 : i32
      %dma_wait3A_601 = arith.constant 0 : i32
      %dma_wait3A_602 = tpu.memref_slice %dma_wait3A_599[%dma_wait3A_600, %dma_wait3A_601] : memref<50002x32xf32, #tpu.memory_space<hbm>> -> memref<50002x32xf32, #tpu.memory_space<hbm>>
      tpu.wait_indirect_dma semaphore(%arg10 : memref<!tpu.dma_semaphore, #tpu.memory_space<semaphore_mem>>) src(%dma_wait3A_602 : memref<50002x32xf32, #tpu.memory_space<hbm>>) dst(%dma_wait3A_590 : memref<128x32xf32, #tpu.memory_space<vmem>>)
      %dma_start3A_603 = arith.constant 3 : i32
      %dma_start3A_604 = arith.constant 7 : i32
      %dma_start3A_605 = arith.constant 0 : i32
      %dma_start3A_606 = arith.constant 0 : i32
      %dma_start3A_607 = tpu.memref_slice %arg8[%dma_start3A_603, %dma_start3A_605, %dma_start3A_606] : memref<4x128x32xf32, #tpu.memory_space<vmem>> -> memref<1x128x32xf32, #tpu.memory_space<vmem>>
      %dma_start3A_608 = tpu.memref_squeeze %dma_start3A_607 : memref<1x128x32xf32, #tpu.memory_space<vmem>> -> memref<128x32xf32, #tpu.memory_space<vmem>>
      %dma_start3A_609 = arith.constant 0 : i32
      %dma_start3A_610 = arith.constant 0 : i32
      %dma_start3A_611 = tpu.memref_slice %arg7[%rem3A_99, %dma_start3A_609, %dma_start3A_610] : memref<2x16x128xi32, #tpu.memory_space<vmem>> -> memref<1x16x128xi32, #tpu.memory_space<vmem>>
      %dma_start3A_612 = tpu.memref_squeeze %dma_start3A_611 : memref<1x16x128xi32, #tpu.memory_space<vmem>> -> memref<16x128xi32, #tpu.memory_space<vmem>>
      %dma_start3A_613 = arith.constant 0 : i32
      %dma_start3A_614 = tpu.memref_slice %dma_start3A_612[%dma_start3A_604, %dma_start3A_613] : memref<16x128xi32, #tpu.memory_space<vmem>> -> memref<1x128xi32, #tpu.memory_space<vmem>>
      %dma_start3A_615 = tpu.memref_squeeze %dma_start3A_614 : memref<1x128xi32, #tpu.memory_space<vmem>> -> memref<128xi32, #tpu.memory_space<vmem>>
      %dma_start3A_616 = arith.constant 0 : i32
      %dma_start3A_617 = arith.constant 0 : i32
      %dma_start3A_618 = tpu.memref_slice %arg9[%dma_start3A_616, %dma_start3A_617] : memref<51200x32xf32, #tpu.memory_space<vmem_shared>> -> memref<51200x32xf32, #tpu.memory_space<vmem_shared>>
      tpu.enqueue_indirect_dma source(%dma_start3A_608 : memref<128x32xf32, #tpu.memory_space<vmem>>) target(%dma_start3A_618 : memref<51200x32xf32, #tpu.memory_space<vmem_shared>>) offsets(%dma_start3A_615 : memref<128xi32, #tpu.memory_space<vmem>>) semaphore(%arg12 : memref<!tpu.dma_semaphore, #tpu.memory_space<semaphore_mem>>) {add = true}
      %dma_wait3A_619 = arith.constant 2 : i32
      %dma_wait3A_620 = arith.constant 6 : i32
      %dma_wait3A_621 = arith.constant 0 : i32
      %dma_wait3A_622 = arith.constant 0 : i32
      %dma_wait3A_623 = tpu.memref_slice %arg8[%dma_wait3A_619, %dma_wait3A_621, %dma_wait3A_622] : memref<4x128x32xf32, #tpu.memory_space<vmem>> -> memref<1x128x32xf32, #tpu.memory_space<vmem>>
      %dma_wait3A_624 = tpu.memref_squeeze %dma_wait3A_623 : memref<1x128x32xf32, #tpu.memory_space<vmem>> -> memref<128x32xf32, #tpu.memory_space<vmem>>
      %dma_wait3A_625 = arith.constant 0 : i32
      %dma_wait3A_626 = arith.constant 0 : i32
      %dma_wait3A_627 = tpu.memref_slice %arg7[%rem3A_99, %dma_wait3A_625, %dma_wait3A_626] : memref<2x16x128xi32, #tpu.memory_space<vmem>> -> memref<1x16x128xi32, #tpu.memory_space<vmem>>
      %dma_wait3A_628 = tpu.memref_squeeze %dma_wait3A_627 : memref<1x16x128xi32, #tpu.memory_space<vmem>> -> memref<16x128xi32, #tpu.memory_space<vmem>>
      %dma_wait3A_629 = arith.constant 0 : i32
      %dma_wait3A_630 = tpu.memref_slice %dma_wait3A_628[%dma_wait3A_620, %dma_wait3A_629] : memref<16x128xi32, #tpu.memory_space<vmem>> -> memref<1x128xi32, #tpu.memory_space<vmem>>
      %dma_wait3A_631 = tpu.memref_squeeze %dma_wait3A_630 : memref<1x128xi32, #tpu.memory_space<vmem>> -> memref<128xi32, #tpu.memory_space<vmem>>
      %dma_wait3A_632 = arith.constant 0 : i32
      %dma_wait3A_633 = arith.constant 0 : i32
      %dma_wait3A_634 = tpu.memref_slice %arg9[%dma_wait3A_632, %dma_wait3A_633] : memref<51200x32xf32, #tpu.memory_space<vmem_shared>> -> memref<51200x32xf32, #tpu.memory_space<vmem_shared>>
      tpu.wait_indirect_dma semaphore(%arg12 : memref<!tpu.dma_semaphore, #tpu.memory_space<semaphore_mem>>) src(%dma_wait3A_624 : memref<128x32xf32, #tpu.memory_space<vmem>>) dst(%dma_wait3A_634 : memref<51200x32xf32, #tpu.memory_space<vmem_shared>>)
      %dma_start3A_635 = arith.constant 2 : i32
      %dma_start3A_636 = arith.constant 0 : i32
      %dma_start3A_637 = arith.constant 0 : i32
      %dma_start3A_638 = tpu.memref_slice %arg8[%dma_start3A_635, %dma_start3A_636, %dma_start3A_637] : memref<4x128x32xf32, #tpu.memory_space<vmem>> -> memref<1x128x32xf32, #tpu.memory_space<vmem>>
      %dma_start3A_639 = tpu.memref_squeeze %dma_start3A_638 : memref<1x128x32xf32, #tpu.memory_space<vmem>> -> memref<128x32xf32, #tpu.memory_space<vmem>>
      %dma_start3A_640 = arith.constant 0 : i32
      %dma_start3A_641 = tpu.memref_slice %arg6[%rem3A_99, %dma_start3A_640] : memref<2x2048xi32, #tpu.memory_space<vmem>> -> memref<1x2048xi32, #tpu.memory_space<vmem>>
      %dma_start3A_642 = tpu.memref_squeeze %dma_start3A_641 : memref<1x2048xi32, #tpu.memory_space<vmem>> -> memref<2048xi32, #tpu.memory_space<vmem>>
      %dma_start3A_643 = arith.constant 1280 : i32
      %dma_start3A_644 = tpu.memref_slice %dma_start3A_642[%dma_start3A_643] : memref<2048xi32, #tpu.memory_space<vmem>> -> memref<128xi32, #tpu.memory_space<vmem>>
      %dma_start3A_645 = arith.constant 0 : i32
      %dma_start3A_646 = arith.constant 0 : i32
      %dma_start3A_647 = tpu.memref_slice %arg4[%arg0, %dma_start3A_645, %dma_start3A_646] : memref<2x50002x32xf32, #tpu.memory_space<hbm>> -> memref<1x50002x32xf32, #tpu.memory_space<hbm>>
      %dma_start3A_648 = tpu.memref_squeeze %dma_start3A_647 : memref<1x50002x32xf32, #tpu.memory_space<hbm>> -> memref<50002x32xf32, #tpu.memory_space<hbm>>
      %dma_start3A_649 = arith.constant 0 : i32
      %dma_start3A_650 = arith.constant 0 : i32
      %dma_start3A_651 = tpu.memref_slice %dma_start3A_648[%dma_start3A_649, %dma_start3A_650] : memref<50002x32xf32, #tpu.memory_space<hbm>> -> memref<50002x32xf32, #tpu.memory_space<hbm>>
      tpu.enqueue_indirect_dma source(%dma_start3A_651 : memref<50002x32xf32, #tpu.memory_space<hbm>>) target(%dma_start3A_639 : memref<128x32xf32, #tpu.memory_space<vmem>>) offsets(%dma_start3A_644 : memref<128xi32, #tpu.memory_space<vmem>>) semaphore(%arg10 : memref<!tpu.dma_semaphore, #tpu.memory_space<semaphore_mem>>)
      %dma_wait3A_652 = arith.constant 0 : i32
      %dma_wait3A_653 = arith.constant 0 : i32
      %dma_wait3A_654 = arith.constant 0 : i32
      %dma_wait3A_655 = tpu.memref_slice %arg8[%dma_wait3A_652, %dma_wait3A_653, %dma_wait3A_654] : memref<4x128x32xf32, #tpu.memory_space<vmem>> -> memref<1x128x32xf32, #tpu.memory_space<vmem>>
      %dma_wait3A_656 = tpu.memref_squeeze %dma_wait3A_655 : memref<1x128x32xf32, #tpu.memory_space<vmem>> -> memref<128x32xf32, #tpu.memory_space<vmem>>
      %dma_wait3A_657 = arith.constant 0 : i32
      %dma_wait3A_658 = tpu.memref_slice %arg6[%rem3A_99, %dma_wait3A_657] : memref<2x2048xi32, #tpu.memory_space<vmem>> -> memref<1x2048xi32, #tpu.memory_space<vmem>>
      %dma_wait3A_659 = tpu.memref_squeeze %dma_wait3A_658 : memref<1x2048xi32, #tpu.memory_space<vmem>> -> memref<2048xi32, #tpu.memory_space<vmem>>
      %dma_wait3A_660 = arith.constant 1024 : i32
      %dma_wait3A_661 = tpu.memref_slice %dma_wait3A_659[%dma_wait3A_660] : memref<2048xi32, #tpu.memory_space<vmem>> -> memref<128xi32, #tpu.memory_space<vmem>>
      %dma_wait3A_662 = arith.constant 0 : i32
      %dma_wait3A_663 = arith.constant 0 : i32
      %dma_wait3A_664 = tpu.memref_slice %arg4[%arg0, %dma_wait3A_662, %dma_wait3A_663] : memref<2x50002x32xf32, #tpu.memory_space<hbm>> -> memref<1x50002x32xf32, #tpu.memory_space<hbm>>
      %dma_wait3A_665 = tpu.memref_squeeze %dma_wait3A_664 : memref<1x50002x32xf32, #tpu.memory_space<hbm>> -> memref<50002x32xf32, #tpu.memory_space<hbm>>
      %dma_wait3A_666 = arith.constant 0 : i32
      %dma_wait3A_667 = arith.constant 0 : i32
      %dma_wait3A_668 = tpu.memref_slice %dma_wait3A_665[%dma_wait3A_666, %dma_wait3A_667] : memref<50002x32xf32, #tpu.memory_space<hbm>> -> memref<50002x32xf32, #tpu.memory_space<hbm>>
      tpu.wait_indirect_dma semaphore(%arg10 : memref<!tpu.dma_semaphore, #tpu.memory_space<semaphore_mem>>) src(%dma_wait3A_668 : memref<50002x32xf32, #tpu.memory_space<hbm>>) dst(%dma_wait3A_656 : memref<128x32xf32, #tpu.memory_space<vmem>>)
      %dma_start3A_669 = arith.constant 0 : i32
      %dma_start3A_670 = arith.constant 8 : i32
      %dma_start3A_671 = arith.constant 0 : i32
      %dma_start3A_672 = arith.constant 0 : i32
      %dma_start3A_673 = tpu.memref_slice %arg8[%dma_start3A_669, %dma_start3A_671, %dma_start3A_672] : memref<4x128x32xf32, #tpu.memory_space<vmem>> -> memref<1x128x32xf32, #tpu.memory_space<vmem>>
      %dma_start3A_674 = tpu.memref_squeeze %dma_start3A_673 : memref<1x128x32xf32, #tpu.memory_space<vmem>> -> memref<128x32xf32, #tpu.memory_space<vmem>>
      %dma_start3A_675 = arith.constant 0 : i32
      %dma_start3A_676 = arith.constant 0 : i32
      %dma_start3A_677 = tpu.memref_slice %arg7[%rem3A_99, %dma_start3A_675, %dma_start3A_676] : memref<2x16x128xi32, #tpu.memory_space<vmem>> -> memref<1x16x128xi32, #tpu.memory_space<vmem>>
      %dma_start3A_678 = tpu.memref_squeeze %dma_start3A_677 : memref<1x16x128xi32, #tpu.memory_space<vmem>> -> memref<16x128xi32, #tpu.memory_space<vmem>>
      %dma_start3A_679 = arith.constant 0 : i32
      %dma_start3A_680 = tpu.memref_slice %dma_start3A_678[%dma_start3A_670, %dma_start3A_679] : memref<16x128xi32, #tpu.memory_space<vmem>> -> memref<1x128xi32, #tpu.memory_space<vmem>>
      %dma_start3A_681 = tpu.memref_squeeze %dma_start3A_680 : memref<1x128xi32, #tpu.memory_space<vmem>> -> memref<128xi32, #tpu.memory_space<vmem>>
      %dma_start3A_682 = arith.constant 0 : i32
      %dma_start3A_683 = arith.constant 0 : i32
      %dma_start3A_684 = tpu.memref_slice %arg9[%dma_start3A_682, %dma_start3A_683] : memref<51200x32xf32, #tpu.memory_space<vmem_shared>> -> memref<51200x32xf32, #tpu.memory_space<vmem_shared>>
      tpu.enqueue_indirect_dma source(%dma_start3A_674 : memref<128x32xf32, #tpu.memory_space<vmem>>) target(%dma_start3A_684 : memref<51200x32xf32, #tpu.memory_space<vmem_shared>>) offsets(%dma_start3A_681 : memref<128xi32, #tpu.memory_space<vmem>>) semaphore(%arg12 : memref<!tpu.dma_semaphore, #tpu.memory_space<semaphore_mem>>) {add = true}
      %dma_wait3A_685 = arith.constant 3 : i32
      %dma_wait3A_686 = arith.constant 7 : i32
      %dma_wait3A_687 = arith.constant 0 : i32
      %dma_wait3A_688 = arith.constant 0 : i32
      %dma_wait3A_689 = tpu.memref_slice %arg8[%dma_wait3A_685, %dma_wait3A_687, %dma_wait3A_688] : memref<4x128x32xf32, #tpu.memory_space<vmem>> -> memref<1x128x32xf32, #tpu.memory_space<vmem>>
      %dma_wait3A_690 = tpu.memref_squeeze %dma_wait3A_689 : memref<1x128x32xf32, #tpu.memory_space<vmem>> -> memref<128x32xf32, #tpu.memory_space<vmem>>
      %dma_wait3A_691 = arith.constant 0 : i32
      %dma_wait3A_692 = arith.constant 0 : i32
      %dma_wait3A_693 = tpu.memref_slice %arg7[%rem3A_99, %dma_wait3A_691, %dma_wait3A_692] : memref<2x16x128xi32, #tpu.memory_space<vmem>> -> memref<1x16x128xi32, #tpu.memory_space<vmem>>
      %dma_wait3A_694 = tpu.memref_squeeze %dma_wait3A_693 : memref<1x16x128xi32, #tpu.memory_space<vmem>> -> memref<16x128xi32, #tpu.memory_space<vmem>>
      %dma_wait3A_695 = arith.constant 0 : i32
      %dma_wait3A_696 = tpu.memref_slice %dma_wait3A_694[%dma_wait3A_686, %dma_wait3A_695] : memref<16x128xi32, #tpu.memory_space<vmem>> -> memref<1x128xi32, #tpu.memory_space<vmem>>
      %dma_wait3A_697 = tpu.memref_squeeze %dma_wait3A_696 : memref<1x128xi32, #tpu.memory_space<vmem>> -> memref<128xi32, #tpu.memory_space<vmem>>
      %dma_wait3A_698 = arith.constant 0 : i32
      %dma_wait3A_699 = arith.constant 0 : i32
      %dma_wait3A_700 = tpu.memref_slice %arg9[%dma_wait3A_698, %dma_wait3A_699] : memref<51200x32xf32, #tpu.memory_space<vmem_shared>> -> memref<51200x32xf32, #tpu.memory_space<vmem_shared>>
      tpu.wait_indirect_dma semaphore(%arg12 : memref<!tpu.dma_semaphore, #tpu.memory_space<semaphore_mem>>) src(%dma_wait3A_690 : memref<128x32xf32, #tpu.memory_space<vmem>>) dst(%dma_wait3A_700 : memref<51200x32xf32, #tpu.memory_space<vmem_shared>>)
      %dma_start3A_701 = arith.constant 3 : i32
      %dma_start3A_702 = arith.constant 0 : i32
      %dma_start3A_703 = arith.constant 0 : i32
      %dma_start3A_704 = tpu.memref_slice %arg8[%dma_start3A_701, %dma_start3A_702, %dma_start3A_703] : memref<4x128x32xf32, #tpu.memory_space<vmem>> -> memref<1x128x32xf32, #tpu.memory_space<vmem>>
      %dma_start3A_705 = tpu.memref_squeeze %dma_start3A_704 : memref<1x128x32xf32, #tpu.memory_space<vmem>> -> memref<128x32xf32, #tpu.memory_space<vmem>>
      %dma_start3A_706 = arith.constant 0 : i32
      %dma_start3A_707 = tpu.memref_slice %arg6[%rem3A_99, %dma_start3A_706] : memref<2x2048xi32, #tpu.memory_space<vmem>> -> memref<1x2048xi32, #tpu.memory_space<vmem>>
      %dma_start3A_708 = tpu.memref_squeeze %dma_start3A_707 : memref<1x2048xi32, #tpu.memory_space<vmem>> -> memref<2048xi32, #tpu.memory_space<vmem>>
      %dma_start3A_709 = arith.constant 1408 : i32
      %dma_start3A_710 = tpu.memref_slice %dma_start3A_708[%dma_start3A_709] : memref<2048xi32, #tpu.memory_space<vmem>> -> memref<128xi32, #tpu.memory_space<vmem>>
      %dma_start3A_711 = arith.constant 0 : i32
      %dma_start3A_712 = arith.constant 0 : i32
      %dma_start3A_713 = tpu.memref_slice %arg4[%arg0, %dma_start3A_711, %dma_start3A_712] : memref<2x50002x32xf32, #tpu.memory_space<hbm>> -> memref<1x50002x32xf32, #tpu.memory_space<hbm>>
      %dma_start3A_714 = tpu.memref_squeeze %dma_start3A_713 : memref<1x50002x32xf32, #tpu.memory_space<hbm>> -> memref<50002x32xf32, #tpu.memory_space<hbm>>
      %dma_start3A_715 = arith.constant 0 : i32
      %dma_start3A_716 = arith.constant 0 : i32
      %dma_start3A_717 = tpu.memref_slice %dma_start3A_714[%dma_start3A_715, %dma_start3A_716] : memref<50002x32xf32, #tpu.memory_space<hbm>> -> memref<50002x32xf32, #tpu.memory_space<hbm>>
      tpu.enqueue_indirect_dma source(%dma_start3A_717 : memref<50002x32xf32, #tpu.memory_space<hbm>>) target(%dma_start3A_705 : memref<128x32xf32, #tpu.memory_space<vmem>>) offsets(%dma_start3A_710 : memref<128xi32, #tpu.memory_space<vmem>>) semaphore(%arg10 : memref<!tpu.dma_semaphore, #tpu.memory_space<semaphore_mem>>)
      %dma_wait3A_718 = arith.constant 1 : i32
      %dma_wait3A_719 = arith.constant 0 : i32
      %dma_wait3A_720 = arith.constant 0 : i32
      %dma_wait3A_721 = tpu.memref_slice %arg8[%dma_wait3A_718, %dma_wait3A_719, %dma_wait3A_720] : memref<4x128x32xf32, #tpu.memory_space<vmem>> -> memref<1x128x32xf32, #tpu.memory_space<vmem>>
      %dma_wait3A_722 = tpu.memref_squeeze %dma_wait3A_721 : memref<1x128x32xf32, #tpu.memory_space<vmem>> -> memref<128x32xf32, #tpu.memory_space<vmem>>
      %dma_wait3A_723 = arith.constant 0 : i32
      %dma_wait3A_724 = tpu.memref_slice %arg6[%rem3A_99, %dma_wait3A_723] : memref<2x2048xi32, #tpu.memory_space<vmem>> -> memref<1x2048xi32, #tpu.memory_space<vmem>>
      %dma_wait3A_725 = tpu.memref_squeeze %dma_wait3A_724 : memref<1x2048xi32, #tpu.memory_space<vmem>> -> memref<2048xi32, #tpu.memory_space<vmem>>
      %dma_wait3A_726 = arith.constant 1152 : i32
      %dma_wait3A_727 = tpu.memref_slice %dma_wait3A_725[%dma_wait3A_726] : memref<2048xi32, #tpu.memory_space<vmem>> -> memref<128xi32, #tpu.memory_space<vmem>>
      %dma_wait3A_728 = arith.constant 0 : i32
      %dma_wait3A_729 = arith.constant 0 : i32
      %dma_wait3A_730 = tpu.memref_slice %arg4[%arg0, %dma_wait3A_728, %dma_wait3A_729] : memref<2x50002x32xf32, #tpu.memory_space<hbm>> -> memref<1x50002x32xf32, #tpu.memory_space<hbm>>
      %dma_wait3A_731 = tpu.memref_squeeze %dma_wait3A_730 : memref<1x50002x32xf32, #tpu.memory_space<hbm>> -> memref<50002x32xf32, #tpu.memory_space<hbm>>
      %dma_wait3A_732 = arith.constant 0 : i32
      %dma_wait3A_733 = arith.constant 0 : i32
      %dma_wait3A_734 = tpu.memref_slice %dma_wait3A_731[%dma_wait3A_732, %dma_wait3A_733] : memref<50002x32xf32, #tpu.memory_space<hbm>> -> memref<50002x32xf32, #tpu.memory_space<hbm>>
      tpu.wait_indirect_dma semaphore(%arg10 : memref<!tpu.dma_semaphore, #tpu.memory_space<semaphore_mem>>) src(%dma_wait3A_734 : memref<50002x32xf32, #tpu.memory_space<hbm>>) dst(%dma_wait3A_722 : memref<128x32xf32, #tpu.memory_space<vmem>>)
      %dma_start3A_735 = arith.constant 1 : i32
      %dma_start3A_736 = arith.constant 9 : i32
      %dma_start3A_737 = arith.constant 0 : i32
      %dma_start3A_738 = arith.constant 0 : i32
      %dma_start3A_739 = tpu.memref_slice %arg8[%dma_start3A_735, %dma_start3A_737, %dma_start3A_738] : memref<4x128x32xf32, #tpu.memory_space<vmem>> -> memref<1x128x32xf32, #tpu.memory_space<vmem>>
      %dma_start3A_740 = tpu.memref_squeeze %dma_start3A_739 : memref<1x128x32xf32, #tpu.memory_space<vmem>> -> memref<128x32xf32, #tpu.memory_space<vmem>>
      %dma_start3A_741 = arith.constant 0 : i32
      %dma_start3A_742 = arith.constant 0 : i32
      %dma_start3A_743 = tpu.memref_slice %arg7[%rem3A_99, %dma_start3A_741, %dma_start3A_742] : memref<2x16x128xi32, #tpu.memory_space<vmem>> -> memref<1x16x128xi32, #tpu.memory_space<vmem>>
      %dma_start3A_744 = tpu.memref_squeeze %dma_start3A_743 : memref<1x16x128xi32, #tpu.memory_space<vmem>> -> memref<16x128xi32, #tpu.memory_space<vmem>>
      %dma_start3A_745 = arith.constant 0 : i32
      %dma_start3A_746 = tpu.memref_slice %dma_start3A_744[%dma_start3A_736, %dma_start3A_745] : memref<16x128xi32, #tpu.memory_space<vmem>> -> memref<1x128xi32, #tpu.memory_space<vmem>>
      %dma_start3A_747 = tpu.memref_squeeze %dma_start3A_746 : memref<1x128xi32, #tpu.memory_space<vmem>> -> memref<128xi32, #tpu.memory_space<vmem>>
      %dma_start3A_748 = arith.constant 0 : i32
      %dma_start3A_749 = arith.constant 0 : i32
      %dma_start3A_750 = tpu.memref_slice %arg9[%dma_start3A_748, %dma_start3A_749] : memref<51200x32xf32, #tpu.memory_space<vmem_shared>> -> memref<51200x32xf32, #tpu.memory_space<vmem_shared>>
      tpu.enqueue_indirect_dma source(%dma_start3A_740 : memref<128x32xf32, #tpu.memory_space<vmem>>) target(%dma_start3A_750 : memref<51200x32xf32, #tpu.memory_space<vmem_shared>>) offsets(%dma_start3A_747 : memref<128xi32, #tpu.memory_space<vmem>>) semaphore(%arg12 : memref<!tpu.dma_semaphore, #tpu.memory_space<semaphore_mem>>) {add = true}
      %dma_wait3A_751 = arith.constant 0 : i32
      %dma_wait3A_752 = arith.constant 8 : i32
      %dma_wait3A_753 = arith.constant 0 : i32
      %dma_wait3A_754 = arith.constant 0 : i32
      %dma_wait3A_755 = tpu.memref_slice %arg8[%dma_wait3A_751, %dma_wait3A_753, %dma_wait3A_754] : memref<4x128x32xf32, #tpu.memory_space<vmem>> -> memref<1x128x32xf32, #tpu.memory_space<vmem>>
      %dma_wait3A_756 = tpu.memref_squeeze %dma_wait3A_755 : memref<1x128x32xf32, #tpu.memory_space<vmem>> -> memref<128x32xf32, #tpu.memory_space<vmem>>
      %dma_wait3A_757 = arith.constant 0 : i32
      %dma_wait3A_758 = arith.constant 0 : i32
      %dma_wait3A_759 = tpu.memref_slice %arg7[%rem3A_99, %dma_wait3A_757, %dma_wait3A_758] : memref<2x16x128xi32, #tpu.memory_space<vmem>> -> memref<1x16x128xi32, #tpu.memory_space<vmem>>
      %dma_wait3A_760 = tpu.memref_squeeze %dma_wait3A_759 : memref<1x16x128xi32, #tpu.memory_space<vmem>> -> memref<16x128xi32, #tpu.memory_space<vmem>>
      %dma_wait3A_761 = arith.constant 0 : i32
      %dma_wait3A_762 = tpu.memref_slice %dma_wait3A_760[%dma_wait3A_752, %dma_wait3A_761] : memref<16x128xi32, #tpu.memory_space<vmem>> -> memref<1x128xi32, #tpu.memory_space<vmem>>
      %dma_wait3A_763 = tpu.memref_squeeze %dma_wait3A_762 : memref<1x128xi32, #tpu.memory_space<vmem>> -> memref<128xi32, #tpu.memory_space<vmem>>
      %dma_wait3A_764 = arith.constant 0 : i32
      %dma_wait3A_765 = arith.constant 0 : i32
      %dma_wait3A_766 = tpu.memref_slice %arg9[%dma_wait3A_764, %dma_wait3A_765] : memref<51200x32xf32, #tpu.memory_space<vmem_shared>> -> memref<51200x32xf32, #tpu.memory_space<vmem_shared>>
      tpu.wait_indirect_dma semaphore(%arg12 : memref<!tpu.dma_semaphore, #tpu.memory_space<semaphore_mem>>) src(%dma_wait3A_756 : memref<128x32xf32, #tpu.memory_space<vmem>>) dst(%dma_wait3A_766 : memref<51200x32xf32, #tpu.memory_space<vmem_shared>>)
      %dma_start3A_767 = arith.constant 0 : i32
      %dma_start3A_768 = arith.constant 0 : i32
      %dma_start3A_769 = arith.constant 0 : i32
      %dma_start3A_770 = tpu.memref_slice %arg8[%dma_start3A_767, %dma_start3A_768, %dma_start3A_769] : memref<4x128x32xf32, #tpu.memory_space<vmem>> -> memref<1x128x32xf32, #tpu.memory_space<vmem>>
      %dma_start3A_771 = tpu.memref_squeeze %dma_start3A_770 : memref<1x128x32xf32, #tpu.memory_space<vmem>> -> memref<128x32xf32, #tpu.memory_space<vmem>>
      %dma_start3A_772 = arith.constant 0 : i32
      %dma_start3A_773 = tpu.memref_slice %arg6[%rem3A_99, %dma_start3A_772] : memref<2x2048xi32, #tpu.memory_space<vmem>> -> memref<1x2048xi32, #tpu.memory_space<vmem>>
      %dma_start3A_774 = tpu.memref_squeeze %dma_start3A_773 : memref<1x2048xi32, #tpu.memory_space<vmem>> -> memref<2048xi32, #tpu.memory_space<vmem>>
      %dma_start3A_775 = arith.constant 1536 : i32
      %dma_start3A_776 = tpu.memref_slice %dma_start3A_774[%dma_start3A_775] : memref<2048xi32, #tpu.memory_space<vmem>> -> memref<128xi32, #tpu.memory_space<vmem>>
      %dma_start3A_777 = arith.constant 0 : i32
      %dma_start3A_778 = arith.constant 0 : i32
      %dma_start3A_779 = tpu.memref_slice %arg4[%arg0, %dma_start3A_777, %dma_start3A_778] : memref<2x50002x32xf32, #tpu.memory_space<hbm>> -> memref<1x50002x32xf32, #tpu.memory_space<hbm>>
      %dma_start3A_780 = tpu.memref_squeeze %dma_start3A_779 : memref<1x50002x32xf32, #tpu.memory_space<hbm>> -> memref<50002x32xf32, #tpu.memory_space<hbm>>
      %dma_start3A_781 = arith.constant 0 : i32
      %dma_start3A_782 = arith.constant 0 : i32
      %dma_start3A_783 = tpu.memref_slice %dma_start3A_780[%dma_start3A_781, %dma_start3A_782] : memref<50002x32xf32, #tpu.memory_space<hbm>> -> memref<50002x32xf32, #tpu.memory_space<hbm>>
      tpu.enqueue_indirect_dma source(%dma_start3A_783 : memref<50002x32xf32, #tpu.memory_space<hbm>>) target(%dma_start3A_771 : memref<128x32xf32, #tpu.memory_space<vmem>>) offsets(%dma_start3A_776 : memref<128xi32, #tpu.memory_space<vmem>>) semaphore(%arg10 : memref<!tpu.dma_semaphore, #tpu.memory_space<semaphore_mem>>)
      %dma_wait3A_784 = arith.constant 2 : i32
      %dma_wait3A_785 = arith.constant 0 : i32
      %dma_wait3A_786 = arith.constant 0 : i32
      %dma_wait3A_787 = tpu.memref_slice %arg8[%dma_wait3A_784, %dma_wait3A_785, %dma_wait3A_786] : memref<4x128x32xf32, #tpu.memory_space<vmem>> -> memref<1x128x32xf32, #tpu.memory_space<vmem>>
      %dma_wait3A_788 = tpu.memref_squeeze %dma_wait3A_787 : memref<1x128x32xf32, #tpu.memory_space<vmem>> -> memref<128x32xf32, #tpu.memory_space<vmem>>
      %dma_wait3A_789 = arith.constant 0 : i32
      %dma_wait3A_790 = tpu.memref_slice %arg6[%rem3A_99, %dma_wait3A_789] : memref<2x2048xi32, #tpu.memory_space<vmem>> -> memref<1x2048xi32, #tpu.memory_space<vmem>>
      %dma_wait3A_791 = tpu.memref_squeeze %dma_wait3A_790 : memref<1x2048xi32, #tpu.memory_space<vmem>> -> memref<2048xi32, #tpu.memory_space<vmem>>
      %dma_wait3A_792 = arith.constant 1280 : i32
      %dma_wait3A_793 = tpu.memref_slice %dma_wait3A_791[%dma_wait3A_792] : memref<2048xi32, #tpu.memory_space<vmem>> -> memref<128xi32, #tpu.memory_space<vmem>>
      %dma_wait3A_794 = arith.constant 0 : i32
      %dma_wait3A_795 = arith.constant 0 : i32
      %dma_wait3A_796 = tpu.memref_slice %arg4[%arg0, %dma_wait3A_794, %dma_wait3A_795] : memref<2x50002x32xf32, #tpu.memory_space<hbm>> -> memref<1x50002x32xf32, #tpu.memory_space<hbm>>
      %dma_wait3A_797 = tpu.memref_squeeze %dma_wait3A_796 : memref<1x50002x32xf32, #tpu.memory_space<hbm>> -> memref<50002x32xf32, #tpu.memory_space<hbm>>
      %dma_wait3A_798 = arith.constant 0 : i32
      %dma_wait3A_799 = arith.constant 0 : i32
      %dma_wait3A_800 = tpu.memref_slice %dma_wait3A_797[%dma_wait3A_798, %dma_wait3A_799] : memref<50002x32xf32, #tpu.memory_space<hbm>> -> memref<50002x32xf32, #tpu.memory_space<hbm>>
      tpu.wait_indirect_dma semaphore(%arg10 : memref<!tpu.dma_semaphore, #tpu.memory_space<semaphore_mem>>) src(%dma_wait3A_800 : memref<50002x32xf32, #tpu.memory_space<hbm>>) dst(%dma_wait3A_788 : memref<128x32xf32, #tpu.memory_space<vmem>>)
      %dma_start3A_801 = arith.constant 2 : i32
      %dma_start3A_802 = arith.constant 10 : i32
      %dma_start3A_803 = arith.constant 0 : i32
      %dma_start3A_804 = arith.constant 0 : i32
      %dma_start3A_805 = tpu.memref_slice %arg8[%dma_start3A_801, %dma_start3A_803, %dma_start3A_804] : memref<4x128x32xf32, #tpu.memory_space<vmem>> -> memref<1x128x32xf32, #tpu.memory_space<vmem>>
      %dma_start3A_806 = tpu.memref_squeeze %dma_start3A_805 : memref<1x128x32xf32, #tpu.memory_space<vmem>> -> memref<128x32xf32, #tpu.memory_space<vmem>>
      %dma_start3A_807 = arith.constant 0 : i32
      %dma_start3A_808 = arith.constant 0 : i32
      %dma_start3A_809 = tpu.memref_slice %arg7[%rem3A_99, %dma_start3A_807, %dma_start3A_808] : memref<2x16x128xi32, #tpu.memory_space<vmem>> -> memref<1x16x128xi32, #tpu.memory_space<vmem>>
      %dma_start3A_810 = tpu.memref_squeeze %dma_start3A_809 : memref<1x16x128xi32, #tpu.memory_space<vmem>> -> memref<16x128xi32, #tpu.memory_space<vmem>>
      %dma_start3A_811 = arith.constant 0 : i32
      %dma_start3A_812 = tpu.memref_slice %dma_start3A_810[%dma_start3A_802, %dma_start3A_811] : memref<16x128xi32, #tpu.memory_space<vmem>> -> memref<1x128xi32, #tpu.memory_space<vmem>>
      %dma_start3A_813 = tpu.memref_squeeze %dma_start3A_812 : memref<1x128xi32, #tpu.memory_space<vmem>> -> memref<128xi32, #tpu.memory_space<vmem>>
      %dma_start3A_814 = arith.constant 0 : i32
      %dma_start3A_815 = arith.constant 0 : i32
      %dma_start3A_816 = tpu.memref_slice %arg9[%dma_start3A_814, %dma_start3A_815] : memref<51200x32xf32, #tpu.memory_space<vmem_shared>> -> memref<51200x32xf32, #tpu.memory_space<vmem_shared>>
      tpu.enqueue_indirect_dma source(%dma_start3A_806 : memref<128x32xf32, #tpu.memory_space<vmem>>) target(%dma_start3A_816 : memref<51200x32xf32, #tpu.memory_space<vmem_shared>>) offsets(%dma_start3A_813 : memref<128xi32, #tpu.memory_space<vmem>>) semaphore(%arg12 : memref<!tpu.dma_semaphore, #tpu.memory_space<semaphore_mem>>) {add = true}
      %dma_wait3A_817 = arith.constant 1 : i32
      %dma_wait3A_818 = arith.constant 9 : i32
      %dma_wait3A_819 = arith.constant 0 : i32
      %dma_wait3A_820 = arith.constant 0 : i32
      %dma_wait3A_821 = tpu.memref_slice %arg8[%dma_wait3A_817, %dma_wait3A_819, %dma_wait3A_820] : memref<4x128x32xf32, #tpu.memory_space<vmem>> -> memref<1x128x32xf32, #tpu.memory_space<vmem>>
      %dma_wait3A_822 = tpu.memref_squeeze %dma_wait3A_821 : memref<1x128x32xf32, #tpu.memory_space<vmem>> -> memref<128x32xf32, #tpu.memory_space<vmem>>
      %dma_wait3A_823 = arith.constant 0 : i32
      %dma_wait3A_824 = arith.constant 0 : i32
      %dma_wait3A_825 = tpu.memref_slice %arg7[%rem3A_99, %dma_wait3A_823, %dma_wait3A_824] : memref<2x16x128xi32, #tpu.memory_space<vmem>> -> memref<1x16x128xi32, #tpu.memory_space<vmem>>
      %dma_wait3A_826 = tpu.memref_squeeze %dma_wait3A_825 : memref<1x16x128xi32, #tpu.memory_space<vmem>> -> memref<16x128xi32, #tpu.memory_space<vmem>>
      %dma_wait3A_827 = arith.constant 0 : i32
      %dma_wait3A_828 = tpu.memref_slice %dma_wait3A_826[%dma_wait3A_818, %dma_wait3A_827] : memref<16x128xi32, #tpu.memory_space<vmem>> -> memref<1x128xi32, #tpu.memory_space<vmem>>
      %dma_wait3A_829 = tpu.memref_squeeze %dma_wait3A_828 : memref<1x128xi32, #tpu.memory_space<vmem>> -> memref<128xi32, #tpu.memory_space<vmem>>
      %dma_wait3A_830 = arith.constant 0 : i32
      %dma_wait3A_831 = arith.constant 0 : i32
      %dma_wait3A_832 = tpu.memref_slice %arg9[%dma_wait3A_830, %dma_wait3A_831] : memref<51200x32xf32, #tpu.memory_space<vmem_shared>> -> memref<51200x32xf32, #tpu.memory_space<vmem_shared>>
      tpu.wait_indirect_dma semaphore(%arg12 : memref<!tpu.dma_semaphore, #tpu.memory_space<semaphore_mem>>) src(%dma_wait3A_822 : memref<128x32xf32, #tpu.memory_space<vmem>>) dst(%dma_wait3A_832 : memref<51200x32xf32, #tpu.memory_space<vmem_shared>>)
      %dma_start3A_833 = arith.constant 1 : i32
      %dma_start3A_834 = arith.constant 0 : i32
      %dma_start3A_835 = arith.constant 0 : i32
      %dma_start3A_836 = tpu.memref_slice %arg8[%dma_start3A_833, %dma_start3A_834, %dma_start3A_835] : memref<4x128x32xf32, #tpu.memory_space<vmem>> -> memref<1x128x32xf32, #tpu.memory_space<vmem>>
      %dma_start3A_837 = tpu.memref_squeeze %dma_start3A_836 : memref<1x128x32xf32, #tpu.memory_space<vmem>> -> memref<128x32xf32, #tpu.memory_space<vmem>>
      %dma_start3A_838 = arith.constant 0 : i32
      %dma_start3A_839 = tpu.memref_slice %arg6[%rem3A_99, %dma_start3A_838] : memref<2x2048xi32, #tpu.memory_space<vmem>> -> memref<1x2048xi32, #tpu.memory_space<vmem>>
      %dma_start3A_840 = tpu.memref_squeeze %dma_start3A_839 : memref<1x2048xi32, #tpu.memory_space<vmem>> -> memref<2048xi32, #tpu.memory_space<vmem>>
      %dma_start3A_841 = arith.constant 1664 : i32
      %dma_start3A_842 = tpu.memref_slice %dma_start3A_840[%dma_start3A_841] : memref<2048xi32, #tpu.memory_space<vmem>> -> memref<128xi32, #tpu.memory_space<vmem>>
      %dma_start3A_843 = arith.constant 0 : i32
      %dma_start3A_844 = arith.constant 0 : i32
      %dma_start3A_845 = tpu.memref_slice %arg4[%arg0, %dma_start3A_843, %dma_start3A_844] : memref<2x50002x32xf32, #tpu.memory_space<hbm>> -> memref<1x50002x32xf32, #tpu.memory_space<hbm>>
      %dma_start3A_846 = tpu.memref_squeeze %dma_start3A_845 : memref<1x50002x32xf32, #tpu.memory_space<hbm>> -> memref<50002x32xf32, #tpu.memory_space<hbm>>
      %dma_start3A_847 = arith.constant 0 : i32
      %dma_start3A_848 = arith.constant 0 : i32
      %dma_start3A_849 = tpu.memref_slice %dma_start3A_846[%dma_start3A_847, %dma_start3A_848] : memref<50002x32xf32, #tpu.memory_space<hbm>> -> memref<50002x32xf32, #tpu.memory_space<hbm>>
      tpu.enqueue_indirect_dma source(%dma_start3A_849 : memref<50002x32xf32, #tpu.memory_space<hbm>>) target(%dma_start3A_837 : memref<128x32xf32, #tpu.memory_space<vmem>>) offsets(%dma_start3A_842 : memref<128xi32, #tpu.memory_space<vmem>>) semaphore(%arg10 : memref<!tpu.dma_semaphore, #tpu.memory_space<semaphore_mem>>)
      %dma_wait3A_850 = arith.constant 3 : i32
      %dma_wait3A_851 = arith.constant 0 : i32
      %dma_wait3A_852 = arith.constant 0 : i32
      %dma_wait3A_853 = tpu.memref_slice %arg8[%dma_wait3A_850, %dma_wait3A_851, %dma_wait3A_852] : memref<4x128x32xf32, #tpu.memory_space<vmem>> -> memref<1x128x32xf32, #tpu.memory_space<vmem>>
      %dma_wait3A_854 = tpu.memref_squeeze %dma_wait3A_853 : memref<1x128x32xf32, #tpu.memory_space<vmem>> -> memref<128x32xf32, #tpu.memory_space<vmem>>
      %dma_wait3A_855 = arith.constant 0 : i32
      %dma_wait3A_856 = tpu.memref_slice %arg6[%rem3A_99, %dma_wait3A_855] : memref<2x2048xi32, #tpu.memory_space<vmem>> -> memref<1x2048xi32, #tpu.memory_space<vmem>>
      %dma_wait3A_857 = tpu.memref_squeeze %dma_wait3A_856 : memref<1x2048xi32, #tpu.memory_space<vmem>> -> memref<2048xi32, #tpu.memory_space<vmem>>
      %dma_wait3A_858 = arith.constant 1408 : i32
      %dma_wait3A_859 = tpu.memref_slice %dma_wait3A_857[%dma_wait3A_858] : memref<2048xi32, #tpu.memory_space<vmem>> -> memref<128xi32, #tpu.memory_space<vmem>>
      %dma_wait3A_860 = arith.constant 0 : i32
      %dma_wait3A_861 = arith.constant 0 : i32
      %dma_wait3A_862 = tpu.memref_slice %arg4[%arg0, %dma_wait3A_860, %dma_wait3A_861] : memref<2x50002x32xf32, #tpu.memory_space<hbm>> -> memref<1x50002x32xf32, #tpu.memory_space<hbm>>
      %dma_wait3A_863 = tpu.memref_squeeze %dma_wait3A_862 : memref<1x50002x32xf32, #tpu.memory_space<hbm>> -> memref<50002x32xf32, #tpu.memory_space<hbm>>
      %dma_wait3A_864 = arith.constant 0 : i32
      %dma_wait3A_865 = arith.constant 0 : i32
      %dma_wait3A_866 = tpu.memref_slice %dma_wait3A_863[%dma_wait3A_864, %dma_wait3A_865] : memref<50002x32xf32, #tpu.memory_space<hbm>> -> memref<50002x32xf32, #tpu.memory_space<hbm>>
      tpu.wait_indirect_dma semaphore(%arg10 : memref<!tpu.dma_semaphore, #tpu.memory_space<semaphore_mem>>) src(%dma_wait3A_866 : memref<50002x32xf32, #tpu.memory_space<hbm>>) dst(%dma_wait3A_854 : memref<128x32xf32, #tpu.memory_space<vmem>>)
      %dma_start3A_867 = arith.constant 3 : i32
      %dma_start3A_868 = arith.constant 11 : i32
      %dma_start3A_869 = arith.constant 0 : i32
      %dma_start3A_870 = arith.constant 0 : i32
      %dma_start3A_871 = tpu.memref_slice %arg8[%dma_start3A_867, %dma_start3A_869, %dma_start3A_870] : memref<4x128x32xf32, #tpu.memory_space<vmem>> -> memref<1x128x32xf32, #tpu.memory_space<vmem>>
      %dma_start3A_872 = tpu.memref_squeeze %dma_start3A_871 : memref<1x128x32xf32, #tpu.memory_space<vmem>> -> memref<128x32xf32, #tpu.memory_space<vmem>>
      %dma_start3A_873 = arith.constant 0 : i32
      %dma_start3A_874 = arith.constant 0 : i32
      %dma_start3A_875 = tpu.memref_slice %arg7[%rem3A_99, %dma_start3A_873, %dma_start3A_874] : memref<2x16x128xi32, #tpu.memory_space<vmem>> -> memref<1x16x128xi32, #tpu.memory_space<vmem>>
      %dma_start3A_876 = tpu.memref_squeeze %dma_start3A_875 : memref<1x16x128xi32, #tpu.memory_space<vmem>> -> memref<16x128xi32, #tpu.memory_space<vmem>>
      %dma_start3A_877 = arith.constant 0 : i32
      %dma_start3A_878 = tpu.memref_slice %dma_start3A_876[%dma_start3A_868, %dma_start3A_877] : memref<16x128xi32, #tpu.memory_space<vmem>> -> memref<1x128xi32, #tpu.memory_space<vmem>>
      %dma_start3A_879 = tpu.memref_squeeze %dma_start3A_878 : memref<1x128xi32, #tpu.memory_space<vmem>> -> memref<128xi32, #tpu.memory_space<vmem>>
      %dma_start3A_880 = arith.constant 0 : i32
      %dma_start3A_881 = arith.constant 0 : i32
      %dma_start3A_882 = tpu.memref_slice %arg9[%dma_start3A_880, %dma_start3A_881] : memref<51200x32xf32, #tpu.memory_space<vmem_shared>> -> memref<51200x32xf32, #tpu.memory_space<vmem_shared>>
      tpu.enqueue_indirect_dma source(%dma_start3A_872 : memref<128x32xf32, #tpu.memory_space<vmem>>) target(%dma_start3A_882 : memref<51200x32xf32, #tpu.memory_space<vmem_shared>>) offsets(%dma_start3A_879 : memref<128xi32, #tpu.memory_space<vmem>>) semaphore(%arg12 : memref<!tpu.dma_semaphore, #tpu.memory_space<semaphore_mem>>) {add = true}
      %dma_wait3A_883 = arith.constant 2 : i32
      %dma_wait3A_884 = arith.constant 10 : i32
      %dma_wait3A_885 = arith.constant 0 : i32
      %dma_wait3A_886 = arith.constant 0 : i32
      %dma_wait3A_887 = tpu.memref_slice %arg8[%dma_wait3A_883, %dma_wait3A_885, %dma_wait3A_886] : memref<4x128x32xf32, #tpu.memory_space<vmem>> -> memref<1x128x32xf32, #tpu.memory_space<vmem>>
      %dma_wait3A_888 = tpu.memref_squeeze %dma_wait3A_887 : memref<1x128x32xf32, #tpu.memory_space<vmem>> -> memref<128x32xf32, #tpu.memory_space<vmem>>
      %dma_wait3A_889 = arith.constant 0 : i32
      %dma_wait3A_890 = arith.constant 0 : i32
      %dma_wait3A_891 = tpu.memref_slice %arg7[%rem3A_99, %dma_wait3A_889, %dma_wait3A_890] : memref<2x16x128xi32, #tpu.memory_space<vmem>> -> memref<1x16x128xi32, #tpu.memory_space<vmem>>
      %dma_wait3A_892 = tpu.memref_squeeze %dma_wait3A_891 : memref<1x16x128xi32, #tpu.memory_space<vmem>> -> memref<16x128xi32, #tpu.memory_space<vmem>>
      %dma_wait3A_893 = arith.constant 0 : i32
      %dma_wait3A_894 = tpu.memref_slice %dma_wait3A_892[%dma_wait3A_884, %dma_wait3A_893] : memref<16x128xi32, #tpu.memory_space<vmem>> -> memref<1x128xi32, #tpu.memory_space<vmem>>
      %dma_wait3A_895 = tpu.memref_squeeze %dma_wait3A_894 : memref<1x128xi32, #tpu.memory_space<vmem>> -> memref<128xi32, #tpu.memory_space<vmem>>
      %dma_wait3A_896 = arith.constant 0 : i32
      %dma_wait3A_897 = arith.constant 0 : i32
      %dma_wait3A_898 = tpu.memref_slice %arg9[%dma_wait3A_896, %dma_wait3A_897] : memref<51200x32xf32, #tpu.memory_space<vmem_shared>> -> memref<51200x32xf32, #tpu.memory_space<vmem_shared>>
      tpu.wait_indirect_dma semaphore(%arg12 : memref<!tpu.dma_semaphore, #tpu.memory_space<semaphore_mem>>) src(%dma_wait3A_888 : memref<128x32xf32, #tpu.memory_space<vmem>>) dst(%dma_wait3A_898 : memref<51200x32xf32, #tpu.memory_space<vmem_shared>>)
      %dma_start3A_899 = arith.constant 2 : i32
      %dma_start3A_900 = arith.constant 0 : i32
      %dma_start3A_901 = arith.constant 0 : i32
      %dma_start3A_902 = tpu.memref_slice %arg8[%dma_start3A_899, %dma_start3A_900, %dma_start3A_901] : memref<4x128x32xf32, #tpu.memory_space<vmem>> -> memref<1x128x32xf32, #tpu.memory_space<vmem>>
      %dma_start3A_903 = tpu.memref_squeeze %dma_start3A_902 : memref<1x128x32xf32, #tpu.memory_space<vmem>> -> memref<128x32xf32, #tpu.memory_space<vmem>>
      %dma_start3A_904 = arith.constant 0 : i32
      %dma_start3A_905 = tpu.memref_slice %arg6[%rem3A_99, %dma_start3A_904] : memref<2x2048xi32, #tpu.memory_space<vmem>> -> memref<1x2048xi32, #tpu.memory_space<vmem>>
      %dma_start3A_906 = tpu.memref_squeeze %dma_start3A_905 : memref<1x2048xi32, #tpu.memory_space<vmem>> -> memref<2048xi32, #tpu.memory_space<vmem>>
      %dma_start3A_907 = arith.constant 1792 : i32
      %dma_start3A_908 = tpu.memref_slice %dma_start3A_906[%dma_start3A_907] : memref<2048xi32, #tpu.memory_space<vmem>> -> memref<128xi32, #tpu.memory_space<vmem>>
      %dma_start3A_909 = arith.constant 0 : i32
      %dma_start3A_910 = arith.constant 0 : i32
      %dma_start3A_911 = tpu.memref_slice %arg4[%arg0, %dma_start3A_909, %dma_start3A_910] : memref<2x50002x32xf32, #tpu.memory_space<hbm>> -> memref<1x50002x32xf32, #tpu.memory_space<hbm>>
      %dma_start3A_912 = tpu.memref_squeeze %dma_start3A_911 : memref<1x50002x32xf32, #tpu.memory_space<hbm>> -> memref<50002x32xf32, #tpu.memory_space<hbm>>
      %dma_start3A_913 = arith.constant 0 : i32
      %dma_start3A_914 = arith.constant 0 : i32
      %dma_start3A_915 = tpu.memref_slice %dma_start3A_912[%dma_start3A_913, %dma_start3A_914] : memref<50002x32xf32, #tpu.memory_space<hbm>> -> memref<50002x32xf32, #tpu.memory_space<hbm>>
      tpu.enqueue_indirect_dma source(%dma_start3A_915 : memref<50002x32xf32, #tpu.memory_space<hbm>>) target(%dma_start3A_903 : memref<128x32xf32, #tpu.memory_space<vmem>>) offsets(%dma_start3A_908 : memref<128xi32, #tpu.memory_space<vmem>>) semaphore(%arg10 : memref<!tpu.dma_semaphore, #tpu.memory_space<semaphore_mem>>)
      %dma_wait3A_916 = arith.constant 0 : i32
      %dma_wait3A_917 = arith.constant 0 : i32
      %dma_wait3A_918 = arith.constant 0 : i32
      %dma_wait3A_919 = tpu.memref_slice %arg8[%dma_wait3A_916, %dma_wait3A_917, %dma_wait3A_918] : memref<4x128x32xf32, #tpu.memory_space<vmem>> -> memref<1x128x32xf32, #tpu.memory_space<vmem>>
      %dma_wait3A_920 = tpu.memref_squeeze %dma_wait3A_919 : memref<1x128x32xf32, #tpu.memory_space<vmem>> -> memref<128x32xf32, #tpu.memory_space<vmem>>
      %dma_wait3A_921 = arith.constant 0 : i32
      %dma_wait3A_922 = tpu.memref_slice %arg6[%rem3A_99, %dma_wait3A_921] : memref<2x2048xi32, #tpu.memory_space<vmem>> -> memref<1x2048xi32, #tpu.memory_space<vmem>>
      %dma_wait3A_923 = tpu.memref_squeeze %dma_wait3A_922 : memref<1x2048xi32, #tpu.memory_space<vmem>> -> memref<2048xi32, #tpu.memory_space<vmem>>
      %dma_wait3A_924 = arith.constant 1536 : i32
      %dma_wait3A_925 = tpu.memref_slice %dma_wait3A_923[%dma_wait3A_924] : memref<2048xi32, #tpu.memory_space<vmem>> -> memref<128xi32, #tpu.memory_space<vmem>>
      %dma_wait3A_926 = arith.constant 0 : i32
      %dma_wait3A_927 = arith.constant 0 : i32
      %dma_wait3A_928 = tpu.memref_slice %arg4[%arg0, %dma_wait3A_926, %dma_wait3A_927] : memref<2x50002x32xf32, #tpu.memory_space<hbm>> -> memref<1x50002x32xf32, #tpu.memory_space<hbm>>
      %dma_wait3A_929 = tpu.memref_squeeze %dma_wait3A_928 : memref<1x50002x32xf32, #tpu.memory_space<hbm>> -> memref<50002x32xf32, #tpu.memory_space<hbm>>
      %dma_wait3A_930 = arith.constant 0 : i32
      %dma_wait3A_931 = arith.constant 0 : i32
      %dma_wait3A_932 = tpu.memref_slice %dma_wait3A_929[%dma_wait3A_930, %dma_wait3A_931] : memref<50002x32xf32, #tpu.memory_space<hbm>> -> memref<50002x32xf32, #tpu.memory_space<hbm>>
      tpu.wait_indirect_dma semaphore(%arg10 : memref<!tpu.dma_semaphore, #tpu.memory_space<semaphore_mem>>) src(%dma_wait3A_932 : memref<50002x32xf32, #tpu.memory_space<hbm>>) dst(%dma_wait3A_920 : memref<128x32xf32, #tpu.memory_space<vmem>>)
      %dma_start3A_933 = arith.constant 0 : i32
      %dma_start3A_934 = arith.constant 12 : i32
      %dma_start3A_935 = arith.constant 0 : i32
      %dma_start3A_936 = arith.constant 0 : i32
      %dma_start3A_937 = tpu.memref_slice %arg8[%dma_start3A_933, %dma_start3A_935, %dma_start3A_936] : memref<4x128x32xf32, #tpu.memory_space<vmem>> -> memref<1x128x32xf32, #tpu.memory_space<vmem>>
      %dma_start3A_938 = tpu.memref_squeeze %dma_start3A_937 : memref<1x128x32xf32, #tpu.memory_space<vmem>> -> memref<128x32xf32, #tpu.memory_space<vmem>>
      %dma_start3A_939 = arith.constant 0 : i32
      %dma_start3A_940 = arith.constant 0 : i32
      %dma_start3A_941 = tpu.memref_slice %arg7[%rem3A_99, %dma_start3A_939, %dma_start3A_940] : memref<2x16x128xi32, #tpu.memory_space<vmem>> -> memref<1x16x128xi32, #tpu.memory_space<vmem>>
      %dma_start3A_942 = tpu.memref_squeeze %dma_start3A_941 : memref<1x16x128xi32, #tpu.memory_space<vmem>> -> memref<16x128xi32, #tpu.memory_space<vmem>>
      %dma_start3A_943 = arith.constant 0 : i32
      %dma_start3A_944 = tpu.memref_slice %dma_start3A_942[%dma_start3A_934, %dma_start3A_943] : memref<16x128xi32, #tpu.memory_space<vmem>> -> memref<1x128xi32, #tpu.memory_space<vmem>>
      %dma_start3A_945 = tpu.memref_squeeze %dma_start3A_944 : memref<1x128xi32, #tpu.memory_space<vmem>> -> memref<128xi32, #tpu.memory_space<vmem>>
      %dma_start3A_946 = arith.constant 0 : i32
      %dma_start3A_947 = arith.constant 0 : i32
      %dma_start3A_948 = tpu.memref_slice %arg9[%dma_start3A_946, %dma_start3A_947] : memref<51200x32xf32, #tpu.memory_space<vmem_shared>> -> memref<51200x32xf32, #tpu.memory_space<vmem_shared>>
      tpu.enqueue_indirect_dma source(%dma_start3A_938 : memref<128x32xf32, #tpu.memory_space<vmem>>) target(%dma_start3A_948 : memref<51200x32xf32, #tpu.memory_space<vmem_shared>>) offsets(%dma_start3A_945 : memref<128xi32, #tpu.memory_space<vmem>>) semaphore(%arg12 : memref<!tpu.dma_semaphore, #tpu.memory_space<semaphore_mem>>) {add = true}
      %dma_wait3A_949 = arith.constant 3 : i32
      %dma_wait3A_950 = arith.constant 11 : i32
      %dma_wait3A_951 = arith.constant 0 : i32
      %dma_wait3A_952 = arith.constant 0 : i32
      %dma_wait3A_953 = tpu.memref_slice %arg8[%dma_wait3A_949, %dma_wait3A_951, %dma_wait3A_952] : memref<4x128x32xf32, #tpu.memory_space<vmem>> -> memref<1x128x32xf32, #tpu.memory_space<vmem>>
      %dma_wait3A_954 = tpu.memref_squeeze %dma_wait3A_953 : memref<1x128x32xf32, #tpu.memory_space<vmem>> -> memref<128x32xf32, #tpu.memory_space<vmem>>
      %dma_wait3A_955 = arith.constant 0 : i32
      %dma_wait3A_956 = arith.constant 0 : i32
      %dma_wait3A_957 = tpu.memref_slice %arg7[%rem3A_99, %dma_wait3A_955, %dma_wait3A_956] : memref<2x16x128xi32, #tpu.memory_space<vmem>> -> memref<1x16x128xi32, #tpu.memory_space<vmem>>
      %dma_wait3A_958 = tpu.memref_squeeze %dma_wait3A_957 : memref<1x16x128xi32, #tpu.memory_space<vmem>> -> memref<16x128xi32, #tpu.memory_space<vmem>>
      %dma_wait3A_959 = arith.constant 0 : i32
      %dma_wait3A_960 = tpu.memref_slice %dma_wait3A_958[%dma_wait3A_950, %dma_wait3A_959] : memref<16x128xi32, #tpu.memory_space<vmem>> -> memref<1x128xi32, #tpu.memory_space<vmem>>
      %dma_wait3A_961 = tpu.memref_squeeze %dma_wait3A_960 : memref<1x128xi32, #tpu.memory_space<vmem>> -> memref<128xi32, #tpu.memory_space<vmem>>
      %dma_wait3A_962 = arith.constant 0 : i32
      %dma_wait3A_963 = arith.constant 0 : i32
      %dma_wait3A_964 = tpu.memref_slice %arg9[%dma_wait3A_962, %dma_wait3A_963] : memref<51200x32xf32, #tpu.memory_space<vmem_shared>> -> memref<51200x32xf32, #tpu.memory_space<vmem_shared>>
      tpu.wait_indirect_dma semaphore(%arg12 : memref<!tpu.dma_semaphore, #tpu.memory_space<semaphore_mem>>) src(%dma_wait3A_954 : memref<128x32xf32, #tpu.memory_space<vmem>>) dst(%dma_wait3A_964 : memref<51200x32xf32, #tpu.memory_space<vmem_shared>>)
      %dma_start3A_965 = arith.constant 3 : i32
      %dma_start3A_966 = arith.constant 0 : i32
      %dma_start3A_967 = arith.constant 0 : i32
      %dma_start3A_968 = tpu.memref_slice %arg8[%dma_start3A_965, %dma_start3A_966, %dma_start3A_967] : memref<4x128x32xf32, #tpu.memory_space<vmem>> -> memref<1x128x32xf32, #tpu.memory_space<vmem>>
      %dma_start3A_969 = tpu.memref_squeeze %dma_start3A_968 : memref<1x128x32xf32, #tpu.memory_space<vmem>> -> memref<128x32xf32, #tpu.memory_space<vmem>>
      %dma_start3A_970 = arith.constant 0 : i32
      %dma_start3A_971 = tpu.memref_slice %arg6[%rem3A_99, %dma_start3A_970] : memref<2x2048xi32, #tpu.memory_space<vmem>> -> memref<1x2048xi32, #tpu.memory_space<vmem>>
      %dma_start3A_972 = tpu.memref_squeeze %dma_start3A_971 : memref<1x2048xi32, #tpu.memory_space<vmem>> -> memref<2048xi32, #tpu.memory_space<vmem>>
      %dma_start3A_973 = arith.constant 1920 : i32
      %dma_start3A_974 = tpu.memref_slice %dma_start3A_972[%dma_start3A_973] : memref<2048xi32, #tpu.memory_space<vmem>> -> memref<128xi32, #tpu.memory_space<vmem>>
      %dma_start3A_975 = arith.constant 0 : i32
      %dma_start3A_976 = arith.constant 0 : i32
      %dma_start3A_977 = tpu.memref_slice %arg4[%arg0, %dma_start3A_975, %dma_start3A_976] : memref<2x50002x32xf32, #tpu.memory_space<hbm>> -> memref<1x50002x32xf32, #tpu.memory_space<hbm>>
      %dma_start3A_978 = tpu.memref_squeeze %dma_start3A_977 : memref<1x50002x32xf32, #tpu.memory_space<hbm>> -> memref<50002x32xf32, #tpu.memory_space<hbm>>
      %dma_start3A_979 = arith.constant 0 : i32
      %dma_start3A_980 = arith.constant 0 : i32
      %dma_start3A_981 = tpu.memref_slice %dma_start3A_978[%dma_start3A_979, %dma_start3A_980] : memref<50002x32xf32, #tpu.memory_space<hbm>> -> memref<50002x32xf32, #tpu.memory_space<hbm>>
      tpu.enqueue_indirect_dma source(%dma_start3A_981 : memref<50002x32xf32, #tpu.memory_space<hbm>>) target(%dma_start3A_969 : memref<128x32xf32, #tpu.memory_space<vmem>>) offsets(%dma_start3A_974 : memref<128xi32, #tpu.memory_space<vmem>>) semaphore(%arg10 : memref<!tpu.dma_semaphore, #tpu.memory_space<semaphore_mem>>)
      %dma_wait3A_982 = arith.constant 1 : i32
      %dma_wait3A_983 = arith.constant 0 : i32
      %dma_wait3A_984 = arith.constant 0 : i32
      %dma_wait3A_985 = tpu.memref_slice %arg8[%dma_wait3A_982, %dma_wait3A_983, %dma_wait3A_984] : memref<4x128x32xf32, #tpu.memory_space<vmem>> -> memref<1x128x32xf32, #tpu.memory_space<vmem>>
      %dma_wait3A_986 = tpu.memref_squeeze %dma_wait3A_985 : memref<1x128x32xf32, #tpu.memory_space<vmem>> -> memref<128x32xf32, #tpu.memory_space<vmem>>
      %dma_wait3A_987 = arith.constant 0 : i32
      %dma_wait3A_988 = tpu.memref_slice %arg6[%rem3A_99, %dma_wait3A_987] : memref<2x2048xi32, #tpu.memory_space<vmem>> -> memref<1x2048xi32, #tpu.memory_space<vmem>>
      %dma_wait3A_989 = tpu.memref_squeeze %dma_wait3A_988 : memref<1x2048xi32, #tpu.memory_space<vmem>> -> memref<2048xi32, #tpu.memory_space<vmem>>
      %dma_wait3A_990 = arith.constant 1664 : i32
      %dma_wait3A_991 = tpu.memref_slice %dma_wait3A_989[%dma_wait3A_990] : memref<2048xi32, #tpu.memory_space<vmem>> -> memref<128xi32, #tpu.memory_space<vmem>>
      %dma_wait3A_992 = arith.constant 0 : i32
      %dma_wait3A_993 = arith.constant 0 : i32
      %dma_wait3A_994 = tpu.memref_slice %arg4[%arg0, %dma_wait3A_992, %dma_wait3A_993] : memref<2x50002x32xf32, #tpu.memory_space<hbm>> -> memref<1x50002x32xf32, #tpu.memory_space<hbm>>
      %dma_wait3A_995 = tpu.memref_squeeze %dma_wait3A_994 : memref<1x50002x32xf32, #tpu.memory_space<hbm>> -> memref<50002x32xf32, #tpu.memory_space<hbm>>
      %dma_wait3A_996 = arith.constant 0 : i32
      %dma_wait3A_997 = arith.constant 0 : i32
      %dma_wait3A_998 = tpu.memref_slice %dma_wait3A_995[%dma_wait3A_996, %dma_wait3A_997] : memref<50002x32xf32, #tpu.memory_space<hbm>> -> memref<50002x32xf32, #tpu.memory_space<hbm>>
      tpu.wait_indirect_dma semaphore(%arg10 : memref<!tpu.dma_semaphore, #tpu.memory_space<semaphore_mem>>) src(%dma_wait3A_998 : memref<50002x32xf32, #tpu.memory_space<hbm>>) dst(%dma_wait3A_986 : memref<128x32xf32, #tpu.memory_space<vmem>>)
      %dma_start3A_999 = arith.constant 1 : i32
      %dma_start3A_1000 = arith.constant 13 : i32
      %dma_start3A_1001 = arith.constant 0 : i32
      %dma_start3A_1002 = arith.constant 0 : i32
      %dma_start3A_1003 = tpu.memref_slice %arg8[%dma_start3A_999, %dma_start3A_1001, %dma_start3A_1002] : memref<4x128x32xf32, #tpu.memory_space<vmem>> -> memref<1x128x32xf32, #tpu.memory_space<vmem>>
      %dma_start3A_1004 = tpu.memref_squeeze %dma_start3A_1003 : memref<1x128x32xf32, #tpu.memory_space<vmem>> -> memref<128x32xf32, #tpu.memory_space<vmem>>
      %dma_start3A_1005 = arith.constant 0 : i32
      %dma_start3A_1006 = arith.constant 0 : i32
      %dma_start3A_1007 = tpu.memref_slice %arg7[%rem3A_99, %dma_start3A_1005, %dma_start3A_1006] : memref<2x16x128xi32, #tpu.memory_space<vmem>> -> memref<1x16x128xi32, #tpu.memory_space<vmem>>
      %dma_start3A_1008 = tpu.memref_squeeze %dma_start3A_1007 : memref<1x16x128xi32, #tpu.memory_space<vmem>> -> memref<16x128xi32, #tpu.memory_space<vmem>>
      %dma_start3A_1009 = arith.constant 0 : i32
      %dma_start3A_1010 = tpu.memref_slice %dma_start3A_1008[%dma_start3A_1000, %dma_start3A_1009] : memref<16x128xi32, #tpu.memory_space<vmem>> -> memref<1x128xi32, #tpu.memory_space<vmem>>
      %dma_start3A_1011 = tpu.memref_squeeze %dma_start3A_1010 : memref<1x128xi32, #tpu.memory_space<vmem>> -> memref<128xi32, #tpu.memory_space<vmem>>
      %dma_start3A_1012 = arith.constant 0 : i32
      %dma_start3A_1013 = arith.constant 0 : i32
      %dma_start3A_1014 = tpu.memref_slice %arg9[%dma_start3A_1012, %dma_start3A_1013] : memref<51200x32xf32, #tpu.memory_space<vmem_shared>> -> memref<51200x32xf32, #tpu.memory_space<vmem_shared>>
      tpu.enqueue_indirect_dma source(%dma_start3A_1004 : memref<128x32xf32, #tpu.memory_space<vmem>>) target(%dma_start3A_1014 : memref<51200x32xf32, #tpu.memory_space<vmem_shared>>) offsets(%dma_start3A_1011 : memref<128xi32, #tpu.memory_space<vmem>>) semaphore(%arg12 : memref<!tpu.dma_semaphore, #tpu.memory_space<semaphore_mem>>) {add = true}
      %dma_wait3A_1015 = arith.constant 0 : i32
      %dma_wait3A_1016 = arith.constant 12 : i32
      %dma_wait3A_1017 = arith.constant 0 : i32
      %dma_wait3A_1018 = arith.constant 0 : i32
      %dma_wait3A_1019 = tpu.memref_slice %arg8[%dma_wait3A_1015, %dma_wait3A_1017, %dma_wait3A_1018] : memref<4x128x32xf32, #tpu.memory_space<vmem>> -> memref<1x128x32xf32, #tpu.memory_space<vmem>>
      %dma_wait3A_1020 = tpu.memref_squeeze %dma_wait3A_1019 : memref<1x128x32xf32, #tpu.memory_space<vmem>> -> memref<128x32xf32, #tpu.memory_space<vmem>>
      %dma_wait3A_1021 = arith.constant 0 : i32
      %dma_wait3A_1022 = arith.constant 0 : i32
      %dma_wait3A_1023 = tpu.memref_slice %arg7[%rem3A_99, %dma_wait3A_1021, %dma_wait3A_1022] : memref<2x16x128xi32, #tpu.memory_space<vmem>> -> memref<1x16x128xi32, #tpu.memory_space<vmem>>
      %dma_wait3A_1024 = tpu.memref_squeeze %dma_wait3A_1023 : memref<1x16x128xi32, #tpu.memory_space<vmem>> -> memref<16x128xi32, #tpu.memory_space<vmem>>
      %dma_wait3A_1025 = arith.constant 0 : i32
      %dma_wait3A_1026 = tpu.memref_slice %dma_wait3A_1024[%dma_wait3A_1016, %dma_wait3A_1025] : memref<16x128xi32, #tpu.memory_space<vmem>> -> memref<1x128xi32, #tpu.memory_space<vmem>>
      %dma_wait3A_1027 = tpu.memref_squeeze %dma_wait3A_1026 : memref<1x128xi32, #tpu.memory_space<vmem>> -> memref<128xi32, #tpu.memory_space<vmem>>
      %dma_wait3A_1028 = arith.constant 0 : i32
      %dma_wait3A_1029 = arith.constant 0 : i32
      %dma_wait3A_1030 = tpu.memref_slice %arg9[%dma_wait3A_1028, %dma_wait3A_1029] : memref<51200x32xf32, #tpu.memory_space<vmem_shared>> -> memref<51200x32xf32, #tpu.memory_space<vmem_shared>>
      tpu.wait_indirect_dma semaphore(%arg12 : memref<!tpu.dma_semaphore, #tpu.memory_space<semaphore_mem>>) src(%dma_wait3A_1020 : memref<128x32xf32, #tpu.memory_space<vmem>>) dst(%dma_wait3A_1030 : memref<51200x32xf32, #tpu.memory_space<vmem_shared>>)
      %lt3A_1031 = arith.constant 24 : i32
      %lt3A_1032 = arith.cmpi slt, %scan3A_98, %lt3A_1031 : i32
      %convert_element_type3A_1033 = arith.extui %lt3A_1032 : i1 to i32
      %cond3A_1034 = arith.constant 0 : i32
      %cond3A_1035 = arith.cmpi ne, %convert_element_type3A_1033, %cond3A_1034 : i32
      scf.if %cond3A_1035 {
        %sub3A_1123 = arith.constant 1 : i32
        %sub3A_1124 = arith.subi %sub3A_1123, %rem3A_99 : i32
        %dma_wait3A_1125 = arith.constant 0 : i32
        %dma_wait3A_1126 = tpu.memref_slice %arg6[%sub3A_1124, %dma_wait3A_1125] : memref<2x2048xi32, #tpu.memory_space<vmem>> -> memref<1x2048xi32, #tpu.memory_space<vmem>>
        %dma_wait3A_1127 = tpu.memref_squeeze %dma_wait3A_1126 : memref<1x2048xi32, #tpu.memory_space<vmem>> -> memref<2048xi32, #tpu.memory_space<vmem>>
        %dma_wait3A_1128 = tpu.memref_slice %arg2[%add3A_105] : memref<819200xi32, #tpu.memory_space<hbm>> -> memref<2048xi32, #tpu.memory_space<hbm>>
        %dma_wait3A_1129 = arith.constant 0 : i32
        %dma_wait3A_1130 = tpu.memref_slice %arg6[%sub3A_1124, %dma_wait3A_1129] : memref<2x2048xi32, #tpu.memory_space<vmem>> -> memref<1x2048xi32, #tpu.memory_space<vmem>>
        %dma_wait3A_1131 = tpu.memref_squeeze %dma_wait3A_1130 : memref<1x2048xi32, #tpu.memory_space<vmem>> -> memref<2048xi32, #tpu.memory_space<vmem>>
        %dma_wait3A_1132 = tpu.memref_slice %arg2[%add3A_105] : memref<819200xi32, #tpu.memory_space<hbm>> -> memref<2048xi32, #tpu.memory_space<hbm>>
        tpu.wait_dma2 semaphore(%arg11 : memref<!tpu.dma_semaphore, #tpu.memory_space<semaphore_mem>>) src(%dma_wait3A_1132 : memref<2048xi32, #tpu.memory_space<hbm>>) dst(%dma_wait3A_1131 : memref<2048xi32, #tpu.memory_space<vmem>>)
        %sub3A_1133 = arith.constant 1 : i32
        %sub3A_1134 = arith.subi %sub3A_1133, %rem3A_99 : i32
        %dma_wait3A_1135 = arith.constant 0 : i32
        %dma_wait3A_1136 = arith.constant 0 : i32
        %dma_wait3A_1137 = tpu.memref_slice %arg7[%sub3A_1134, %dma_wait3A_1135, %dma_wait3A_1136] : memref<2x16x128xi32, #tpu.memory_space<vmem>> -> memref<1x16x128xi32, #tpu.memory_space<vmem>>
        %dma_wait3A_1138 = tpu.memref_squeeze %dma_wait3A_1137 : memref<1x16x128xi32, #tpu.memory_space<vmem>> -> memref<16x128xi32, #tpu.memory_space<vmem>>
        %dma_wait3A_1139 = arith.constant 0 : i32
        %dma_wait3A_1140 = tpu.memref_slice %arg3[%add3A_110, %dma_wait3A_1139] : memref<6400x128xi32, #tpu.memory_space<hbm>> -> memref<16x128xi32, #tpu.memory_space<hbm>>
        %dma_wait3A_1141 = arith.constant 0 : i32
        %dma_wait3A_1142 = arith.constant 0 : i32
        %dma_wait3A_1143 = tpu.memref_slice %arg7[%sub3A_1134, %dma_wait3A_1141, %dma_wait3A_1142] : memref<2x16x128xi32, #tpu.memory_space<vmem>> -> memref<1x16x128xi32, #tpu.memory_space<vmem>>
        %dma_wait3A_1144 = tpu.memref_squeeze %dma_wait3A_1143 : memref<1x16x128xi32, #tpu.memory_space<vmem>> -> memref<16x128xi32, #tpu.memory_space<vmem>>
        %dma_wait3A_1145 = arith.constant 0 : i32
        %dma_wait3A_1146 = tpu.memref_slice %arg3[%add3A_110, %dma_wait3A_1145] : memref<6400x128xi32, #tpu.memory_space<hbm>> -> memref<16x128xi32, #tpu.memory_space<hbm>>
        tpu.wait_dma2 semaphore(%arg11 : memref<!tpu.dma_semaphore, #tpu.memory_space<semaphore_mem>>) src(%dma_wait3A_1146 : memref<16x128xi32, #tpu.memory_space<hbm>>) dst(%dma_wait3A_1144 : memref<16x128xi32, #tpu.memory_space<vmem>>)
        %dma_start3A_1147 = arith.constant 0 : i32
        %dma_start3A_1148 = arith.constant 0 : i32
        %dma_start3A_1149 = arith.constant 0 : i32
        %dma_start3A_1150 = tpu.memref_slice %arg8[%dma_start3A_1147, %dma_start3A_1148, %dma_start3A_1149] : memref<4x128x32xf32, #tpu.memory_space<vmem>> -> memref<1x128x32xf32, #tpu.memory_space<vmem>>
        %dma_start3A_1151 = tpu.memref_squeeze %dma_start3A_1150 : memref<1x128x32xf32, #tpu.memory_space<vmem>> -> memref<128x32xf32, #tpu.memory_space<vmem>>
        %dma_start3A_1152 = arith.constant 0 : i32
        %dma_start3A_1153 = tpu.memref_slice %arg6[%sub3A_113, %dma_start3A_1152] : memref<2x2048xi32, #tpu.memory_space<vmem>> -> memref<1x2048xi32, #tpu.memory_space<vmem>>
        %dma_start3A_1154 = tpu.memref_squeeze %dma_start3A_1153 : memref<1x2048xi32, #tpu.memory_space<vmem>> -> memref<2048xi32, #tpu.memory_space<vmem>>
        %dma_start3A_1155 = arith.constant 0 : i32
        %dma_start3A_1156 = tpu.memref_slice %dma_start3A_1154[%dma_start3A_1155] : memref<2048xi32, #tpu.memory_space<vmem>> -> memref<128xi32, #tpu.memory_space<vmem>>
        %dma_start3A_1157 = arith.constant 0 : i32
        %dma_start3A_1158 = arith.constant 0 : i32
        %dma_start3A_1159 = tpu.memref_slice %arg4[%arg0, %dma_start3A_1157, %dma_start3A_1158] : memref<2x50002x32xf32, #tpu.memory_space<hbm>> -> memref<1x50002x32xf32, #tpu.memory_space<hbm>>
        %dma_start3A_1160 = tpu.memref_squeeze %dma_start3A_1159 : memref<1x50002x32xf32, #tpu.memory_space<hbm>> -> memref<50002x32xf32, #tpu.memory_space<hbm>>
        %dma_start3A_1161 = arith.constant 0 : i32
        %dma_start3A_1162 = arith.constant 0 : i32
        %dma_start3A_1163 = tpu.memref_slice %dma_start3A_1160[%dma_start3A_1161, %dma_start3A_1162] : memref<50002x32xf32, #tpu.memory_space<hbm>> -> memref<50002x32xf32, #tpu.memory_space<hbm>>
        tpu.enqueue_indirect_dma source(%dma_start3A_1163 : memref<50002x32xf32, #tpu.memory_space<hbm>>) target(%dma_start3A_1151 : memref<128x32xf32, #tpu.memory_space<vmem>>) offsets(%dma_start3A_1156 : memref<128xi32, #tpu.memory_space<vmem>>) semaphore(%arg10 : memref<!tpu.dma_semaphore, #tpu.memory_space<semaphore_mem>>)
      } else {
      }
      %dma_wait3A_1036 = arith.constant 2 : i32
      %dma_wait3A_1037 = arith.constant 0 : i32
      %dma_wait3A_1038 = arith.constant 0 : i32
      %dma_wait3A_1039 = tpu.memref_slice %arg8[%dma_wait3A_1036, %dma_wait3A_1037, %dma_wait3A_1038] : memref<4x128x32xf32, #tpu.memory_space<vmem>> -> memref<1x128x32xf32, #tpu.memory_space<vmem>>
      %dma_wait3A_1040 = tpu.memref_squeeze %dma_wait3A_1039 : memref<1x128x32xf32, #tpu.memory_space<vmem>> -> memref<128x32xf32, #tpu.memory_space<vmem>>
      %dma_wait3A_1041 = arith.constant 0 : i32
      %dma_wait3A_1042 = tpu.memref_slice %arg6[%rem3A_99, %dma_wait3A_1041] : memref<2x2048xi32, #tpu.memory_space<vmem>> -> memref<1x2048xi32, #tpu.memory_space<vmem>>
      %dma_wait3A_1043 = tpu.memref_squeeze %dma_wait3A_1042 : memref<1x2048xi32, #tpu.memory_space<vmem>> -> memref<2048xi32, #tpu.memory_space<vmem>>
      %dma_wait3A_1044 = arith.constant 1792 : i32
      %dma_wait3A_1045 = tpu.memref_slice %dma_wait3A_1043[%dma_wait3A_1044] : memref<2048xi32, #tpu.memory_space<vmem>> -> memref<128xi32, #tpu.memory_space<vmem>>
      %dma_wait3A_1046 = arith.constant 0 : i32
      %dma_wait3A_1047 = arith.constant 0 : i32
      %dma_wait3A_1048 = tpu.memref_slice %arg4[%arg0, %dma_wait3A_1046, %dma_wait3A_1047] : memref<2x50002x32xf32, #tpu.memory_space<hbm>> -> memref<1x50002x32xf32, #tpu.memory_space<hbm>>
      %dma_wait3A_1049 = tpu.memref_squeeze %dma_wait3A_1048 : memref<1x50002x32xf32, #tpu.memory_space<hbm>> -> memref<50002x32xf32, #tpu.memory_space<hbm>>
      %dma_wait3A_1050 = arith.constant 0 : i32
      %dma_wait3A_1051 = arith.constant 0 : i32
      %dma_wait3A_1052 = tpu.memref_slice %dma_wait3A_1049[%dma_wait3A_1050, %dma_wait3A_1051] : memref<50002x32xf32, #tpu.memory_space<hbm>> -> memref<50002x32xf32, #tpu.memory_space<hbm>>
      tpu.wait_indirect_dma semaphore(%arg10 : memref<!tpu.dma_semaphore, #tpu.memory_space<semaphore_mem>>) src(%dma_wait3A_1052 : memref<50002x32xf32, #tpu.memory_space<hbm>>) dst(%dma_wait3A_1040 : memref<128x32xf32, #tpu.memory_space<vmem>>)
      %dma_start3A_1053 = arith.constant 2 : i32
      %dma_start3A_1054 = arith.constant 14 : i32
      %dma_start3A_1055 = arith.constant 0 : i32
      %dma_start3A_1056 = arith.constant 0 : i32
      %dma_start3A_1057 = tpu.memref_slice %arg8[%dma_start3A_1053, %dma_start3A_1055, %dma_start3A_1056] : memref<4x128x32xf32, #tpu.memory_space<vmem>> -> memref<1x128x32xf32, #tpu.memory_space<vmem>>
      %dma_start3A_1058 = tpu.memref_squeeze %dma_start3A_1057 : memref<1x128x32xf32, #tpu.memory_space<vmem>> -> memref<128x32xf32, #tpu.memory_space<vmem>>
      %dma_start3A_1059 = arith.constant 0 : i32
      %dma_start3A_1060 = arith.constant 0 : i32
      %dma_start3A_1061 = tpu.memref_slice %arg7[%rem3A_99, %dma_start3A_1059, %dma_start3A_1060] : memref<2x16x128xi32, #tpu.memory_space<vmem>> -> memref<1x16x128xi32, #tpu.memory_space<vmem>>
      %dma_start3A_1062 = tpu.memref_squeeze %dma_start3A_1061 : memref<1x16x128xi32, #tpu.memory_space<vmem>> -> memref<16x128xi32, #tpu.memory_space<vmem>>
      %dma_start3A_1063 = arith.constant 0 : i32
      %dma_start3A_1064 = tpu.memref_slice %dma_start3A_1062[%dma_start3A_1054, %dma_start3A_1063] : memref<16x128xi32, #tpu.memory_space<vmem>> -> memref<1x128xi32, #tpu.memory_space<vmem>>
      %dma_start3A_1065 = tpu.memref_squeeze %dma_start3A_1064 : memref<1x128xi32, #tpu.memory_space<vmem>> -> memref<128xi32, #tpu.memory_space<vmem>>
      %dma_start3A_1066 = arith.constant 0 : i32
      %dma_start3A_1067 = arith.constant 0 : i32
      %dma_start3A_1068 = tpu.memref_slice %arg9[%dma_start3A_1066, %dma_start3A_1067] : memref<51200x32xf32, #tpu.memory_space<vmem_shared>> -> memref<51200x32xf32, #tpu.memory_space<vmem_shared>>
      tpu.enqueue_indirect_dma source(%dma_start3A_1058 : memref<128x32xf32, #tpu.memory_space<vmem>>) target(%dma_start3A_1068 : memref<51200x32xf32, #tpu.memory_space<vmem_shared>>) offsets(%dma_start3A_1065 : memref<128xi32, #tpu.memory_space<vmem>>) semaphore(%arg12 : memref<!tpu.dma_semaphore, #tpu.memory_space<semaphore_mem>>) {add = true}
      %dma_wait3A_1069 = arith.constant 1 : i32
      %dma_wait3A_1070 = arith.constant 13 : i32
      %dma_wait3A_1071 = arith.constant 0 : i32
      %dma_wait3A_1072 = arith.constant 0 : i32
      %dma_wait3A_1073 = tpu.memref_slice %arg8[%dma_wait3A_1069, %dma_wait3A_1071, %dma_wait3A_1072] : memref<4x128x32xf32, #tpu.memory_space<vmem>> -> memref<1x128x32xf32, #tpu.memory_space<vmem>>
      %dma_wait3A_1074 = tpu.memref_squeeze %dma_wait3A_1073 : memref<1x128x32xf32, #tpu.memory_space<vmem>> -> memref<128x32xf32, #tpu.memory_space<vmem>>
      %dma_wait3A_1075 = arith.constant 0 : i32
      %dma_wait3A_1076 = arith.constant 0 : i32
      %dma_wait3A_1077 = tpu.memref_slice %arg7[%rem3A_99, %dma_wait3A_1075, %dma_wait3A_1076] : memref<2x16x128xi32, #tpu.memory_space<vmem>> -> memref<1x16x128xi32, #tpu.memory_space<vmem>>
      %dma_wait3A_1078 = tpu.memref_squeeze %dma_wait3A_1077 : memref<1x16x128xi32, #tpu.memory_space<vmem>> -> memref<16x128xi32, #tpu.memory_space<vmem>>
      %dma_wait3A_1079 = arith.constant 0 : i32
      %dma_wait3A_1080 = tpu.memref_slice %dma_wait3A_1078[%dma_wait3A_1070, %dma_wait3A_1079] : memref<16x128xi32, #tpu.memory_space<vmem>> -> memref<1x128xi32, #tpu.memory_space<vmem>>
      %dma_wait3A_1081 = tpu.memref_squeeze %dma_wait3A_1080 : memref<1x128xi32, #tpu.memory_space<vmem>> -> memref<128xi32, #tpu.memory_space<vmem>>
      %dma_wait3A_1082 = arith.constant 0 : i32
      %dma_wait3A_1083 = arith.constant 0 : i32
      %dma_wait3A_1084 = tpu.memref_slice %arg9[%dma_wait3A_1082, %dma_wait3A_1083] : memref<51200x32xf32, #tpu.memory_space<vmem_shared>> -> memref<51200x32xf32, #tpu.memory_space<vmem_shared>>
      tpu.wait_indirect_dma semaphore(%arg12 : memref<!tpu.dma_semaphore, #tpu.memory_space<semaphore_mem>>) src(%dma_wait3A_1074 : memref<128x32xf32, #tpu.memory_space<vmem>>) dst(%dma_wait3A_1084 : memref<51200x32xf32, #tpu.memory_space<vmem_shared>>)
      %lt3A_1085 = arith.constant 24 : i32
      %lt3A_1086 = arith.cmpi slt, %scan3A_98, %lt3A_1085 : i32
      %convert_element_type3A_1087 = arith.extui %lt3A_1086 : i1 to i32
      %cond3A_1088 = arith.constant 0 : i32
      %cond3A_1089 = arith.cmpi ne, %convert_element_type3A_1087, %cond3A_1088 : i32
      scf.if %cond3A_1089 {
        %dma_start3A_1123 = arith.constant 1 : i32
        %dma_start3A_1124 = arith.constant 0 : i32
        %dma_start3A_1125 = arith.constant 0 : i32
        %dma_start3A_1126 = tpu.memref_slice %arg8[%dma_start3A_1123, %dma_start3A_1124, %dma_start3A_1125] : memref<4x128x32xf32, #tpu.memory_space<vmem>> -> memref<1x128x32xf32, #tpu.memory_space<vmem>>
        %dma_start3A_1127 = tpu.memref_squeeze %dma_start3A_1126 : memref<1x128x32xf32, #tpu.memory_space<vmem>> -> memref<128x32xf32, #tpu.memory_space<vmem>>
        %dma_start3A_1128 = arith.constant 0 : i32
        %dma_start3A_1129 = tpu.memref_slice %arg6[%sub3A_113, %dma_start3A_1128] : memref<2x2048xi32, #tpu.memory_space<vmem>> -> memref<1x2048xi32, #tpu.memory_space<vmem>>
        %dma_start3A_1130 = tpu.memref_squeeze %dma_start3A_1129 : memref<1x2048xi32, #tpu.memory_space<vmem>> -> memref<2048xi32, #tpu.memory_space<vmem>>
        %dma_start3A_1131 = arith.constant 128 : i32
        %dma_start3A_1132 = tpu.memref_slice %dma_start3A_1130[%dma_start3A_1131] : memref<2048xi32, #tpu.memory_space<vmem>> -> memref<128xi32, #tpu.memory_space<vmem>>
        %dma_start3A_1133 = arith.constant 0 : i32
        %dma_start3A_1134 = arith.constant 0 : i32
        %dma_start3A_1135 = tpu.memref_slice %arg4[%arg0, %dma_start3A_1133, %dma_start3A_1134] : memref<2x50002x32xf32, #tpu.memory_space<hbm>> -> memref<1x50002x32xf32, #tpu.memory_space<hbm>>
        %dma_start3A_1136 = tpu.memref_squeeze %dma_start3A_1135 : memref<1x50002x32xf32, #tpu.memory_space<hbm>> -> memref<50002x32xf32, #tpu.memory_space<hbm>>
        %dma_start3A_1137 = arith.constant 0 : i32
        %dma_start3A_1138 = arith.constant 0 : i32
        %dma_start3A_1139 = tpu.memref_slice %dma_start3A_1136[%dma_start3A_1137, %dma_start3A_1138] : memref<50002x32xf32, #tpu.memory_space<hbm>> -> memref<50002x32xf32, #tpu.memory_space<hbm>>
        tpu.enqueue_indirect_dma source(%dma_start3A_1139 : memref<50002x32xf32, #tpu.memory_space<hbm>>) target(%dma_start3A_1127 : memref<128x32xf32, #tpu.memory_space<vmem>>) offsets(%dma_start3A_1132 : memref<128xi32, #tpu.memory_space<vmem>>) semaphore(%arg10 : memref<!tpu.dma_semaphore, #tpu.memory_space<semaphore_mem>>)
      } else {
      }
      %dma_wait3A_1090 = arith.constant 3 : i32
      %dma_wait3A_1091 = arith.constant 0 : i32
      %dma_wait3A_1092 = arith.constant 0 : i32
      %dma_wait3A_1093 = tpu.memref_slice %arg8[%dma_wait3A_1090, %dma_wait3A_1091, %dma_wait3A_1092] : memref<4x128x32xf32, #tpu.memory_space<vmem>> -> memref<1x128x32xf32, #tpu.memory_space<vmem>>
      %dma_wait3A_1094 = tpu.memref_squeeze %dma_wait3A_1093 : memref<1x128x32xf32, #tpu.memory_space<vmem>> -> memref<128x32xf32, #tpu.memory_space<vmem>>
      %dma_wait3A_1095 = arith.constant 0 : i32
      %dma_wait3A_1096 = tpu.memref_slice %arg6[%rem3A_99, %dma_wait3A_1095] : memref<2x2048xi32, #tpu.memory_space<vmem>> -> memref<1x2048xi32, #tpu.memory_space<vmem>>
      %dma_wait3A_1097 = tpu.memref_squeeze %dma_wait3A_1096 : memref<1x2048xi32, #tpu.memory_space<vmem>> -> memref<2048xi32, #tpu.memory_space<vmem>>
      %dma_wait3A_1098 = arith.constant 1920 : i32
      %dma_wait3A_1099 = tpu.memref_slice %dma_wait3A_1097[%dma_wait3A_1098] : memref<2048xi32, #tpu.memory_space<vmem>> -> memref<128xi32, #tpu.memory_space<vmem>>
      %dma_wait3A_1100 = arith.constant 0 : i32
      %dma_wait3A_1101 = arith.constant 0 : i32
      %dma_wait3A_1102 = tpu.memref_slice %arg4[%arg0, %dma_wait3A_1100, %dma_wait3A_1101] : memref<2x50002x32xf32, #tpu.memory_space<hbm>> -> memref<1x50002x32xf32, #tpu.memory_space<hbm>>
      %dma_wait3A_1103 = tpu.memref_squeeze %dma_wait3A_1102 : memref<1x50002x32xf32, #tpu.memory_space<hbm>> -> memref<50002x32xf32, #tpu.memory_space<hbm>>
      %dma_wait3A_1104 = arith.constant 0 : i32
      %dma_wait3A_1105 = arith.constant 0 : i32
      %dma_wait3A_1106 = tpu.memref_slice %dma_wait3A_1103[%dma_wait3A_1104, %dma_wait3A_1105] : memref<50002x32xf32, #tpu.memory_space<hbm>> -> memref<50002x32xf32, #tpu.memory_space<hbm>>
      tpu.wait_indirect_dma semaphore(%arg10 : memref<!tpu.dma_semaphore, #tpu.memory_space<semaphore_mem>>) src(%dma_wait3A_1106 : memref<50002x32xf32, #tpu.memory_space<hbm>>) dst(%dma_wait3A_1094 : memref<128x32xf32, #tpu.memory_space<vmem>>)
      %dma_start3A_1107 = arith.constant 3 : i32
      %dma_start3A_1108 = arith.constant 15 : i32
      %dma_start3A_1109 = arith.constant 0 : i32
      %dma_start3A_1110 = arith.constant 0 : i32
      %dma_start3A_1111 = tpu.memref_slice %arg8[%dma_start3A_1107, %dma_start3A_1109, %dma_start3A_1110] : memref<4x128x32xf32, #tpu.memory_space<vmem>> -> memref<1x128x32xf32, #tpu.memory_space<vmem>>
      %dma_start3A_1112 = tpu.memref_squeeze %dma_start3A_1111 : memref<1x128x32xf32, #tpu.memory_space<vmem>> -> memref<128x32xf32, #tpu.memory_space<vmem>>
      %dma_start3A_1113 = arith.constant 0 : i32
      %dma_start3A_1114 = arith.constant 0 : i32
      %dma_start3A_1115 = tpu.memref_slice %arg7[%rem3A_99, %dma_start3A_1113, %dma_start3A_1114] : memref<2x16x128xi32, #tpu.memory_space<vmem>> -> memref<1x16x128xi32, #tpu.memory_space<vmem>>
      %dma_start3A_1116 = tpu.memref_squeeze %dma_start3A_1115 : memref<1x16x128xi32, #tpu.memory_space<vmem>> -> memref<16x128xi32, #tpu.memory_space<vmem>>
      %dma_start3A_1117 = arith.constant 0 : i32
      %dma_start3A_1118 = tpu.memref_slice %dma_start3A_1116[%dma_start3A_1108, %dma_start3A_1117] : memref<16x128xi32, #tpu.memory_space<vmem>> -> memref<1x128xi32, #tpu.memory_space<vmem>>
      %dma_start3A_1119 = tpu.memref_squeeze %dma_start3A_1118 : memref<1x128xi32, #tpu.memory_space<vmem>> -> memref<128xi32, #tpu.memory_space<vmem>>
      %dma_start3A_1120 = arith.constant 0 : i32
      %dma_start3A_1121 = arith.constant 0 : i32
      %dma_start3A_1122 = tpu.memref_slice %arg9[%dma_start3A_1120, %dma_start3A_1121] : memref<51200x32xf32, #tpu.memory_space<vmem_shared>> -> memref<51200x32xf32, #tpu.memory_space<vmem_shared>>
      tpu.enqueue_indirect_dma source(%dma_start3A_1112 : memref<128x32xf32, #tpu.memory_space<vmem>>) target(%dma_start3A_1122 : memref<51200x32xf32, #tpu.memory_space<vmem_shared>>) offsets(%dma_start3A_1119 : memref<128xi32, #tpu.memory_space<vmem>>) semaphore(%arg12 : memref<!tpu.dma_semaphore, #tpu.memory_space<semaphore_mem>>) {add = true}
    }
    %scan3A_57 = arith.constant 25 : i32
    %dma_wait3A = arith.constant 2 : i32
    %dma_wait3A_58 = arith.constant 0 : i32
    %dma_wait3A_59 = arith.constant 0 : i32
    %dma_wait3A_60 = arith.constant 0 : i32
    %dma_wait3A_61 = arith.constant 0 : i32
    %dma_wait3A_62 = tpu.memref_slice %arg8[%dma_wait3A, %dma_wait3A_60, %dma_wait3A_61] : memref<4x128x32xf32, #tpu.memory_space<vmem>> -> memref<1x128x32xf32, #tpu.memory_space<vmem>>
    %dma_wait3A_63 = tpu.memref_squeeze %dma_wait3A_62 : memref<1x128x32xf32, #tpu.memory_space<vmem>> -> memref<128x32xf32, #tpu.memory_space<vmem>>
    %dma_wait3A_64 = arith.constant 0 : i32
    %dma_wait3A_65 = arith.constant 0 : i32
    %dma_wait3A_66 = tpu.memref_slice %arg7[%dma_wait3A_58, %dma_wait3A_64, %dma_wait3A_65] : memref<2x16x128xi32, #tpu.memory_space<vmem>> -> memref<1x16x128xi32, #tpu.memory_space<vmem>>
    %dma_wait3A_67 = tpu.memref_squeeze %dma_wait3A_66 : memref<1x16x128xi32, #tpu.memory_space<vmem>> -> memref<16x128xi32, #tpu.memory_space<vmem>>
    %dma_wait3A_68 = arith.constant 0 : i32
    %dma_wait3A_69 = tpu.memref_slice %dma_wait3A_67[%dma_wait3A_59, %dma_wait3A_68] : memref<16x128xi32, #tpu.memory_space<vmem>> -> memref<1x128xi32, #tpu.memory_space<vmem>>
    %dma_wait3A_70 = tpu.memref_squeeze %dma_wait3A_69 : memref<1x128xi32, #tpu.memory_space<vmem>> -> memref<128xi32, #tpu.memory_space<vmem>>
    %dma_wait3A_71 = arith.constant 0 : i32
    %dma_wait3A_72 = arith.constant 0 : i32
    %dma_wait3A_73 = tpu.memref_slice %arg9[%dma_wait3A_71, %dma_wait3A_72] : memref<51200x32xf32, #tpu.memory_space<vmem_shared>> -> memref<51200x32xf32, #tpu.memory_space<vmem_shared>>
    tpu.wait_indirect_dma semaphore(%arg12 : memref<!tpu.dma_semaphore, #tpu.memory_space<semaphore_mem>>) src(%dma_wait3A_63 : memref<128x32xf32, #tpu.memory_space<vmem>>) dst(%dma_wait3A_73 : memref<51200x32xf32, #tpu.memory_space<vmem_shared>>)
    %dma_wait3A_74 = arith.constant 3 : i32
    %dma_wait3A_75 = arith.constant 0 : i32
    %dma_wait3A_76 = arith.constant 1 : i32
    %dma_wait3A_77 = arith.constant 0 : i32
    %dma_wait3A_78 = arith.constant 0 : i32
    %dma_wait3A_79 = tpu.memref_slice %arg8[%dma_wait3A_74, %dma_wait3A_77, %dma_wait3A_78] : memref<4x128x32xf32, #tpu.memory_space<vmem>> -> memref<1x128x32xf32, #tpu.memory_space<vmem>>
    %dma_wait3A_80 = tpu.memref_squeeze %dma_wait3A_79 : memref<1x128x32xf32, #tpu.memory_space<vmem>> -> memref<128x32xf32, #tpu.memory_space<vmem>>
    %dma_wait3A_81 = arith.constant 0 : i32
    %dma_wait3A_82 = arith.constant 0 : i32
    %dma_wait3A_83 = tpu.memref_slice %arg7[%dma_wait3A_75, %dma_wait3A_81, %dma_wait3A_82] : memref<2x16x128xi32, #tpu.memory_space<vmem>> -> memref<1x16x128xi32, #tpu.memory_space<vmem>>
    %dma_wait3A_84 = tpu.memref_squeeze %dma_wait3A_83 : memref<1x16x128xi32, #tpu.memory_space<vmem>> -> memref<16x128xi32, #tpu.memory_space<vmem>>
    %dma_wait3A_85 = arith.constant 0 : i32
    %dma_wait3A_86 = tpu.memref_slice %dma_wait3A_84[%dma_wait3A_76, %dma_wait3A_85] : memref<16x128xi32, #tpu.memory_space<vmem>> -> memref<1x128xi32, #tpu.memory_space<vmem>>
    %dma_wait3A_87 = tpu.memref_squeeze %dma_wait3A_86 : memref<1x128xi32, #tpu.memory_space<vmem>> -> memref<128xi32, #tpu.memory_space<vmem>>
    %dma_wait3A_88 = arith.constant 0 : i32
    %dma_wait3A_89 = arith.constant 0 : i32
    %dma_wait3A_90 = tpu.memref_slice %arg9[%dma_wait3A_88, %dma_wait3A_89] : memref<51200x32xf32, #tpu.memory_space<vmem_shared>> -> memref<51200x32xf32, #tpu.memory_space<vmem_shared>>
    tpu.wait_indirect_dma semaphore(%arg12 : memref<!tpu.dma_semaphore, #tpu.memory_space<semaphore_mem>>) src(%dma_wait3A_80 : memref<128x32xf32, #tpu.memory_space<vmem>>) dst(%dma_wait3A_90 : memref<51200x32xf32, #tpu.memory_space<vmem_shared>>)
    %barrier3A_91 = arith.constant 0 : index
    tpu.barrier barrier_id(%barrier3A_91)
    %scan3A_92 = arith.constant 0 : i32
    %scan3A_93 = arith.constant 0 : i32
    %scan3A_94 = arith.constant 25 : i32
    %scan3A_95 = arith.addi %scan3A_93, %scan3A_94 : i32
    %scan3A_96 = arith.constant 1 : i32
    scf.for %scan3A_98 = %scan3A_93 to %scan3A_95 step %scan3A_96  : i32 {
      %mul3A_99 = arith.constant 128 : i32
      %mul3A_100 = arith.muli %scan3A_98, %mul3A_99 : i32
      %add3A = arith.addi %mul3A_9, %mul3A_100 : i32
      %run_scoped3A_101 = arith.constant 0 : i32
      "tpu.region"() ({
        %run_scoped3A_103 = tpu.sem_alloc : memref<!tpu.dma_semaphore, #tpu.memory_space<semaphore_mem>>
        %dma_start3A_104 = arith.constant 0 : i32
        %dma_start3A_105 = arith.constant 0 : i32
        %dma_start3A_106 = tpu.memref_slice %arg8[%run_scoped3A_101, %dma_start3A_104, %dma_start3A_105] : memref<4x128x32xf32, #tpu.memory_space<vmem>> -> memref<1x128x32xf32, #tpu.memory_space<vmem>>
        %dma_start3A_107 = tpu.memref_squeeze %dma_start3A_106 : memref<1x128x32xf32, #tpu.memory_space<vmem>> -> memref<128x32xf32, #tpu.memory_space<vmem>>
        %dma_start3A_108 = arith.constant 0 : i32
        %dma_start3A_109 = tpu.memref_slice %arg9[%add3A, %dma_start3A_108] : memref<51200x32xf32, #tpu.memory_space<vmem_shared>> -> memref<128x32xf32, #tpu.memory_space<vmem_shared>>
        %dma_start3A_110 = arith.constant 0 : i32
        %dma_start3A_111 = arith.constant 0 : i32
        %dma_start3A_112 = tpu.memref_slice %arg8[%run_scoped3A_101, %dma_start3A_110, %dma_start3A_111] : memref<4x128x32xf32, #tpu.memory_space<vmem>> -> memref<1x128x32xf32, #tpu.memory_space<vmem>>
        %dma_start3A_113 = tpu.memref_squeeze %dma_start3A_112 : memref<1x128x32xf32, #tpu.memory_space<vmem>> -> memref<128x32xf32, #tpu.memory_space<vmem>>
        %dma_start3A_114 = arith.constant 0 : i32
        %dma_start3A_115 = tpu.memref_slice %arg9[%add3A, %dma_start3A_114] : memref<51200x32xf32, #tpu.memory_space<vmem_shared>> -> memref<128x32xf32, #tpu.memory_space<vmem_shared>>
        tpu.enqueue_dma source(%dma_start3A_115 : memref<128x32xf32, #tpu.memory_space<vmem_shared>>) target(%dma_start3A_113 : memref<128x32xf32, #tpu.memory_space<vmem>>) target_semaphore(%run_scoped3A_103 : memref<!tpu.dma_semaphore, #tpu.memory_space<semaphore_mem>>)
        %dma_wait3A_116 = arith.constant 0 : i32
        %dma_wait3A_117 = arith.constant 0 : i32
        %dma_wait3A_118 = tpu.memref_slice %arg8[%run_scoped3A_101, %dma_wait3A_116, %dma_wait3A_117] : memref<4x128x32xf32, #tpu.memory_space<vmem>> -> memref<1x128x32xf32, #tpu.memory_space<vmem>>
        %dma_wait3A_119 = tpu.memref_squeeze %dma_wait3A_118 : memref<1x128x32xf32, #tpu.memory_space<vmem>> -> memref<128x32xf32, #tpu.memory_space<vmem>>
        %dma_wait3A_120 = arith.constant 0 : i32
        %dma_wait3A_121 = tpu.memref_slice %arg9[%add3A, %dma_wait3A_120] : memref<51200x32xf32, #tpu.memory_space<vmem_shared>> -> memref<128x32xf32, #tpu.memory_space<vmem_shared>>
        %dma_wait3A_122 = arith.constant 0 : i32
        %dma_wait3A_123 = arith.constant 0 : i32
        %dma_wait3A_124 = tpu.memref_slice %arg8[%run_scoped3A_101, %dma_wait3A_122, %dma_wait3A_123] : memref<4x128x32xf32, #tpu.memory_space<vmem>> -> memref<1x128x32xf32, #tpu.memory_space<vmem>>
        %dma_wait3A_125 = tpu.memref_squeeze %dma_wait3A_124 : memref<1x128x32xf32, #tpu.memory_space<vmem>> -> memref<128x32xf32, #tpu.memory_space<vmem>>
        %dma_wait3A_126 = arith.constant 0 : i32
        %dma_wait3A_127 = tpu.memref_slice %arg9[%add3A, %dma_wait3A_126] : memref<51200x32xf32, #tpu.memory_space<vmem_shared>> -> memref<128x32xf32, #tpu.memory_space<vmem_shared>>
        tpu.wait_dma2 semaphore(%run_scoped3A_103 : memref<!tpu.dma_semaphore, #tpu.memory_space<semaphore_mem>>) src(%dma_wait3A_127 : memref<128x32xf32, #tpu.memory_space<vmem_shared>>) dst(%dma_wait3A_125 : memref<128x32xf32, #tpu.memory_space<vmem>>)
        tpu.yield
      }) : () -> ()
      %run_scoped3A_102 = arith.constant 0 : i32
      "tpu.region"() ({
        %run_scoped3A_103 = tpu.sem_alloc : memref<!tpu.dma_semaphore, #tpu.memory_space<semaphore_mem>>
        %dma_start3A_104 = arith.constant 0 : i32
        %dma_start3A_105 = arith.constant 0 : i32
        %dma_start3A_106 = tpu.memref_slice %arg8[%run_scoped3A_102, %dma_start3A_104, %dma_start3A_105] : memref<4x128x32xf32, #tpu.memory_space<vmem>> -> memref<1x128x32xf32, #tpu.memory_space<vmem>>
        %dma_start3A_107 = tpu.memref_squeeze %dma_start3A_106 : memref<1x128x32xf32, #tpu.memory_space<vmem>> -> memref<128x32xf32, #tpu.memory_space<vmem>>
        %dma_start3A_108 = arith.constant 0 : i32
        %dma_start3A_109 = arith.constant 0 : i32
        %dma_start3A_110 = tpu.memref_slice %arg5[%arg0, %dma_start3A_108, %dma_start3A_109] : memref<2x51200x32xf32, #tpu.memory_space<hbm>> -> memref<1x51200x32xf32, #tpu.memory_space<hbm>>
        %dma_start3A_111 = tpu.memref_squeeze %dma_start3A_110 : memref<1x51200x32xf32, #tpu.memory_space<hbm>> -> memref<51200x32xf32, #tpu.memory_space<hbm>>
        %dma_start3A_112 = arith.constant 0 : i32
        %dma_start3A_113 = tpu.memref_slice %dma_start3A_111[%add3A, %dma_start3A_112] : memref<51200x32xf32, #tpu.memory_space<hbm>> -> memref<128x32xf32, #tpu.memory_space<hbm>>
        %dma_start3A_114 = arith.constant 0 : i32
        %dma_start3A_115 = arith.constant 0 : i32
        %dma_start3A_116 = tpu.memref_slice %arg5[%arg0, %dma_start3A_114, %dma_start3A_115] : memref<2x51200x32xf32, #tpu.memory_space<hbm>> -> memref<1x51200x32xf32, #tpu.memory_space<hbm>>
        %dma_start3A_117 = tpu.memref_squeeze %dma_start3A_116 : memref<1x51200x32xf32, #tpu.memory_space<hbm>> -> memref<51200x32xf32, #tpu.memory_space<hbm>>
        %dma_start3A_118 = arith.constant 0 : i32
        %dma_start3A_119 = tpu.memref_slice %dma_start3A_117[%add3A, %dma_start3A_118] : memref<51200x32xf32, #tpu.memory_space<hbm>> -> memref<128x32xf32, #tpu.memory_space<hbm>>
        %dma_start3A_120 = arith.constant 0 : i32
        %dma_start3A_121 = arith.constant 0 : i32
        %dma_start3A_122 = tpu.memref_slice %arg8[%run_scoped3A_102, %dma_start3A_120, %dma_start3A_121] : memref<4x128x32xf32, #tpu.memory_space<vmem>> -> memref<1x128x32xf32, #tpu.memory_space<vmem>>
        %dma_start3A_123 = tpu.memref_squeeze %dma_start3A_122 : memref<1x128x32xf32, #tpu.memory_space<vmem>> -> memref<128x32xf32, #tpu.memory_space<vmem>>
        tpu.enqueue_dma source(%dma_start3A_123 : memref<128x32xf32, #tpu.memory_space<vmem>>) target(%dma_start3A_119 : memref<128x32xf32, #tpu.memory_space<hbm>>) target_semaphore(%run_scoped3A_103 : memref<!tpu.dma_semaphore, #tpu.memory_space<semaphore_mem>>)
        %dma_wait3A_124 = arith.constant 0 : i32
        %dma_wait3A_125 = arith.constant 0 : i32
        %dma_wait3A_126 = tpu.memref_slice %arg8[%run_scoped3A_102, %dma_wait3A_124, %dma_wait3A_125] : memref<4x128x32xf32, #tpu.memory_space<vmem>> -> memref<1x128x32xf32, #tpu.memory_space<vmem>>
        %dma_wait3A_127 = tpu.memref_squeeze %dma_wait3A_126 : memref<1x128x32xf32, #tpu.memory_space<vmem>> -> memref<128x32xf32, #tpu.memory_space<vmem>>
        %dma_wait3A_128 = arith.constant 0 : i32
        %dma_wait3A_129 = arith.constant 0 : i32
        %dma_wait3A_130 = tpu.memref_slice %arg5[%arg0, %dma_wait3A_128, %dma_wait3A_129] : memref<2x51200x32xf32, #tpu.memory_space<hbm>> -> memref<1x51200x32xf32, #tpu.memory_space<hbm>>
        %dma_wait3A_131 = tpu.memref_squeeze %dma_wait3A_130 : memref<1x51200x32xf32, #tpu.memory_space<hbm>> -> memref<51200x32xf32, #tpu.memory_space<hbm>>
        %dma_wait3A_132 = arith.constant 0 : i32
        %dma_wait3A_133 = tpu.memref_slice %dma_wait3A_131[%add3A, %dma_wait3A_132] : memref<51200x32xf32, #tpu.memory_space<hbm>> -> memref<128x32xf32, #tpu.memory_space<hbm>>
        %dma_wait3A_134 = arith.constant 0 : i32
        %dma_wait3A_135 = arith.constant 0 : i32
        %dma_wait3A_136 = tpu.memref_slice %arg5[%arg0, %dma_wait3A_134, %dma_wait3A_135] : memref<2x51200x32xf32, #tpu.memory_space<hbm>> -> memref<1x51200x32xf32, #tpu.memory_space<hbm>>
        %dma_wait3A_137 = tpu.memref_squeeze %dma_wait3A_136 : memref<1x51200x32xf32, #tpu.memory_space<hbm>> -> memref<51200x32xf32, #tpu.memory_space<hbm>>
        %dma_wait3A_138 = arith.constant 0 : i32
        %dma_wait3A_139 = tpu.memref_slice %dma_wait3A_137[%add3A, %dma_wait3A_138] : memref<51200x32xf32, #tpu.memory_space<hbm>> -> memref<128x32xf32, #tpu.memory_space<hbm>>
        %dma_wait3A_140 = arith.constant 0 : i32
        %dma_wait3A_141 = arith.constant 0 : i32
        %dma_wait3A_142 = tpu.memref_slice %arg8[%run_scoped3A_102, %dma_wait3A_140, %dma_wait3A_141] : memref<4x128x32xf32, #tpu.memory_space<vmem>> -> memref<1x128x32xf32, #tpu.memory_space<vmem>>
        %dma_wait3A_143 = tpu.memref_squeeze %dma_wait3A_142 : memref<1x128x32xf32, #tpu.memory_space<vmem>> -> memref<128x32xf32, #tpu.memory_space<vmem>>
        tpu.wait_dma2 semaphore(%run_scoped3A_103 : memref<!tpu.dma_semaphore, #tpu.memory_space<semaphore_mem>>) src(%dma_wait3A_143 : memref<128x32xf32, #tpu.memory_space<vmem>>) dst(%dma_wait3A_139 : memref<128x32xf32, #tpu.memory_space<hbm>>)
        tpu.yield
      }) : () -> ()
    }
    %scan3A_97 = arith.constant 25 : i32
    return
  }
}

module attributes {stable_mosaic.version = 14 : i64} {
  func.func @_prep_body(%arg0: i32, %arg1: memref<512x64xf32, #tpu.memory_space<vmem>>, %arg2: memref<512x1xf32, #tpu.memory_space<vmem>>, %arg3: memref<512x1xf32, #tpu.memory_space<vmem>>, %arg4: memref<2x512x32xf32, #tpu.memory_space<vmem>>) attributes {dimension_semantics = [#tpu.dimension_semantics<arbitrary>], iteration_bounds = array<i64: 98>, scalar_prefetch = 0 : i64, scratch_operands = 0 : i64, tpu.core_type = #tpu.core_type<tc>, window_params = [{transform_indices = @transform_0, window_bounds = array<i64: 512, 64>}, {transform_indices = @transform_1, window_bounds = array<i64: 512, 1>}, {transform_indices = @transform_2, window_bounds = array<i64: 512, 1>}, {transform_indices = @transform_3, window_bounds = array<i64: 2, 512, 32>}]} {
    %get3A = arith.constant 0 : index
    %get3A_0 = arith.constant 0 : index
    %get3A_1 = vector.load %arg2[%get3A, %get3A_0] : memref<512x1xf32, #tpu.memory_space<vmem>>, vector<512x1xf32>
    %get3A_2 = arith.constant 0 : index
    %get3A_3 = arith.constant 0 : index
    %get3A_4 = vector.load %arg3[%get3A_2, %get3A_3] : memref<512x1xf32, #tpu.memory_space<vmem>>, vector<512x1xf32>
    %add3A = arith.addf %get3A_1, %get3A_4 : vector<512x1xf32>
    %sqrt3A = math.sqrt %add3A : vector<512x1xf32>
    %add3A_5 = arith.constant 9.99999971E-10 : f32
    %add3A_6 = vector.broadcast %add3A_5 : f32 to vector<512x1xf32>
    %add3A_7 = arith.addf %sqrt3A, %add3A_6 : vector<512x1xf32>
    %div3A = arith.constant 1.000000e+00 : f32
    %div3A_8 = vector.broadcast %div3A : f32 to vector<512x1xf32>
    %div3A_9 = arith.divf %div3A_8, %add3A_7 : vector<512x1xf32>
    %get3A_10 = arith.constant 0 : index
    %get3A_11 = arith.constant 0 : index
    %get3A_12 = vector.load %arg1[%get3A_10, %get3A_11] : memref<512x64xf32, #tpu.memory_space<vmem>>, vector<512x64xf32>
    %mul3A = vector.broadcast %div3A_9 : vector<512x1xf32> to vector<512x64xf32>
    %mul3A_13 = arith.mulf %mul3A, %get3A_12 : vector<512x64xf32>
    %slice3A = vector.extract_strided_slice %mul3A_13 {offsets = [0, 0], sizes = [512, 32], strides = [1, 1]} : vector<512x64xf32> to vector<512x32xf32>
    %swap3A = arith.constant 0 : index
    %swap3A_14 = arith.constant 0 : index
    %swap3A_15 = arith.constant 0 : index
    %swap3A_16 = vector.load %arg4[%swap3A, %swap3A_14, %swap3A_15] : memref<2x512x32xf32, #tpu.memory_space<vmem>>, vector<1x512x32xf32>
    %swap3A_17 = vector.shape_cast %swap3A_16 : vector<1x512x32xf32> to vector<512x32xf32>
    %swap3A_18 = vector.shape_cast %slice3A : vector<512x32xf32> to vector<1x512x32xf32>
    tpu.vector_store %arg4[%swap3A, %swap3A_14, %swap3A_15], %swap3A_18 {strides = array<i32>} : memref<2x512x32xf32, #tpu.memory_space<vmem>>, vector<1x512x32xf32>,
    %slice3A_19 = vector.extract_strided_slice %mul3A_13 {offsets = [0, 32], sizes = [512, 32], strides = [1, 1]} : vector<512x64xf32> to vector<512x32xf32>
    %swap3A_20 = arith.constant 1 : index
    %swap3A_21 = arith.constant 0 : index
    %swap3A_22 = arith.constant 0 : index
    %swap3A_23 = vector.load %arg4[%swap3A_20, %swap3A_21, %swap3A_22] : memref<2x512x32xf32, #tpu.memory_space<vmem>>, vector<1x512x32xf32>
    %swap3A_24 = vector.shape_cast %swap3A_23 : vector<1x512x32xf32> to vector<512x32xf32>
    %swap3A_25 = vector.shape_cast %slice3A_19 : vector<512x32xf32> to vector<1x512x32xf32>
    tpu.vector_store %arg4[%swap3A_20, %swap3A_21, %swap3A_22], %swap3A_25 {strides = array<i32>} : memref<2x512x32xf32, #tpu.memory_space<vmem>>, vector<1x512x32xf32>,
    return
  }
  func.func @transform_0(%arg0: i32) -> (i32, i32) {
    %c0_i32 = arith.constant 0 : i32
    %c0_i32_0 = arith.constant 0 : i32
    return %arg0, %c0_i32 : i32, i32
  }
  func.func @transform_1(%arg0: i32) -> (i32, i32) {
    %c0_i32 = arith.constant 0 : i32
    %c0_i32_0 = arith.constant 0 : i32
    return %arg0, %c0_i32 : i32, i32
  }
  func.func @transform_2(%arg0: i32) -> (i32, i32) {
    %c0_i32 = arith.constant 0 : i32
    %c0_i32_0 = arith.constant 0 : i32
    return %arg0, %c0_i32 : i32, i32
  }
  func.func @transform_3(%arg0: i32) -> (i32, i32, i32) {
    %c0_i32 = arith.constant 0 : i32
    %c0_i32_0 = arith.constant 0 : i32
    %c0_i32_1 = arith.constant 0 : i32
    return %c0_i32, %arg0, %c0_i32_0 : i32, i32, i32
  }
}

module attributes {stable_mosaic.version = 14 : i64} {
  func.func @_post_body(%arg0: i32, %arg1: memref<2x2xf32, #tpu.memory_space<smem>>, %arg2: memref<2x512x32xf32, #tpu.memory_space<vmem>>, %arg3: memref<512x64xf32, #tpu.memory_space<vmem>>, %arg4: memref<512x64xf32, #tpu.memory_space<vmem>>, %arg5: memref<512x1xf32, #tpu.memory_space<vmem>>, %arg6: memref<512x1xf32, #tpu.memory_space<vmem>>, %arg7: memref<512x64xf32, #tpu.memory_space<vmem>>) attributes {dimension_semantics = [#tpu.dimension_semantics<arbitrary>], iteration_bounds = array<i64: 98>, scalar_prefetch = 0 : i64, scratch_operands = 0 : i64, tpu.core_type = #tpu.core_type<tc>, window_params = [{transform_indices = @transform_0, window_bounds = array<i64: 2, 2>}, {transform_indices = @transform_1, window_bounds = array<i64: 2, 512, 32>}, {transform_indices = @transform_2, window_bounds = array<i64: 512, 64>}, {transform_indices = @transform_3, window_bounds = array<i64: 512, 64>}, {transform_indices = @transform_4, window_bounds = array<i64: 512, 1>}, {transform_indices = @transform_5, window_bounds = array<i64: 512, 1>}, {transform_indices = @transform_6, window_bounds = array<i64: 512, 64>}]} {
    %get3A = arith.constant 0 : index
    %get3A_0 = arith.constant 0 : index
    %get3A_1 = vector.load %arg6[%get3A, %get3A_0] : memref<512x1xf32, #tpu.memory_space<vmem>>, vector<512x1xf32>
    %get3A_2 = arith.constant 0 : index
    %get3A_3 = arith.constant 0 : index
    %get3A_4 = vector.load %arg5[%get3A_2, %get3A_3] : memref<512x1xf32, #tpu.memory_space<vmem>>, vector<512x1xf32>
    %add3A = arith.addf %get3A_4, %get3A_1 : vector<512x1xf32>
    %sqrt3A = math.sqrt %add3A : vector<512x1xf32>
    %add3A_5 = arith.constant 9.99999971E-10 : f32
    %add3A_6 = vector.broadcast %add3A_5 : f32 to vector<512x1xf32>
    %add3A_7 = arith.addf %sqrt3A, %add3A_6 : vector<512x1xf32>
    %div3A = arith.constant 1.000000e+00 : f32
    %div3A_8 = vector.broadcast %div3A : f32 to vector<512x1xf32>
    %div3A_9 = arith.divf %div3A_8, %add3A_7 : vector<512x1xf32>
    %get3A_10 = arith.constant 1 : index
    %get3A_11 = arith.constant 0 : index
    %get3A_12 = memref.load %arg1[%get3A_10, %get3A_11] : memref<2x2xf32, #tpu.memory_space<smem>>
    %get3A_13 = arith.constant 1 : index
    %get3A_14 = arith.constant 1 : index
    %get3A_15 = memref.load %arg1[%get3A_13, %get3A_14] : memref<2x2xf32, #tpu.memory_space<smem>>
    %get3A_16 = arith.constant 0 : index
    %get3A_17 = arith.constant 0 : index
    %get3A_18 = arith.constant 0 : index
    %get3A_19 = vector.load %arg2[%get3A_16, %get3A_17, %get3A_18] : memref<2x512x32xf32, #tpu.memory_space<vmem>>, vector<1x512x32xf32>
    %get3A_20 = vector.shape_cast %get3A_19 : vector<1x512x32xf32> to vector<512x32xf32>
    %get3A_21 = arith.constant 1 : index
    %get3A_22 = arith.constant 0 : index
    %get3A_23 = arith.constant 0 : index
    %get3A_24 = vector.load %arg2[%get3A_21, %get3A_22, %get3A_23] : memref<2x512x32xf32, #tpu.memory_space<vmem>>, vector<1x512x32xf32>
    %get3A_25 = vector.shape_cast %get3A_24 : vector<1x512x32xf32> to vector<512x32xf32>
    %concatenate3A = tpu.concatenate %get3A_20, %get3A_25 in 1 : vector<512x32xf32>, vector<512x32xf32> -> vector<512x64xf32>
    %sqrt3A_26 = math.sqrt %get3A_1 : vector<512x1xf32>
    %mul3A = vector.broadcast %get3A_12 : f32 to vector<512x1xf32>
    %mul3A_27 = arith.mulf %mul3A, %sqrt3A_26 : vector<512x1xf32>
    %mul3A_28 = arith.mulf %mul3A_27, %div3A_9 : vector<512x1xf32>
    %get3A_29 = arith.constant 0 : index
    %get3A_30 = arith.constant 0 : index
    %get3A_31 = vector.load %arg4[%get3A_29, %get3A_30] : memref<512x64xf32, #tpu.memory_space<vmem>>, vector<512x64xf32>
    %mul3A_32 = vector.broadcast %mul3A_28 : vector<512x1xf32> to vector<512x64xf32>
    %mul3A_33 = arith.mulf %mul3A_32, %get3A_31 : vector<512x64xf32>
    %mul3A_34 = vector.broadcast %get3A_15 : f32 to vector<512x1xf32>
    %mul3A_35 = arith.mulf %mul3A_34, %div3A_9 : vector<512x1xf32>
    %mul3A_36 = vector.broadcast %mul3A_35 : vector<512x1xf32> to vector<512x64xf32>
    %mul3A_37 = arith.mulf %mul3A_36, %concatenate3A : vector<512x64xf32>
    %add3A_38 = arith.addf %mul3A_33, %mul3A_37 : vector<512x64xf32>
    %mul3A_39 = arith.mulf %add3A_38, %add3A_38 : vector<512x64xf32>
    %reduce_sum3A = arith.constant dense<0.000000e+00> : vector<512xf32>
    %reduce_sum3A_40 = vector.multi_reduction <add>, %mul3A_39, %reduce_sum3A [1] : vector<512x64xf32> to vector<512xf32>
    %broadcast_in_dim3A = vector.shape_cast %reduce_sum3A_40 : vector<512xf32> to vector<512x1xf32>
    %sqrt3A_41 = math.sqrt %broadcast_in_dim3A : vector<512x1xf32>
    %max3A = arith.constant 9.99999996E-13 : f32
    %max3A_42 = vector.broadcast %max3A : f32 to vector<512x1xf32>
    %max3A_43 = arith.maximumf %sqrt3A_41, %max3A_42 : vector<512x1xf32>
    %div3A_44 = vector.broadcast %max3A_43 : vector<512x1xf32> to vector<512x64xf32>
    %div3A_45 = arith.divf %add3A_38, %div3A_44 : vector<512x64xf32>
    %get3A_46 = arith.constant 0 : index
    %get3A_47 = arith.constant 0 : index
    %get3A_48 = vector.load %arg3[%get3A_46, %get3A_47] : memref<512x64xf32, #tpu.memory_space<vmem>>, vector<512x64xf32>
    %add3A_49 = arith.addf %div3A_45, %get3A_48 : vector<512x64xf32>
    %swap3A = arith.constant 0 : index
    %swap3A_50 = arith.constant 0 : index
    %swap3A_51 = vector.load %arg7[%swap3A, %swap3A_50] : memref<512x64xf32, #tpu.memory_space<vmem>>, vector<512x64xf32>
    tpu.vector_store %arg7[%swap3A, %swap3A_50], %add3A_49 {strides = array<i32>} : memref<512x64xf32, #tpu.memory_space<vmem>>, vector<512x64xf32>,
    return
  }
  func.func @transform_0(%arg0: i32) -> (i32, i32) {
    %c0_i32 = arith.constant 0 : i32
    %c0_i32_0 = arith.constant 0 : i32
    %c0_i32_1 = arith.constant 0 : i32
    return %c0_i32, %c0_i32_0 : i32, i32
  }
  func.func @transform_1(%arg0: i32) -> (i32, i32, i32) {
    %c0_i32 = arith.constant 0 : i32
    %c0_i32_0 = arith.constant 0 : i32
    %c0_i32_1 = arith.constant 0 : i32
    return %c0_i32, %arg0, %c0_i32_0 : i32, i32, i32
  }
  func.func @transform_2(%arg0: i32) -> (i32, i32) {
    %c0_i32 = arith.constant 0 : i32
    %c0_i32_0 = arith.constant 0 : i32
    return %arg0, %c0_i32 : i32, i32
  }
  func.func @transform_3(%arg0: i32) -> (i32, i32) {
    %c0_i32 = arith.constant 0 : i32
    %c0_i32_0 = arith.constant 0 : i32
    return %arg0, %c0_i32 : i32, i32
  }
  func.func @transform_4(%arg0: i32) -> (i32, i32) {
    %c0_i32 = arith.constant 0 : i32
    %c0_i32_0 = arith.constant 0 : i32
    return %arg0, %c0_i32 : i32, i32
  }
  func.func @transform_5(%arg0: i32) -> (i32, i32) {
    %c0_i32 = arith.constant 0 : i32
    %c0_i32_0 = arith.constant 0 : i32
    return %arg0, %c0_i32 : i32, i32
  }
  func.func @transform_6(%arg0: i32) -> (i32, i32) {
    %c0_i32 = arith.constant 0 : i32
    %c0_i32_0 = arith.constant 0 : i32
    return %arg0, %c0_i32 : i32, i32
  }
}

</mosaic_0001>

<sc_bundles>
// kernel: kernel.5.cloned.1.call-start
scs
__scs_entry_jumppad:
0x0: {  	(pc) =	sbr.rel $0x88, $3  }
0x1: {  	(tag) =	ssettag $0x0;
	lr =	simm.s32 $0x1  }
0x2: {  	[smem:$0x3F98] =	sst lr;
	_ =	strace $0xD0000000  }
0x3: {  	_ = 	snop  }
0x4: {  	_ = 	snop  }
0x5: {  	_ = 	snop  }
0x6: {  	_ = 	snop  }
0x7: {  	_ = 	snop  }
__scs_overlays_trampoline_lowered:
0x8: {  	[smem:$0x3FA7] =	sst s0  }
0x9: {  	[smem:$0x3FA8] =	sst s1  }
0xa: {  	[smem:$0x3FA9] =	sst s2  }
0xb: {  	[smem:$0x3FAA] =	sst s3  }
0xc: {  	[smem:$0x3FAB] =	sst s4  }
0xd: {  	[smem:$0x3FAC] =	sst s5  }
0xe: {  	[smem:$0x3FAD] =	sst s6  }
0xf: {  	[smem:$0x3FAE] =	sst s7  }
0x10: {  	[smem:$0x3FAF] =	sst s8  }
0x11: {  	[smem:$0x3FB0] =	sst s9;
	s0 =	simm.s32 @!p0 $0x0  }
0x12: {  	s1 =	sld [smem:$0x3F96];
	s0 =	simm.s32 @p0 $0x1  }
0x13: {  	[smem:$0x3FB1] =	sst s0;
	s0 =	simm.s32 @!p1 $0x0  }
0x14: {  	s2 =	sld [smem:$0x3F95];
	s0 =	simm.s32 @p1 $0x1  }
0x15: {  	[smem:$0x3FB2] =	sst s0;
	s0 =	simm.s32 @!p2 $0x0  }
0x16: {  	s3 =	sld [smem:$0x3FDB];
	s0 =	simm.s32 @p2 $0x1  }
0x17: {  	s4 =	simm.s32 $0x1BF5;
	[smem:$0x3FB4] =	sst s0  }
0x18: {  	s0 =	sld [smem:$0x3F97];
	_ =	swait.ge [sflag:s4], $0x0  }
0x19: {  	s7 =	sld [smem:$0x3F98]  }
0x1a: {  	s8 =	sadd.s32 $0xFFFFE003, lr  }
0x1b: {  	s9 =	sadd.s32 $0xFFFFFEF7, lr;
	s5 =	simm.s32 $0xFFFFFFFF;
	p2 =	slt.u32 s8, $0xFFFFF086  }
0x1c: {  	p1 =	slt.u32 s9, $0xF7A;
	s5 =	simm.s32 @!p2 $0x0  }
0x1d: {  	s5 =	simm.s32 @p1 $0x1;
	p0 =	seq.s32 s7, s2  }
0x1e: {  	s7 =	smul.u32 @!p0 $0xF7A, s2;
	p2 =	seq.s32 @!p0 s5, $0x0  }
0x1f: {  	s9 =	smul.u32 $0xF7A, s1;
	s8 =	simm.s32 @!p0 $0x1BF5;
	p2 =	por !p2, p0  }
0x20: {  	[sflag:s8] =	ssyncset.s32 @!p0 $0xFFFFF086;
	s6 =	sadd.s32 @!p0 s3, s7;
	s7 =	simm.s32 @!p0 $0x108  }
0x21: {  	s3 =	sadd.s32 s3, s9;
	s6 =	sadd.s32 @!p0 $0x88, s6;
	s7 =	simm.s32 @p2 $0x1082  }
0x22: {  	[simem:s7], [sflag:s8] =	dma.local @!p0 [hbm:s6], $0xF7A  }
0x23: {  	s9 =	sor.u32 $0xD0000000, s2;
	s6 =	simm.s32 $0x108;
	_ =	swait.ge @!p0 [sflag:s8], $0x0  }
0x24: {  	s3 =	sadd.s32 $0x88, s3;
	s6 =	simm.s32 @!p1 $0x1082;
	[sflag:s4] =	ssyncset.s32 $0xFFFFF086  }
0x25: {  	[simem:s6], [sflag:s4] =	dma.local [hbm:s3], $0xF7A  }
0x26: {  	[smem:$0x3F98] =	sst s1;
	(tag) =	ssettag s2;
	_ =	strace s9  }
0x27: {  	s1 =	sld [smem:$0x3FA8]  }
0x28: {  	s2 =	sld [smem:$0x3FA9]  }
0x29: {  	s4 =	sld [smem:$0x3FAB]  }
0x2a: {  	p0 =	seq.s32 s5, $0x0;
	s5 =	sld [smem:$0x3FAC]  }
0x2b: {  	s6 =	sld [smem:$0x3FAD]  }
0x2c: {  	s7 =	sld [smem:$0x3FAE]  }
0x2d: {  	s3 =	simm.s32 $0x108;
	s8 =	sld [smem:$0x3FAF]  }
0x2e: {  	s3 =	simm.s32 @!p0 $0x1082;
	s9 =	sld [smem:$0x3FB0]  }
0x2f: {  	lr =	sadd.s32 s0, s3;
	s0 =	sld [smem:$0x3FA7]  }
0x30: {  	s3 =	sld [smem:$0x3FAA]  }
0x31: {  	[smem:$0x3FB3] =	sst s10  }
0x32: {  	s10 =	sld [smem:$0x3FB1];
	_ =	sdelay $0x3  }
0x33: {  	p0 =	seq.s32 s10, $0x1;
	s10 =	sld [smem:$0x3FB3];
	_ =	sdelay $0x3  }
0x34: {  	[smem:$0x3FB3] =	sst s10  }
0x35: {  	s10 =	sld [smem:$0x3FB2];
	_ =	sdelay $0x3  }
0x36: {  	p1 =	seq.s32 s10, $0x1;
	s10 =	sld [smem:$0x3FB3];
	_ =	sdelay $0x3  }
0x37: {  	[smem:$0x3FB3] =	sst s10  }
0x38: {  	s10 =	sld [smem:$0x3FB4]  }
0x39: {  	_ = 	snop;
	(pc) =	sbr.ind lr, $3  }
0x3a: {  	_ = 	snop  }
0x3b: {  	_ = 	snop  }
0x3c: {  	p2 =	seq.s32 s10, $0x1;
	s10 =	sld [smem:$0x3FB3]  }
0x3d: {  	_ =	shalt  }
0x3e: {  	_ =	shalt  }
0x3f: {  	_ =	shalt  }
0x40: {  	_ =	shalt  }
0x41: {  	_ =	shalt  }
0x42: {  	_ =	shalt  }
0x43: {  	_ =	shalt  }
0x44: {  	_ =	shalt  }
0x45: {  	_ =	shalt  }
0x46: {  	_ =	shalt  }
0x47: {  	_ =	shalt  }
0x48: {  	_ =	shalt  }
0x49: {  	_ =	shalt  }
0x4a: {  	_ =	shalt  }
0x4b: {  	_ =	shalt  }
0x4c: {  	_ =	shalt  }
0x4d: {  	_ =	shalt  }
0x4e: {  	_ =	shalt  }
0x4f: {  	_ =	shalt  }
0x50: {  	_ =	shalt  }
0x51: {  	_ =	shalt  }
0x52: {  	_ =	shalt  }
0x53: {  	_ =	shalt  }
0x54: {  	_ =	shalt  }
0x55: {  	_ =	shalt  }
0x56: {  	_ =	shalt  }
0x57: {  	_ =	shalt  }
0x58: {  	_ =	shalt  }
0x59: {  	_ =	shalt  }
0x5a: {  	_ =	shalt  }
0x5b: {  	_ =	shalt  }
0x5c: {  	_ =	shalt  }
0x5d: {  	_ =	shalt  }
0x5e: {  	_ =	shalt  }
0x5f: {  	_ =	shalt  }
0x60: {  	_ =	shalt  }
0x61: {  	_ =	shalt  }
0x62: {  	_ =	shalt  }
0x63: {  	_ =	shalt  }
0x64: {  	_ =	shalt  }
0x65: {  	_ =	shalt  }
0x66: {  	_ =	shalt  }
0x67: {  	_ =	shalt  }
0x68: {  	_ =	shalt  }
0x69: {  	_ =	shalt  }
0x6a: {  	_ =	shalt  }
0x6b: {  	_ =	shalt  }
0x6c: {  	_ =	shalt  }
0x6d: {  	_ =	shalt  }
0x6e: {  	_ =	shalt  }
0x6f: {  	_ =	shalt  }
0x70: {  	_ =	shalt  }
0x71: {  	_ =	shalt  }
0x72: {  	_ =	shalt  }
0x73: {  	_ =	shalt  }
0x74: {  	_ =	shalt  }
0x75: {  	_ =	shalt  }
0x76: {  	_ =	shalt  }
0x77: {  	_ =	shalt  }
0x78: {  	_ =	shalt  }
0x79: {  	_ =	shalt  }
0x7a: {  	_ =	shalt  }
0x7b: {  	_ =	shalt  }
0x7c: {  	_ =	shalt  }
0x7d: {  	_ =	shalt  }
0x7e: {  	_ =	shalt  }
0x7f: {  	_ =	shalt  }
0x80: {  	_ =	shalt  }
0x81: {  	_ =	shalt  }
0x82: {  	_ =	shalt  }
0x83: {  	_ =	shalt  }
0x84: {  	_ =	shalt  }
0x85: {  	_ =	shalt  }
0x86: {  	_ =	shalt  }
0x87: {  	_ =	shalt  }
.Lfunc_end0:
.L_simem_size_0:
called_computation_lowered:
.L_overlay_start_0:
0x88: {  	s2 =	sld [smem:$0x3FD9]  }
0x89: {  	s3 =	sld [smem:$0x3FFE];
	_ =	sdelay $0x1  }
0x8a: {  	s1 =	srdreg.scid  }
0x8b: {  	s0 =	sand.u32 $0x1, s1  }
0x8c: {  	s17 =	sshll.u32 s0, $0xA;
	s2 =	sadd.s32 s3, s2  }
0x8d: {  	s2 =	sadd.s32 s2, s17  }
0x8e: {  	[smem:$0x3FBF] =	sst s2  }
0x8f: {  	_ = 	snop  }
0x90: {  	s2 =	sld [smem:$0x3FD0];
	(tm) =	ssettm $0x1  }
0x91: {  	s18 =	sld [smem:$0x3FFB];
	_ =	sdelay $0x3  }
0x92: {  	_ =	strace s18  }
0x93: {  	s3 =	sld [smem:$0x3FFC];
	_ =	sdelay $0x3  }
0x94: {  	_ =	strace s3  }
0x95: {  	s3 =	sld [smem:$0x3FFD];
	_ =	sdelay $0x3  }
0x96: {  	_ =	strace s3  }
0x97: {  	_ =	strace $0x8FFFFFFF  }
0x98: {  	s19 =	sld [smem:$0x3FDB];
	_ =	sdelay $0x1  }
0x99: {  	s4 =	simm.s32 $_scs_section_size  }
0x9a: {  	s5 =	simm.s32 $_size__tile_overlayer_lowered;
	s6 =	simm.s32 $_tile_overlayer_lowered  }
0x9b: {  	s22 =	simm.s32 $0x1BFF;
	s21 =	sshll.u32 s6, $0x1;
	s3 =	sadd.s32 s4, s19  }
0x9c: {  	s7 =	simm.s32 $0x0;
	s20 =	sshll.u32 s5, $0x1;
	s5 =	sadd.s32 s21, s3  }
0x9d: {  	[timem:s7], [sflag:s22] =	dma.local [hbm:s5], s20  }
0x9e: {  	_ =	swait.ge [sflag:s22], s20  }
0x9f: {  	s4 =	ssub.s32 $0x0, s20;
	[sflag:s22] =	ssyncset.done $0x0  }
0xa0: {  	[sflag:s22] =	ssyncadd.s32 s4;
	_ =	sdelay $0x1  }
0xa1: {  	s23 =	simm.s32 $0x1B8B  }
0xa2: {  	_ =	swait.ge [sflag:s23], $0x1  }
0xa3: {  	[sflag:s23] =	ssyncset.done $0x0  }
0xa4: {  	s25 =	simm.s32 $0x1B8E;
	s24 =	sld [smem:$0x3FFE];
	[sflag:s23] =	ssyncadd.s32 $0xFFFFFFFF  }
0xa5: {  	s26 =	simm.s32 $execute0_lowered;
	[smem:$0x3FD2] =	sst s25  }
0xa6: {  	s5 =	sshll.u32 s26, $0x1;
	_ =	strace $0x80000046;
	[dreg:$0x1] =	wrdreg $0xFFFFFFFF  }
0xa7: {  	s28 =	simm.s32 $_size_execute0_lowered;
	s3 =	sadd.s32 s3, s5;
	[dreg:$0x0] =	wrdreg $0x0  }
0xa8: {  	s5 =	sshll.u32 s28, $0x1;
	[dreg:$0x2] =	wrdreg s3  }
0xa9: {  	[dreg:$0x3] =	wrdreg s5  }
0xaa: {  	[dreg:$0x4] =	wrdreg $0xC0  }
0xab: {  	_ =	task [dreg:s7], $0x5FFFF  }
0xac: {  	[dreg:$0x1] =	wrdreg $0xFFFFFFFF  }
0xad: {  	[dreg:$0x0] =	wrdreg $0x60  }
0xae: {  	[dreg:$0x2] =	wrdreg s24  }
0xaf: {  	[dreg:$0x3] =	wrdreg s2  }
0xb0: {  	[dreg:$0x4] =	wrdreg $0x60000  }
0xb1: {  	[dreg:$0x5] =	wrdreg $0x9  }
0xb2: {  	_ =	task.clear_ibuf [dreg:s7], $0x6FFFF;
	_ =	strace $0x90000046  }
0xb3: {  	s29 =	simm.s32 $0x9;
	_ =	strace $0x80000048  }
0xb4: {  	_ =	swait.ge [sflag:s29], $0x1  }
0xb5: {  	[sflag:s29] =	ssyncadd.s32 $0xFFFFFFFF  }
0xb6: {  	_ =	strace $0x90000048  }
0xb7: {  	_ =	sfence  }
0xb8: {  	s30 =	sld [smem:$0x0];
	_ =	sdelay $0x2  }
0xb9: {  	s31 =	sshll.u32 s1, $0xD;
	s1 =	sshrl.u32 s1, $0x2  }
0xba: {  	s3 =	sand.u32 $0x4000, s31;
	s1 =	sadd.s32 s1, s30  }
0xbb: {  	s0 =	sor.u32 s3, s0;
	s1 =	sshll.u32 s1, $0x11  }
0xbc: {  	s0 =	sor.u32 s1, s0  }
0xbd: {  	s0 =	sadd.s32 $0x8F2B, s0  }
0xbe: {  	[sflag:s0] =	ssyncadd.remote.s32 $0x1  }
0xbf: {  	_ =	sfence.sel $0xFFFF  }
0xc0: {  	[dreg:$0x0] =	wrdreg $0xFFFFFFFF;
	(pc) =	sbr.abs _section_cstart, $3  }
0xc1: {  	[dreg:$0x1] =	wrdreg $0xFFFFFFFF  }
0xc2: {  	_ =	task.clear_ibuf [dreg:s7], $0x2FFFF;
	_ =	strace $0x9FFFFFFF  }
0xc3: {  	(tm) =	ssettm $0x7FFFFFFF  }
tec
execute0_lowered:
.L_overlay_start_1:
0x0: {  	(tag) =	ssettag $0x1  }
0x1: {  	s4 =	rddreg [dreg:$0x0]  }
0x2: {  	s7 =	rddreg [dreg:$0x1]  }
0x3: {  	s2 =	rddreg [dreg:$0x2]  }
0x4: {  	s0 =	rddreg [dreg:$0x3];
	s1 =	stileid.u32  }
0x5: {  	s5 =	srdreg.scid;
	s3 =	simm.s32 $0x0;
	s8 =	smul.u32 $0x1900, s1  }
0x6: {  	s16 =	simm.s32 $0x1;
	s17 =	simm.s32 $0x4000;
	s10 =	smul.u32 $0xC800, s1  }
0x7: {  	s18 =	simm.s32 $0x5000;
	s19 =	simm.s32 $0x3;
	s13 =	smul.u32 $0x64000, s1  }
0x8: {  	s5 =	sand.u32 $0x1, s5;
	[smem:$0x7FF] =	sst s3;
	s21 =	smul.u32 $0x3200, s1  }
0x9: {  	s11 =	sadd.s32 $0x265000, s4;
	s6 =	smul.u32 $0x32000, s5;
	s9 =	ssub.s32 $0x2, s5  }
0xa: {  	_ =	strace $0x80000047;
	s30 =	smul.u32 $0x30D48, s5;
	s12 =	sshrl.u32 s9, $0x1  }
0xb: {  	s14 =	sadd.s32 s8, s4;
	s28 =	sshrl.u32 s13, $0x2;
	s29 =	sshrl.u32 s10, $0x3  }
0xc: {  	s31 =	sadd.s32 s8, s11;
	s13 =	simm.s32 $0x1000;
	s15 =	sadd.s32 s6, s4  }
0xd: {  	s9 =	ssub.s32 s9, s12;
	s4 =	sadd.s32 s28, s2;
	s5 =	sadd.s32 s11, s29  }
0xe: {  	s6 =	sadd.s32 $0x24C000, s14;
	s7 =	sadd.s32 s7, s30;
	s10 =	sadd.s32 $0x100, s31  }
0xf: {  	s11 =	simm.s32 $0x2000;
	s12 =	simm.s32 $0x4;
	s20 =	sadd.s32 $0x27E000, s15  }
0x10: {  	s8 =	smax.u32 s9, $0x1;
	s9 =	sadd.s32 $0x24C100, s14;
	s14 =	simm.s32 $0x80  }
0x11: {  	v0 =	vimm.f32 $0.0e+00;
	s15 =	simm.s32 $0x3000;
	s20 =	sadd.s32 s20, s21;
	s21 =	simm.s32 $0x0  }
.LBB2_1:
0x12: {  	s22 =	simm.s32 $0x0  }
.LBB2_2:
0x13: {  	p0 =	sne.s32 s22, $0x3F80  }
.Ltmp0:
0x14: {  	_ = 	snop;
	(pc) =	sbr.rel @p0 .LBB2_2-.Ltmp0, $4  }
0x15: {  	_ = 	snop  }
0x16: {  	s23 =	sshra.s32 s22, $0x2  }
0x17: {  	[tilespmem:s23+$0x2000] =	vst v0  }
0x18: {  	s22 =	sadd.s32 $0x80, s22;
	[tilespmem:s23+$0x2010] =	vst v0  }
0x19: {  	s22 =	sadd.s32 $0x0, s4  }
0x1a: {  	[spmem:s22] =	stream.linear.scatter [tilespmem:s11], [sflag:$0x4], $0x1000, $0x38;
	[tilespmem:$0x1F000] =	vst v63  }
0x1b: {  	s22 =	simm.s32 $0x4000;
	_ =	swait.ge [sflag:s12], $0x1000  }
.LBB2_4:
0x1c: {  	s23 =	sshra.s32 s22, $0x2;
	[sflag:s12] =	ssyncset.done $0x0;
	p0 =	sne.s32 s22, $0x60000  }
.Ltmp1:
0x1d: {  	s23 =	sadd.s32 s23, s4;
	[sflag:s12] =	ssyncadd.s32 $0xFFFFF000;
	(pc) =	sbr.rel @p0 .LBB2_4-.Ltmp1, $3  }
0x1e: {  	[spmem:s23] =	stream.linear.scatter [tilespmem:s11], [sflag:$0x4], $0x1000, $0x38;
	[tilespmem:$0x1F000] =	vst v63  }
0x1f: {  	s22 =	sadd.s32 $0x4000, s22;
	_ =	sdelay $0x1  }
0x20: {  	_ =	swait.ge [sflag:s12], $0x1000  }
0x21: {  	[sflag:s12] =	ssyncset.done $0x0  }
0x22: {  	[sflag:s12] =	ssyncadd.s32 $0xFFFFF000  }
0x23: {  	s22 =	simm.s32 $0x0;
	[bflag:$0x0] =	sbarrier.arrive $0xFFFF  }
0x24: {  	[tilespmem:s22], [sflag:$0x4] =	stream.linear.gather [hbm4b:s5+s22], $0x800, $0x38;
	[tilespmem:$0x1F000] =	vst v63  }
0x25: {  	_ =	swait.ge [sflag:s12], $0x800  }
0x26: {  	[sflag:s12] =	ssyncset.done $0x0  }
0x27: {  	[sflag:s12] =	ssyncadd.s32 $0xFFFFF800  }
0x28: {  	[tilespmem:s13], [sflag:$0x4] =	stream.linear.gather [hbm4b:s6+s22], $0x800, $0x38;
	[tilespmem:$0x1F000] =	vst v63  }
0x29: {  	_ =	swait.ge [sflag:s12], $0x800  }
.Ltmp2:
0x2a: {  	[sflag:s12] =	ssyncset.done $0x0;
	(pc) =	sbr.rel .LBB2_6-.Ltmp2, $4  }
0x2b: {  	[sflag:s12] =	ssyncadd.s32 $0xFFFFF800  }
0x2c: {  	[tilespmem:s11], [sflag:$0x1] =	stream.indirect.gather [hbm4b:s7+s14], $0x20, s22, s14, $0xb8;
	[tilespmem:$0x1F000] =	vst v63  }
0x2d: {  	s23 =	simm.s32 $0x0  }
0x2e: {  	[tilespmem:s15], [sflag:$0x1] =	stream.indirect.gather [hbm4b:s7+s14], $0x20, s14, s14, $0xb8;
	[tilespmem:$0x1F000] =	vst v63  }
.LBB2_8:
0x2f: {  	_ =	swait.ge [sflag:s19], $0x1000  }
0x30: {  	s24 =	simm.s32 @p0 $0x0;
	[sflag:s19] =	ssyncset.done $0x0  }
0x31: {  	s25 =	simm.s32 @p0 $0x1;
	p1 =	por $0x0, $0x0;
	[sflag:s19] =	ssyncadd.s32 $0xFFFFF000  }
.LBB2_9:
0x32: {  	s26 =	sadd.s32 $0x100, s24  }
0x33: {  	[tilespmem:s17], [sflag:$0x1] =	stream.indirect.gather [hbm4b:s7+s14], $0x20, s26, s14, $0xb8;
	[tilespmem:$0x1F000] =	vst v63  }
0x34: {  	_ =	swait.ge [sflag:s16], $0x1000  }
0x35: {  	[sflag:s16] =	ssyncset.done $0x0  }
0x36: {  	s28 =	sor.u32 $0x1000, s24;
	s26 =	simm.s32 @!p1 $0x3;
	[sflag:s16] =	ssyncadd.s32 $0xFFFFF000  }
0x37: {  	[spmem:s2] =	stream.indirect.scatter.add.f32 [tilespmem:s11], [sflag:$0x3], $0x20, s28, s14, $0xb8;
	[tilespmem:$0x1F000] =	vst v63  }
0x38: {  	_ =	swait.ge @!p1 [sflag:s26], $0x1000  }
0x39: {  	[sflag:s26] =	ssyncset.done @!p1 $0x0  }
0x3a: {  	s29 =	sadd.s32 $0x180, s24;
	[sflag:s26] =	ssyncadd.s32 @!p1 $0xFFFFF000  }
0x3b: {  	[tilespmem:s18], [sflag:$0x1] =	stream.indirect.gather [hbm4b:s7+s14], $0x20, s29, s14, $0xb8;
	[tilespmem:$0x1F000] =	vst v63  }
0x3c: {  	_ =	swait.ge [sflag:s16], $0x1000  }
0x3d: {  	[sflag:s16] =	ssyncset.done $0x0  }
0x3e: {  	s30 =	sadd.s32 $0x1080, s24;
	[sflag:s16] =	ssyncadd.s32 $0xFFFFF000  }
0x3f: {  	[spmem:s2] =	stream.indirect.scatter.add.f32 [tilespmem:s15], [sflag:$0x3], $0x20, s30, s14, $0xb8;
	[tilespmem:$0x1F000] =	vst v63  }
0x40: {  	_ =	swait.ge [sflag:s19], $0x1000  }
0x41: {  	[sflag:s19] =	ssyncset.done $0x0  }
0x42: {  	s31 =	sadd.s32 $0x200, s24;
	[sflag:s19] =	ssyncadd.s32 $0xFFFFF000  }
0x43: {  	[tilespmem:s11], [sflag:$0x1] =	stream.indirect.gather [hbm4b:s7+s14], $0x20, s31, s14, $0xb8;
	[tilespmem:$0x1F000] =	vst v63  }
0x44: {  	_ =	swait.ge [sflag:s16], $0x1000  }
0x45: {  	[sflag:s16] =	ssyncset.done $0x0  }
0x46: {  	s28 =	sadd.s32 $0x1100, s24;
	[sflag:s16] =	ssyncadd.s32 $0xFFFFF000  }
0x47: {  	[spmem:s2] =	stream.indirect.scatter.add.f32 [tilespmem:s17], [sflag:$0x3], $0x20, s28, s14, $0xb8;
	[tilespmem:$0x1F000] =	vst v63  }
0x48: {  	_ =	swait.ge [sflag:s19], $0x1000  }
0x49: {  	[sflag:s19] =	ssyncset.done $0x0  }
0x4a: {  	s29 =	sadd.s32 $0x280, s24;
	[sflag:s19] =	ssyncadd.s32 $0xFFFFF000  }
0x4b: {  	[tilespmem:s15], [sflag:$0x1] =	stream.indirect.gather [hbm4b:s7+s14], $0x20, s29, s14, $0xb8;
	[tilespmem:$0x1F000] =	vst v63  }
0x4c: {  	_ =	swait.ge [sflag:s16], $0x1000  }
0x4d: {  	[sflag:s16] =	ssyncset.done $0x0  }
0x4e: {  	s30 =	sadd.s32 $0x1180, s24;
	[sflag:s16] =	ssyncadd.s32 $0xFFFFF000  }
0x4f: {  	[spmem:s2] =	stream.indirect.scatter.add.f32 [tilespmem:s18], [sflag:$0x3], $0x20, s30, s14, $0xb8;
	[tilespmem:$0x1F000] =	vst v63  }
0x50: {  	_ =	swait.ge [sflag:s19], $0x1000  }
0x51: {  	[sflag:s19] =	ssyncset.done $0x0  }
0x52: {  	s31 =	sadd.s32 $0x300, s24;
	[sflag:s19] =	ssyncadd.s32 $0xFFFFF000  }
0x53: {  	[tilespmem:s17], [sflag:$0x1] =	stream.indirect.gather [hbm4b:s7+s14], $0x20, s31, s14, $0xb8;
	[tilespmem:$0x1F000] =	vst v63  }
0x54: {  	_ =	swait.ge [sflag:s16], $0x1000  }
0x55: {  	[sflag:s16] =	ssyncset.done $0x0  }
0x56: {  	s28 =	sadd.s32 $0x1200, s24;
	[sflag:s16] =	ssyncadd.s32 $0xFFFFF000  }
0x57: {  	[spmem:s2] =	stream.indirect.scatter.add.f32 [tilespmem:s11], [sflag:$0x3], $0x20, s28, s14, $0xb8;
	[tilespmem:$0x1F000] =	vst v63  }
0x58: {  	_ =	swait.ge [sflag:s19], $0x1000  }
0x59: {  	[sflag:s19] =	ssyncset.done $0x0  }
0x5a: {  	s29 =	sadd.s32 $0x380, s24;
	[sflag:s19] =	ssyncadd.s32 $0xFFFFF000  }
0x5b: {  	[tilespmem:s18], [sflag:$0x1] =	stream.indirect.gather [hbm4b:s7+s14], $0x20, s29, s14, $0xb8;
	[tilespmem:$0x1F000] =	vst v63  }
0x5c: {  	_ =	swait.ge [sflag:s16], $0x1000  }
0x5d: {  	[sflag:s16] =	ssyncset.done $0x0  }
0x5e: {  	s30 =	sadd.s32 $0x1280, s24;
	[sflag:s16] =	ssyncadd.s32 $0xFFFFF000  }
0x5f: {  	[spmem:s2] =	stream.indirect.scatter.add.f32 [tilespmem:s15], [sflag:$0x3], $0x20, s30, s14, $0xb8;
	[tilespmem:$0x1F000] =	vst v63  }
0x60: {  	_ =	swait.ge [sflag:s19], $0x1000  }
0x61: {  	[sflag:s19] =	ssyncset.done $0x0  }
0x62: {  	s31 =	sadd.s32 $0x400, s24;
	[sflag:s19] =	ssyncadd.s32 $0xFFFFF000  }
0x63: {  	[tilespmem:s11], [sflag:$0x1] =	stream.indirect.gather [hbm4b:s7+s14], $0x20, s31, s14, $0xb8;
	[tilespmem:$0x1F000] =	vst v63  }
0x64: {  	_ =	swait.ge [sflag:s16], $0x1000  }
0x65: {  	[sflag:s16] =	ssyncset.done $0x0  }
0x66: {  	s28 =	sadd.s32 $0x1300, s24;
	[sflag:s16] =	ssyncadd.s32 $0xFFFFF000  }
0x67: {  	[spmem:s2] =	stream.indirect.scatter.add.f32 [tilespmem:s17], [sflag:$0x3], $0x20, s28, s14, $0xb8;
	[tilespmem:$0x1F000] =	vst v63  }
0x68: {  	_ =	swait.ge [sflag:s19], $0x1000  }
0x69: {  	[sflag:s19] =	ssyncset.done $0x0  }
0x6a: {  	s29 =	sadd.s32 $0x480, s24;
	[sflag:s19] =	ssyncadd.s32 $0xFFFFF000  }
0x6b: {  	[tilespmem:s15], [sflag:$0x1] =	stream.indirect.gather [hbm4b:s7+s14], $0x20, s29, s14, $0xb8;
	[tilespmem:$0x1F000] =	vst v63  }
0x6c: {  	_ =	swait.ge [sflag:s16], $0x1000  }
0x6d: {  	[sflag:s16] =	ssyncset.done $0x0  }
0x6e: {  	s30 =	sadd.s32 $0x1380, s24;
	[sflag:s16] =	ssyncadd.s32 $0xFFFFF000  }
0x6f: {  	[spmem:s2] =	stream.indirect.scatter.add.f32 [tilespmem:s18], [sflag:$0x3], $0x20, s30, s14, $0xb8;
	[tilespmem:$0x1F000] =	vst v63  }
0x70: {  	_ =	swait.ge [sflag:s19], $0x1000  }
0x71: {  	[sflag:s19] =	ssyncset.done $0x0  }
0x72: {  	s31 =	sadd.s32 $0x500, s24;
	[sflag:s19] =	ssyncadd.s32 $0xFFFFF000  }
0x73: {  	[tilespmem:s17], [sflag:$0x1] =	stream.indirect.gather [hbm4b:s7+s14], $0x20, s31, s14, $0xb8;
	[tilespmem:$0x1F000] =	vst v63  }
0x74: {  	_ =	swait.ge [sflag:s16], $0x1000  }
0x75: {  	[sflag:s16] =	ssyncset.done $0x0  }
0x76: {  	s28 =	sadd.s32 $0x1400, s24;
	[sflag:s16] =	ssyncadd.s32 $0xFFFFF000  }
0x77: {  	[spmem:s2] =	stream.indirect.scatter.add.f32 [tilespmem:s11], [sflag:$0x3], $0x20, s28, s14, $0xb8;
	[tilespmem:$0x1F000] =	vst v63  }
0x78: {  	_ =	swait.ge [sflag:s19], $0x1000  }
0x79: {  	[sflag:s19] =	ssyncset.done $0x0  }
0x7a: {  	s29 =	sadd.s32 $0x580, s24;
	[sflag:s19] =	ssyncadd.s32 $0xFFFFF000  }
0x7b: {  	[tilespmem:s18], [sflag:$0x1] =	stream.indirect.gather [hbm4b:s7+s14], $0x20, s29, s14, $0xb8;
	[tilespmem:$0x1F000] =	vst v63  }
0x7c: {  	_ =	swait.ge [sflag:s16], $0x1000  }
0x7d: {  	[sflag:s16] =	ssyncset.done $0x0  }
0x7e: {  	s30 =	sadd.s32 $0x1480, s24;
	[sflag:s16] =	ssyncadd.s32 $0xFFFFF000  }
0x7f: {  	[spmem:s2] =	stream.indirect.scatter.add.f32 [tilespmem:s15], [sflag:$0x3], $0x20, s30, s14, $0xb8;
	[tilespmem:$0x1F000] =	vst v63  }
0x80: {  	_ =	swait.ge [sflag:s19], $0x1000  }
0x81: {  	[sflag:s19] =	ssyncset.done $0x0  }
0x82: {  	s31 =	sadd.s32 $0x600, s24;
	[sflag:s19] =	ssyncadd.s32 $0xFFFFF000  }
0x83: {  	[tilespmem:s11], [sflag:$0x1] =	stream.indirect.gather [hbm4b:s7+s14], $0x20, s31, s14, $0xb8;
	[tilespmem:$0x1F000] =	vst v63  }
0x84: {  	_ =	swait.ge [sflag:s16], $0x1000  }
0x85: {  	[sflag:s16] =	ssyncset.done $0x0  }
0x86: {  	s28 =	sadd.s32 $0x1500, s24;
	[sflag:s16] =	ssyncadd.s32 $0xFFFFF000  }
0x87: {  	[spmem:s2] =	stream.indirect.scatter.add.f32 [tilespmem:s17], [sflag:$0x3], $0x20, s28, s14, $0xb8;
	[tilespmem:$0x1F000] =	vst v63  }
0x88: {  	_ =	swait.ge [sflag:s19], $0x1000  }
0x89: {  	[sflag:s19] =	ssyncset.done $0x0  }
0x8a: {  	s29 =	sadd.s32 $0x680, s24;
	[sflag:s19] =	ssyncadd.s32 $0xFFFFF000  }
0x8b: {  	[tilespmem:s15], [sflag:$0x1] =	stream.indirect.gather [hbm4b:s7+s14], $0x20, s29, s14, $0xb8;
	[tilespmem:$0x1F000] =	vst v63  }
0x8c: {  	_ =	swait.ge [sflag:s16], $0x1000  }
0x8d: {  	[sflag:s16] =	ssyncset.done $0x0  }
0x8e: {  	s30 =	sadd.s32 $0x1580, s24;
	[sflag:s16] =	ssyncadd.s32 $0xFFFFF000  }
0x8f: {  	[spmem:s2] =	stream.indirect.scatter.add.f32 [tilespmem:s18], [sflag:$0x3], $0x20, s30, s14, $0xb8;
	[tilespmem:$0x1F000] =	vst v63  }
0x90: {  	_ =	swait.ge [sflag:s19], $0x1000  }
0x91: {  	[sflag:s19] =	ssyncset.done $0x0  }
0x92: {  	s31 =	sadd.s32 $0x700, s24;
	[sflag:s19] =	ssyncadd.s32 $0xFFFFF000  }
0x93: {  	[tilespmem:s17], [sflag:$0x1] =	stream.indirect.gather [hbm4b:s7+s14], $0x20, s31, s14, $0xb8;
	[tilespmem:$0x1F000] =	vst v63  }
0x94: {  	_ =	swait.ge [sflag:s16], $0x1000  }
0x95: {  	[sflag:s16] =	ssyncset.done $0x0  }
0x96: {  	s28 =	sadd.s32 $0x1600, s24;
	[sflag:s16] =	ssyncadd.s32 $0xFFFFF000  }
0x97: {  	[spmem:s2] =	stream.indirect.scatter.add.f32 [tilespmem:s11], [sflag:$0x3], $0x20, s28, s14, $0xb8;
	[tilespmem:$0x1F000] =	vst v63  }
0x98: {  	_ =	swait.ge [sflag:s19], $0x1000  }
0x99: {  	[sflag:s19] =	ssyncset.done $0x0  }
0x9a: {  	s29 =	sadd.s32 $0x780, s24;
	[sflag:s19] =	ssyncadd.s32 $0xFFFFF000  }
0x9b: {  	[tilespmem:s18], [sflag:$0x1] =	stream.indirect.gather [hbm4b:s7+s14], $0x20, s29, s14, $0xb8;
	[tilespmem:$0x1F000] =	vst v63  }
0x9c: {  	_ =	swait.ge [sflag:s16], $0x1000  }
0x9d: {  	[sflag:s16] =	ssyncset.done $0x0  }
0x9e: {  	s30 =	sadd.s32 $0x1680, s24;
	[sflag:s16] =	ssyncadd.s32 $0xFFFFF000  }
0x9f: {  	[spmem:s2] =	stream.indirect.scatter.add.f32 [tilespmem:s15], [sflag:$0x3], $0x20, s30, s14, $0xb8;
	[tilespmem:$0x1F000] =	vst v63  }
0xa0: {  	_ =	swait.ge [sflag:s19], $0x1000  }
0xa1: {  	[sflag:s19] =	ssyncset.done $0x0  }
0xa2: {  	s26 =	simm.s32 @p0 $0x1;
	[sflag:s19] =	ssyncadd.s32 $0xFFFFF000  }
0xa3: {  	_ =	swait.ge @p0 [sflag:s26], $0x1000  }
0xa4: {  	s28 =	simm.s32 @p0 $0x80;
	[sflag:s26] =	ssyncset.done @p0 $0x0  }
0xa5: {  	s29 =	simm.s32 @p0 $0x4000;
	[sflag:s26] =	ssyncadd.s32 @p0 $0xFFFFF000;
	s26 =	sadd.s32 @p0 $0x1700, s24  }
0xa6: {  	[spmem:s2] =	stream.indirect.scatter.add.f32 @p0 [tilespmem:s29], [sflag:$0x3], $0x20, s26, s28, $0xb8;
	[tilespmem:$0x1F000] =	vst v63  }
0xa7: {  	s26 =	simm.s32 @p0 $0x3  }
0xa8: {  	_ =	swait.ge @p0 [sflag:s26], $0x1000  }
0xa9: {  	[sflag:s26] =	ssyncset.done @p0 $0x0  }
0xaa: {  	[sflag:s26] =	ssyncadd.s32 @p0 $0xFFFFF000;
	s26 =	simm.s32 @!p0 $0x2  }
0xab: {  	_ =	swait.ge @!p0 [sflag:s26], $0x800  }
0xac: {  	[sflag:s26] =	ssyncset.done @!p0 $0x0  }
0xad: {  	[sflag:s26] =	ssyncadd.s32 @!p0 $0xFFFFF800  }
0xae: {  	_ =	swait.ge @!p0 [sflag:s26], $0x800  }
0xaf: {  	s25 =	sshll.u32 @!p0 s25, $0xB;
	[sflag:s26] =	ssyncset.done @!p0 $0x0  }
0xb0: {  	s28 =	simm.s32 @!p0 $0x2000;
	[sflag:s26] =	ssyncadd.s32 @!p0 $0xFFFFF800;
	s26 =	simm.s32 @!p0 $0x80  }
0xb1: {  	[tilespmem:s28], [sflag:$0x1] =	stream.indirect.gather @!p0 [hbm4b:s7+s26], $0x20, s25, s26, $0xb8;
	[tilespmem:$0x1F000] =	vst v63  }
0xb2: {  	s28 =	simm.s32 @!p0 $0x1  }
0xb3: {  	_ =	swait.ge @!p0 [sflag:s28], $0x1000  }
0xb4: {  	[sflag:s28] =	ssyncset.done @!p0 $0x0  }
0xb5: {  	s29 =	simm.s32 @!p0 $0x4000;
	[sflag:s28] =	ssyncadd.s32 @!p0 $0xFFFFF000;
	s28 =	sadd.s32 @!p0 $0x1700, s24  }
0xb6: {  	[spmem:s2] =	stream.indirect.scatter.add.f32 @!p0 [tilespmem:s29], [sflag:$0x3], $0x20, s28, s26, $0xb8;
	[tilespmem:$0x1F000] =	vst v63  }
0xb7: {  	s28 =	simm.s32 @!p0 $0x3  }
0xb8: {  	_ =	swait.ge @!p0 [sflag:s28], $0x1000  }
0xb9: {  	s22 =	sadd.s32 $0x100, s22;
	[sflag:s28] =	ssyncset.done @!p0 $0x0  }
0xba: {  	s25 =	sor.u32 @!p0 $0x80, s25;
	[sflag:s28] =	ssyncadd.s32 @!p0 $0xFFFFF000;
	s28 =	simm.s32 @!p0 $0x3000  }
0xbb: {  	[tilespmem:s28], [sflag:$0x1] =	stream.indirect.gather @!p0 [hbm4b:s7+s26], $0x20, s25, s26, $0xb8;
	[tilespmem:$0x1F000] =	vst v63  }
0xbc: {  	p0 =	sne.s32 s22, $0x1900  }
.Ltmp3:
0xbd: {  	_ = 	snop;
	(pc) =	sbr.rel @!p0 .LBB2_10-.Ltmp3, $4  }
0xbe: {  	_ =	swait.ge [sflag:s16], $0x1000  }
0xbf: {  	[sflag:s16] =	ssyncset.done $0x0  }
0xc0: {  	s23 =	sadd.s32 $0x1, s23;
	s31 =	sadd.s32 $0x1780, s24;
	[sflag:s16] =	ssyncadd.s32 $0xFFFFF000  }
0xc1: {  	[spmem:s2] =	stream.indirect.scatter.add.f32 [tilespmem:s18], [sflag:$0x3], $0x20, s31, s14, $0xb8;
	[tilespmem:$0x1F000] =	vst v63  }
.LBB2_6:
0xc2: {  	p0 =	seq.s32 s22, $0x1800  }
0xc3: {  	p1 =	seq.s32 @!p0 s22, $0x0  }
0xc4: {  	s25 =	sand.u32 @!p0 $0x1, s23;
	p1 =	por p0, !p1  }
.Ltmp4:
0xc5: {  	s24 =	sshll.u32 @!p0 s25, $0xB;
	(pc) =	sbr.rel @p1 .LBB2_8-.Ltmp4, $4  }
0xc6: {  	s28 =	sadd.s32 @!p0 s22, s10;
	s29 =	simm.s32 @!p0 $0x0;
	s26 =	sxor.u32 @!p0 $0x800, s24  }
0xc7: {  	[tilespmem:s26], [sflag:$0x2] =	stream.linear.gather @!p0 [hbm4b:s28+s29], $0x800, $0x38;
	[tilespmem:$0x1F000] =	vst v63  }
0xc8: {  	s25 =	sxor.u32 @!p0 $0x1, s25;
	s26 =	sxor.u32 @!p0 $0x1800, s24;
	s28 =	sadd.s32 @!p0 s22, s9  }
0xc9: {  	[tilespmem:s26], [sflag:$0x2] =	stream.linear.gather @!p0 [hbm4b:s28+s29], $0x800, $0x38;
	[tilespmem:$0x1F000] =	vst v63  }
.Ltmp5:
0xca: {  	(pc) =	sbr.rel .LBB2_9-.Ltmp5, $2  }
0xcb: {  	_ =	sdelay $0x2  }
0xcc: {  	p1 =	por @!p0 $0x1, $0x1  }
.LBB2_10:
0xcd: {  	_ =	swait.ge [sflag:s19], $0x1000  }
0xce: {  	[sflag:s19] =	ssyncset.done $0x0  }
0xcf: {  	[sflag:s19] =	ssyncadd.s32 $0xFFFFF000  }
0xd0: {  	_ =	swait.ge [sflag:s19], $0x1000  }
0xd1: {  	[sflag:s19] =	ssyncset.done $0x0  }
0xd2: {  	[sflag:s19] =	ssyncadd.s32 $0xFFFFF000  }
0xd3: {  	[bflag:$0x0] =	sbarrier.arrive $0xFFFF  }
0xd4: {  	[tilespmem:s11], [sflag:$0x4] =	stream.linear.gather [spmem:s4], $0x1000, $0x38;
	[tilespmem:$0x1F000] =	vst v63  }
0xd5: {  	_ =	swait.ge [sflag:s12], $0x1000  }
0xd6: {  	[sflag:s12] =	ssyncset.done $0x0  }
0xd7: {  	s22 =	sadd.s32 $0x0, s20;
	[sflag:s12] =	ssyncadd.s32 $0xFFFFF000  }
0xd8: {  	[hbm4b:s22+s3] =	stream.linear.scatter [tilespmem:s11], [sflag:$0x4], $0x1000, $0x38;
	[tilespmem:$0x1F000] =	vst v63  }
0xd9: {  	_ =	swait.ge [sflag:s12], $0x1000  }
0xda: {  	s23 =	smov.u32 s4;
	s22 =	simm.s32 $0x200;
	[sflag:s12] =	ssyncset.done $0x0  }
.LBB2_11:
0xdb: {  	p0 =	sne.s32 s22, $0x3000;
	[sflag:s12] =	ssyncadd.s32 $0xFFFFF000;
	s23 =	sadd.s32 $0x1000, s23  }
0xdc: {  	[tilespmem:s11], [sflag:$0x4] =	stream.linear.gather [spmem:s23], $0x1000, $0x38;
	[tilespmem:$0x1F000] =	vst v63  }
0xdd: {  	s24 =	smov.u32 s22;
	s22 =	sadd.s32 $0x200, s22;
	_ =	swait.ge [sflag:s12], $0x1000  }
.Ltmp6:
0xde: {  	[sflag:s12] =	ssyncset.done $0x0;
	(pc) =	sbr.rel @p0 .LBB2_11-.Ltmp6, $4  }
0xdf: {  	s24 =	sadd.s32 s24, s20;
	[sflag:s12] =	ssyncadd.s32 $0xFFFFF000  }
0xe0: {  	[hbm4b:s24+s3] =	stream.linear.scatter [tilespmem:s11], [sflag:$0x4], $0x1000, $0x38;
	[tilespmem:$0x1F000] =	vst v63  }
0xe1: {  	_ =	swait.ge [sflag:s12], $0x1000  }
0xe2: {  	[sflag:s12] =	ssyncset.done $0x0  }
0xe3: {  	s21 =	sadd.s32 $0x1, s21  }
0xe4: {  	p0 =	sne.s32 s21, s8  }
.Ltmp7:
0xe5: {  	_ = 	snop;
	(pc) =	sbr.rel @p0 .LBB2_1-.Ltmp7, $2  }
0xe6: {  	_ =	sdelay $0x2  }
0xe7: {  	[sflag:s12] =	ssyncadd.s32 $0xFFFFF000  }
0xe8: {  	_ =	sfence.sel $0x180000  }
0xe9: {  	[bflag:$0x0] =	sbarrier.arrive $0xFFFF  }
0xea: {  	p0 =	sne.s32 s1, $0x0;
	_ =	strace $0x90000047  }
0xeb: {  	s0 =	sadd.s32 @!p0 $0x100000, s0;
	[bflag:$0x2] =	sbarrier.arrive $0xFFFF  }
0xec: {  	[sflag:s0] =	ssyncadd.tile.s32 @!p0 $0x1;
	_ =	shalt  }
.Lfunc_end2:
_tile_overlayer_lowered:
.L_overlay_start_2:
0xed: {  	(tag) =	ssettag $0x2  }
0xee: {  	s0 =	rddreg [dreg:$0x0];
	s2 =	stileid.u32  }
0xef: {  	s1 =	rddreg [dreg:$0x1];
	p0 =	sne.s32 s2, $0x0  }
0xf0: {  	s3 =	rddreg [dreg:$0x2];
	[bflag:$0x3] =	sbarrier.arrive $0xFFFF;
	s2 =	simm.s32 @!p0 $0x1C04  }
0xf1: {  	[timem:s3], [sflag:s2] =	dma.local @!p0 [hbm:s0], s1  }
0xf2: {  	s0 =	simm.s32 @!p0 $0x4  }
0xf3: {  	_ =	swait.ge @!p0 [sflag:s0], s1  }
0xf4: {  	s1 =	ssub.s32 @!p0 $0x0, s1;
	[sflag:s0] =	ssyncset.done @!p0 $0x0  }
0xf5: {  	[sflag:s0] =	ssyncadd.s32 @!p0 s1  }
0xf6: {  	[bflag:$0x3] =	sbarrier.arrive $0xFFFF  }
0xf7: {  	_ =	shalt  }

</sc_bundles>
